<compile_context>
chip_gen: v7x
topology: tpu7x:2x2x1
jax: 0.10.2.dev20260603
libtpu: 0.0.44.dev20260713+nightly
codegen_flags: <defaults>
</compile_context>

<pallas_src>
import functools

import jax
import jax.numpy as jnp
from jax import lax
from jax.experimental import pallas as pl
from jax.experimental.pallas import tpu as pltpu
from jax.experimental.pallas import tpu_sc as plsc

RC = 5.0
W = 1.0
N_TYPES = 2

_NC = 2
_NS = 16
_L = 16


@functools.lru_cache(maxsize=None)
def _make_sc_bond(n_nodes: int, n_edges: int, base: int = 0, count: int | None = None):
    if count is None:
        count = n_edges
    nw = _NC * _NS
    ch = 6400
    assert count % ch == 0 and base % 128 == 0
    n_chunks = count // ch
    max_k = -(-n_chunks // nw)
    mesh = plsc.VectorSubcoreMesh(core_axis_name="c", subcore_axis_name="s")

    @functools.partial(
        pl.kernel,
        mesh=mesh,
        out_type=jax.ShapeDtypeStruct((count,), jnp.int32),
        compiler_params=pltpu.CompilerParams(needs_layout_passes=False),
        scratch_types=[
            pltpu.VMEM((((n_nodes + 127) // 128) * 128,), jnp.int32),
            pltpu.VMEM((2, 2, ch), jnp.int32),
            pltpu.VMEM((2, ch), jnp.int32),
            pltpu.SemaphoreType.DMA,
            pltpu.SemaphoreType.DMA,
            pltpu.SemaphoreType.DMA,
            pltpu.SemaphoreType.DMA,
        ],
    )
    def sc_bond(an_hbm, ei_hbm, out_hbm, an_v, in_v, bo_v, si0, si1, so0, so1):
        wid = lax.axis_index("s") * _NC + lax.axis_index("c")
        sems_in = (si0, si1)
        sems_out = (so0, so1)
        pltpu.sync_copy(an_hbm, an_v.at[pl.ds(0, n_nodes)])

        def start_in(k):
            c = wid + nw * k

            @pl.when(c < n_chunks)
            def _():
                pltpu.async_copy(ei_hbm.at[:, pl.ds(base + c * ch, ch)],
                                 in_v.at[k % 2], sems_in[k % 2])

        start_in(0)
        for k in range(max_k):
            buf = k % 2
            c = wid + nw * k
            if k + 1 < max_k:
                start_in(k + 1)

            @pl.when(c < n_chunks)
            def _():
                pltpu.make_async_copy(ei_hbm.at[:, pl.ds(base + c * ch, ch)],
                                      in_v.at[buf], sems_in[buf]).wait()
                if k >= 2:
                    pltpu.make_async_copy(
                        bo_v.at[buf],
                        out_hbm.at[pl.ds((c - 2 * nw) * ch, ch)],
                        sems_out[buf]).wait()

                @plsc.parallel_loop(0, ch, step=_L, unroll=8)
                def body(i):
                    sl = pl.ds(i, _L)
                    zi = plsc.load_gather(an_v, [in_v[buf, 0, sl]])
                    zj = plsc.load_gather(an_v, [in_v[buf, 1, sl]])
                    bo_v[buf, sl] = zi * N_TYPES + zj
                pltpu.async_copy(bo_v.at[buf],
                                 out_hbm.at[pl.ds(c * ch, ch)], sems_out[buf])

        for k in range(max(0, max_k - 3), max_k):
            buf = k % 2
            c = wid + nw * k

            @pl.when((c < n_chunks) & (c + 2 * nw >= n_chunks))
            def _():
                pltpu.make_async_copy(bo_v.at[buf],
                                      out_hbm.at[pl.ds(c * ch, ch)],
                                      sems_out[buf]).wait()

    return sc_bond


def _tc_edge_body(rij_ref, bond_ref, a1_ref, a2_ref, bl_ref, out_ref):
    be = rij_ref.shape[0]
    rij = rij_ref[...].reshape(1, be)
    b = bond_ref[...].reshape(1, be)
    rows = lax.broadcasted_iota(jnp.int32, (8, be), 0)
    w_oh = (rows == b).astype(jnp.float32)
    fcut = 1.0 / (1.0 + jnp.exp((rij - RC + 5.0 * W) / W))
    a1f = jnp.dot(a1_ref[...], w_oh * fcut,
                  preferred_element_type=jnp.float32)
    a2p = jnp.dot(jnp.abs(a2_ref[...]) + 1.0, w_oh,
                  preferred_element_type=jnp.float32)
    bl0 = bl_ref[0, 0]
    bl1 = bl_ref[0, 1]
    s = ((b >> 1) + (b & 1)).astype(jnp.float32)
    r0 = bl0 + 0.5 * s * (bl1 - bl0)
    x = jnp.log(r0 / rij)
    out_t = a1f * jnp.exp(a2p * x)
    out_ref[...] = out_t[:out_ref.shape[0], :]


def _tc_edge_body_alias(rij_ref, bond_ref, a1_ref, a2_ref, bl_ref, prev_ref,
                        out_ref):
    del prev_ref
    _tc_edge_body(rij_ref, bond_ref, a1_ref, a2_ref, bl_ref, out_ref)


def _tc_node_body(z_ref, o_ref, out_ref):
    bn = z_ref.shape[0]
    z = z_ref[...].reshape(1, bn).astype(jnp.float32)
    c0 = o_ref[:, 0:1]
    c1 = o_ref[:, 1:2]
    nf_t = c0 + z * (c1 - c0)
    out_ref[...] = nf_t[:out_ref.shape[0], :]


def kernel(atomic_numbers, edge_index, edge_length, hopping_param,
           onsite_param, bond_length_list):
    n_nodes = atomic_numbers.shape[0]
    n_edges = edge_index.shape[1]
    edge_me = hopping_param.shape[1]
    node_me = onsite_param.shape[1]

    an = atomic_numbers.astype(jnp.int32)
    ei = edge_index.astype(jnp.int32)

    be = 102400
    nblk_a = 8
    split = nblk_a * be
    bond_a = _make_sc_bond(n_nodes, n_edges, 0, split)(an, ei)
    bond_b = _make_sc_bond(n_nodes, n_edges, split, n_edges - split)(an, ei)

    a1t = jnp.zeros((16, 8), jnp.float32).at[:edge_me, :4].set(
        hopping_param[:, :, 0].T)
    a2t = jnp.zeros((16, 8), jnp.float32).at[:edge_me, :4].set(
        hopping_param[:, :, 1].T)
    ot = jnp.zeros((8, 2), jnp.float32).at[:node_me, :].set(
        onsite_param[:, :, 0].T)

    bl2 = bond_length_list.reshape(1, 2)
    ef_a = pl.pallas_call(
        _tc_edge_body,
        grid=(nblk_a,),
        in_specs=[
            pl.BlockSpec((be,), lambda i: (i,)),
            pl.BlockSpec((be,), lambda i: (i,)),
            pl.BlockSpec((16, 8), lambda i: (0, 0)),
            pl.BlockSpec((16, 8), lambda i: (0, 0)),
            pl.BlockSpec((1, 2), lambda i: (0, 0)),
        ],
        out_specs=pl.BlockSpec((edge_me, be), lambda i: (0, i)),
        out_shape=jax.ShapeDtypeStruct((edge_me, n_edges), jnp.float32),
    )(edge_length, bond_a, a1t, a2t, bl2)

    grid_b = pl.cdiv(n_edges - split, be)
    ef_t = pl.pallas_call(
        _tc_edge_body_alias,
        grid=(grid_b,),
        in_specs=[
            pl.BlockSpec((be,), lambda i: (i + nblk_a,)),
            pl.BlockSpec((be,), lambda i: (i,)),
            pl.BlockSpec((16, 8), lambda i: (0, 0)),
            pl.BlockSpec((16, 8), lambda i: (0, 0)),
            pl.BlockSpec((1, 2), lambda i: (0, 0)),
            pl.BlockSpec(memory_space=pltpu.MemorySpace.HBM),
        ],
        out_specs=pl.BlockSpec((edge_me, be), lambda i: (0, i + nblk_a)),
        out_shape=jax.ShapeDtypeStruct((edge_me, n_edges), jnp.float32),
        input_output_aliases={5: 0},
    )(edge_length, bond_b, a1t, a2t, bl2, ef_a)

    nf_t = pl.pallas_call(
        _tc_node_body,
        in_specs=[
            pl.BlockSpec((n_nodes,), lambda: (0,)),
            pl.BlockSpec((8, 2), lambda: (0, 0)),
        ],
        out_specs=pl.BlockSpec((node_me, n_nodes), lambda: (0, 0)),
        out_shape=jax.ShapeDtypeStruct((node_me, n_nodes), jnp.float32),
    )(an, ot)

    return ef_t.T, nf_t.T

# --- scband reference (transcript-rebuilt; emitter-appended) ---
"""Pipeline reference for scband-nnsk-85590108275303 (READ-ONLY COPY).

The authoritative reference and input builder live on the scoring server;
editing this copy changes nothing except your own understanding.
"""

import jax, jax.numpy as jnp
import numpy as np

N_NODES = 50000
N_EDGES = 1600000
N_TYPES = 2
N_BOND_TYPES = N_TYPES * N_TYPES
EDGE_ME = 13
NODE_ME = 4
NUM_PARAS = 2
RC = 5.0
W = 1.0


def setup_inputs(seed: int = 0) -> dict:
    key = jax.random.key(seed)
    k1, k2, k3, k4, k5 = jax.random.split(key, 5)
    atomic_numbers = jax.random.randint(k1, (N_NODES,), 0, N_TYPES)
    edge_index = jax.random.randint(k2, (2, N_EDGES), 0, N_NODES)
    edge_length = jax.random.uniform(k3, (N_EDGES,), minval=1.5, maxval=5.0, dtype=jnp.float32)
    # learned parameters (per NNSK.__init__): hopping_param [n_bond_types, edge_reduced_matrix_element, num_paras]
    hopping_param = jax.random.normal(k4, (N_BOND_TYPES, EDGE_ME, NUM_PARAS), dtype=jnp.float32)
    # onsite_param [n_type_names, node_reduced_matrix_element, onsite_num_paras]
    onsite_param = jax.random.normal(k5, (N_TYPES, NODE_ME, 1), dtype=jnp.float32)
    # bond_length_list: constant reference bond lengths indexed by (type-compressed) atomic number
    bond_length_list = jnp.array([2.32, 1.46], dtype=jnp.float32)
    return {
        "atomic_numbers": atomic_numbers,
        "edge_index": edge_index,
        "edge_length": edge_length,
        "hopping_param": hopping_param,
        "onsite_param": onsite_param,
        "bond_length_list": bond_length_list,
    }


def reference(atomic_numbers, edge_index, edge_length, hopping_param, onsite_param, bond_length_list):
    # edge_number = atomic_numbers[edge_index] -> [2, E]  (gather)
    edge_number = jnp.take(atomic_numbers, edge_index, axis=0).reshape(2, -1)
    # idp.transform_reduced_bond: map (z_i, z_j) pair -> bond type row in the hopping embedding table
    bond_idx = edge_number[0] * N_TYPES + edge_number[1]
    # r0 = 0.5 * bond_length_list[edge_number].sum(0)
    r0 = 0.5 * (jnp.take(bond_length_list, edge_number[0], axis=0) + jnp.take(bond_length_list, edge_number[1], axis=0))
    # hopping_fn.get_skhij with powerlaw functype: paraArray = hopping_param[bond_idx]  (embedding lookup)
    paras = jnp.take(hopping_param, bond_idx, axis=0)  # [E, EDGE_ME, 2]
    alpha1 = paras[..., 0]
    alpha2 = jnp.abs(paras[..., 1])
    rij = edge_length[:, None]
    r0e = r0[:, None]
    fcut = 1.0 / (1.0 + jnp.exp((rij - RC + 5.0 * W) / W))
    edge_features = alpha1 * (r0e / rij) ** (1.0 + alpha2) * fcut  # [E, EDGE_ME]
    # onsite_fn.get_skEs (uniform): per-atom onsite energies via embedding lookup on atom type
    node_features = jnp.take(onsite_param, atomic_numbers, axis=0)[..., 0]  # [N, NODE_ME]
    return edge_features, node_features

if __name__ == "__main__":
    import jax
    _d = setup_inputs()
    print(jax.jit(kernel)(*tuple(_d.values())))

</pallas_src>

<mosaic_0001>
#map = affine_map<(d0, d1) -> (0)>
#map1 = affine_map<(d0, d1) -> (0, 0)>
module attributes {stable_mosaic.version = 14 : i64} {
  func.func @sc_bond(%arg0: i32, %arg1: i32, %arg2: memref<50000xi32, #tpu.memory_space<hbm>>, %arg3: memref<2x1600000xi32, #tpu.memory_space<hbm>>, %arg4: memref<780800xi32, #tpu.memory_space<hbm>>, %arg5: memref<50048xi32, #tpu.memory_space<vmem>>, %arg6: memref<2x2x6400xi32, #tpu.memory_space<vmem>>, %arg7: memref<2x6400xi32, #tpu.memory_space<vmem>>, %arg8: memref<!tpu.dma_semaphore, #tpu.memory_space<semaphore_mem>>, %arg9: memref<!tpu.dma_semaphore, #tpu.memory_space<semaphore_mem>>, %arg10: memref<!tpu.dma_semaphore, #tpu.memory_space<semaphore_mem>>, %arg11: memref<!tpu.dma_semaphore, #tpu.memory_space<semaphore_mem>>) attributes {dimension_semantics = [#tpu.dimension_semantics<core_parallel>, #tpu.dimension_semantics<subcore_parallel>], iteration_bounds = array<i64: 2, 16>, scalar_prefetch = 0 : i64, scratch_operands = 7 : i64, tpu.core_type = #tpu.core_type<sc_vector_subcore>, window_params = [{transform_indices = #map}, {transform_indices = #map1}, {transform_indices = #map}]} {
    %mul3A = arith.constant 2 : i32
    %mul3A_0 = arith.muli %arg1, %mul3A : i32
    %add3A = arith.addi %mul3A_0, %arg0 : i32
    "tpu.region"() ({
      %run_scoped3A = tpu.sem_alloc : memref<!tpu.dma_semaphore, #tpu.memory_space<semaphore_mem>>
      %dma_start3A = arith.constant 0 : i32
      %dma_start3A_88 = tpu.memref_slice %arg5[%dma_start3A] : memref<50048xi32, #tpu.memory_space<vmem>> -> memref<50000xi32, #tpu.memory_space<vmem>>
      %dma_start3A_89 = arith.constant 0 : i32
      %dma_start3A_90 = tpu.memref_slice %arg5[%dma_start3A_89] : memref<50048xi32, #tpu.memory_space<vmem>> -> memref<50000xi32, #tpu.memory_space<vmem>>
      tpu.enqueue_dma source(%arg2 : memref<50000xi32, #tpu.memory_space<hbm>>) target(%dma_start3A_90 : memref<50000xi32, #tpu.memory_space<vmem>>) target_semaphore(%run_scoped3A : memref<!tpu.dma_semaphore, #tpu.memory_space<semaphore_mem>>)
      %dma_wait3A = arith.constant 0 : i32
      %dma_wait3A_91 = tpu.memref_slice %arg5[%dma_wait3A] : memref<50048xi32, #tpu.memory_space<vmem>> -> memref<50000xi32, #tpu.memory_space<vmem>>
      %dma_wait3A_92 = arith.constant 0 : i32
      %dma_wait3A_93 = tpu.memref_slice %arg5[%dma_wait3A_92] : memref<50048xi32, #tpu.memory_space<vmem>> -> memref<50000xi32, #tpu.memory_space<vmem>>
      tpu.wait_dma2 semaphore(%run_scoped3A : memref<!tpu.dma_semaphore, #tpu.memory_space<semaphore_mem>>) src(%arg2 : memref<50000xi32, #tpu.memory_space<hbm>>) dst(%dma_wait3A_93 : memref<50000xi32, #tpu.memory_space<vmem>>)
      tpu.yield
    }) : () -> ()
    %add3A_1 = arith.constant 0 : i32
    %add3A_2 = arith.addi %add3A, %add3A_1 : i32
    %lt3A = arith.constant 122 : i32
    %lt3A_3 = arith.cmpi slt, %add3A_2, %lt3A : i32
    %convert_element_type3A = arith.extui %lt3A_3 : i1 to i32
    %cond3A = arith.constant 0 : i32
    %cond3A_4 = arith.cmpi ne, %convert_element_type3A, %cond3A : i32
    scf.if %cond3A_4 {
      %mul3A_88 = arith.constant 6400 : i32
      %mul3A_89 = arith.muli %add3A_2, %mul3A_88 : i32
      %add3A_90 = arith.constant 819200 : i32
      %add3A_91 = arith.addi %add3A_90, %mul3A_89 : i32
      %dma_start3A = arith.constant 0 : i32
      %dma_start3A_92 = arith.constant 0 : i32
      %dma_start3A_93 = arith.constant 0 : i32
      %dma_start3A_94 = tpu.memref_slice %arg6[%dma_start3A, %dma_start3A_92, %dma_start3A_93] : memref<2x2x6400xi32, #tpu.memory_space<vmem>> -> memref<1x2x6400xi32, #tpu.memory_space<vmem>>
      %dma_start3A_95 = tpu.memref_squeeze %dma_start3A_94 : memref<1x2x6400xi32, #tpu.memory_space<vmem>> -> memref<2x6400xi32, #tpu.memory_space<vmem>>
      %dma_start3A_96 = arith.constant 0 : i32
      %dma_start3A_97 = tpu.memref_slice %arg3[%dma_start3A_96, %add3A_91] : memref<2x1600000xi32, #tpu.memory_space<hbm>> -> memref<2x6400xi32, #tpu.memory_space<hbm>>
      %dma_start3A_98 = arith.constant 0 : i32
      %dma_start3A_99 = arith.constant 0 : i32
      %dma_start3A_100 = tpu.memref_slice %arg6[%dma_start3A, %dma_start3A_98, %dma_start3A_99] : memref<2x2x6400xi32, #tpu.memory_space<vmem>> -> memref<1x2x6400xi32, #tpu.memory_space<vmem>>
      %dma_start3A_101 = tpu.memref_squeeze %dma_start3A_100 : memref<1x2x6400xi32, #tpu.memory_space<vmem>> -> memref<2x6400xi32, #tpu.memory_space<vmem>>
      %dma_start3A_102 = arith.constant 0 : i32
      %dma_start3A_103 = tpu.memref_slice %arg3[%dma_start3A_102, %add3A_91] : memref<2x1600000xi32, #tpu.memory_space<hbm>> -> memref<2x6400xi32, #tpu.memory_space<hbm>>
      tpu.enqueue_dma source(%dma_start3A_103 : memref<2x6400xi32, #tpu.memory_space<hbm>>) target(%dma_start3A_101 : memref<2x6400xi32, #tpu.memory_space<vmem>>) target_semaphore(%arg8 : memref<!tpu.dma_semaphore, #tpu.memory_space<semaphore_mem>>)
    } else {
    }
    %add3A_5 = arith.constant 0 : i32
    %add3A_6 = arith.addi %add3A, %add3A_5 : i32
    %add3A_7 = arith.constant 32 : i32
    %add3A_8 = arith.addi %add3A, %add3A_7 : i32
    %lt3A_9 = arith.constant 122 : i32
    %lt3A_10 = arith.cmpi slt, %add3A_8, %lt3A_9 : i32
    %convert_element_type3A_11 = arith.extui %lt3A_10 : i1 to i32
    %cond3A_12 = arith.constant 0 : i32
    %cond3A_13 = arith.cmpi ne, %convert_element_type3A_11, %cond3A_12 : i32
    scf.if %cond3A_13 {
      %mul3A_88 = arith.constant 6400 : i32
      %mul3A_89 = arith.muli %add3A_8, %mul3A_88 : i32
      %add3A_90 = arith.constant 819200 : i32
      %add3A_91 = arith.addi %add3A_90, %mul3A_89 : i32
      %dma_start3A = arith.constant 1 : i32
      %dma_start3A_92 = arith.constant 0 : i32
      %dma_start3A_93 = arith.constant 0 : i32
      %dma_start3A_94 = tpu.memref_slice %arg6[%dma_start3A, %dma_start3A_92, %dma_start3A_93] : memref<2x2x6400xi32, #tpu.memory_space<vmem>> -> memref<1x2x6400xi32, #tpu.memory_space<vmem>>
      %dma_start3A_95 = tpu.memref_squeeze %dma_start3A_94 : memref<1x2x6400xi32, #tpu.memory_space<vmem>> -> memref<2x6400xi32, #tpu.memory_space<vmem>>
      %dma_start3A_96 = arith.constant 0 : i32
      %dma_start3A_97 = tpu.memref_slice %arg3[%dma_start3A_96, %add3A_91] : memref<2x1600000xi32, #tpu.memory_space<hbm>> -> memref<2x6400xi32, #tpu.memory_space<hbm>>
      %dma_start3A_98 = arith.constant 0 : i32
      %dma_start3A_99 = arith.constant 0 : i32
      %dma_start3A_100 = tpu.memref_slice %arg6[%dma_start3A, %dma_start3A_98, %dma_start3A_99] : memref<2x2x6400xi32, #tpu.memory_space<vmem>> -> memref<1x2x6400xi32, #tpu.memory_space<vmem>>
      %dma_start3A_101 = tpu.memref_squeeze %dma_start3A_100 : memref<1x2x6400xi32, #tpu.memory_space<vmem>> -> memref<2x6400xi32, #tpu.memory_space<vmem>>
      %dma_start3A_102 = arith.constant 0 : i32
      %dma_start3A_103 = tpu.memref_slice %arg3[%dma_start3A_102, %add3A_91] : memref<2x1600000xi32, #tpu.memory_space<hbm>> -> memref<2x6400xi32, #tpu.memory_space<hbm>>
      tpu.enqueue_dma source(%dma_start3A_103 : memref<2x6400xi32, #tpu.memory_space<hbm>>) target(%dma_start3A_101 : memref<2x6400xi32, #tpu.memory_space<vmem>>) target_semaphore(%arg9 : memref<!tpu.dma_semaphore, #tpu.memory_space<semaphore_mem>>)
    } else {
    }
    %lt3A_14 = arith.constant 122 : i32
    %lt3A_15 = arith.cmpi slt, %add3A_6, %lt3A_14 : i32
    %convert_element_type3A_16 = arith.extui %lt3A_15 : i1 to i32
    %cond3A_17 = arith.constant 0 : i32
    %cond3A_18 = arith.cmpi ne, %convert_element_type3A_16, %cond3A_17 : i32
    scf.if %cond3A_18 {
      %mul3A_88 = arith.constant 6400 : i32
      %mul3A_89 = arith.muli %add3A_6, %mul3A_88 : i32
      %add3A_90 = arith.constant 819200 : i32
      %add3A_91 = arith.addi %add3A_90, %mul3A_89 : i32
      %dma_wait3A = arith.constant 0 : i32
      %dma_wait3A_92 = arith.constant 0 : i32
      %dma_wait3A_93 = arith.constant 0 : i32
      %dma_wait3A_94 = tpu.memref_slice %arg6[%dma_wait3A, %dma_wait3A_92, %dma_wait3A_93] : memref<2x2x6400xi32, #tpu.memory_space<vmem>> -> memref<1x2x6400xi32, #tpu.memory_space<vmem>>
      %dma_wait3A_95 = tpu.memref_squeeze %dma_wait3A_94 : memref<1x2x6400xi32, #tpu.memory_space<vmem>> -> memref<2x6400xi32, #tpu.memory_space<vmem>>
      %dma_wait3A_96 = arith.constant 0 : i32
      %dma_wait3A_97 = tpu.memref_slice %arg3[%dma_wait3A_96, %add3A_91] : memref<2x1600000xi32, #tpu.memory_space<hbm>> -> memref<2x6400xi32, #tpu.memory_space<hbm>>
      %dma_wait3A_98 = arith.constant 0 : i32
      %dma_wait3A_99 = arith.constant 0 : i32
      %dma_wait3A_100 = tpu.memref_slice %arg6[%dma_wait3A, %dma_wait3A_98, %dma_wait3A_99] : memref<2x2x6400xi32, #tpu.memory_space<vmem>> -> memref<1x2x6400xi32, #tpu.memory_space<vmem>>
      %dma_wait3A_101 = tpu.memref_squeeze %dma_wait3A_100 : memref<1x2x6400xi32, #tpu.memory_space<vmem>> -> memref<2x6400xi32, #tpu.memory_space<vmem>>
      %dma_wait3A_102 = arith.constant 0 : i32
      %dma_wait3A_103 = tpu.memref_slice %arg3[%dma_wait3A_102, %add3A_91] : memref<2x1600000xi32, #tpu.memory_space<hbm>> -> memref<2x6400xi32, #tpu.memory_space<hbm>>
      tpu.wait_dma2 semaphore(%arg8 : memref<!tpu.dma_semaphore, #tpu.memory_space<semaphore_mem>>) src(%dma_wait3A_103 : memref<2x6400xi32, #tpu.memory_space<hbm>>) dst(%dma_wait3A_101 : memref<2x6400xi32, #tpu.memory_space<vmem>>)
      %parallel_loop3A = arith.constant 0 : i32
      %parallel_loop3A_104 = arith.constant 6400 : i32
      %parallel_loop3A_105 = arith.constant 16 : i32
      scf.for %parallel_loop3A_116 = %parallel_loop3A to %parallel_loop3A_104 step %parallel_loop3A_105  : i32 {
        %parallel_loop3A_117 = arith.constant 0 : i32
        %parallel_loop3A_118 = arith.constant 0 : i32
        %parallel_loop3A_119 = arith.index_cast %parallel_loop3A_117 : i32 to index
        %parallel_loop3A_120 = arith.index_cast %parallel_loop3A_118 : i32 to index
        %parallel_loop3A_121 = arith.index_cast %parallel_loop3A_116 : i32 to index
        %parallel_loop3A_122 = tpu.vector_load %arg6[%parallel_loop3A_119, %parallel_loop3A_120, %parallel_loop3A_121] {strides = array<i32>} : memref<2x2x6400xi32, #tpu.memory_space<vmem>>, vector<16xi32>,
        %parallel_loop3A_123 = tpu.vector_load_idx %arg5[%parallel_loop3A_122] : memref<50048xi32, #tpu.memory_space<vmem>>[vector<16xi32>], vector<16xi32>,
        %parallel_loop3A_124 = arith.constant 0 : i32
        %parallel_loop3A_125 = arith.constant 1 : i32
        %parallel_loop3A_126 = arith.index_cast %parallel_loop3A_124 : i32 to index
        %parallel_loop3A_127 = arith.index_cast %parallel_loop3A_125 : i32 to index
        %parallel_loop3A_128 = arith.index_cast %parallel_loop3A_116 : i32 to index
        %parallel_loop3A_129 = tpu.vector_load %arg6[%parallel_loop3A_126, %parallel_loop3A_127, %parallel_loop3A_128] {strides = array<i32>} : memref<2x2x6400xi32, #tpu.memory_space<vmem>>, vector<16xi32>,
        %parallel_loop3A_130 = tpu.vector_load_idx %arg5[%parallel_loop3A_129] : memref<50048xi32, #tpu.memory_space<vmem>>[vector<16xi32>], vector<16xi32>,
        %parallel_loop3A_131 = arith.constant 2 : i32
        %parallel_loop3A_132 = vector.broadcast %parallel_loop3A_131 : i32 to vector<16xi32>
        %parallel_loop3A_133 = arith.muli %parallel_loop3A_123, %parallel_loop3A_132 : vector<16xi32>
        %parallel_loop3A_134 = arith.addi %parallel_loop3A_133, %parallel_loop3A_130 : vector<16xi32>
        %parallel_loop3A_135 = arith.constant 0 : i32
        %parallel_loop3A_136 = arith.index_cast %parallel_loop3A_135 : i32 to index
        %parallel_loop3A_137 = arith.index_cast %parallel_loop3A_116 : i32 to index
        %parallel_loop3A_138 = tpu.vector_load %arg7[%parallel_loop3A_136, %parallel_loop3A_137] {strides = array<i32>} : memref<2x6400xi32, #tpu.memory_space<vmem>>, vector<16xi32>,
        tpu.vector_store %arg7[%parallel_loop3A_136, %parallel_loop3A_137], %parallel_loop3A_134 {strides = array<i32>} : memref<2x6400xi32, #tpu.memory_space<vmem>>, vector<16xi32>,
      } {sc.loop_unroll_factor = 8 : i64, sc.parallel_access}
      %mul3A_106 = arith.constant 6400 : i32
      %mul3A_107 = arith.muli %add3A_6, %mul3A_106 : i32
      %dma_start3A = arith.constant 0 : i32
      %dma_start3A_108 = arith.constant 0 : i32
      %dma_start3A_109 = tpu.memref_slice %arg7[%dma_start3A, %dma_start3A_108] : memref<2x6400xi32, #tpu.memory_space<vmem>> -> memref<1x6400xi32, #tpu.memory_space<vmem>>
      %dma_start3A_110 = tpu.memref_squeeze %dma_start3A_109 : memref<1x6400xi32, #tpu.memory_space<vmem>> -> memref<6400xi32, #tpu.memory_space<vmem>>
      %dma_start3A_111 = tpu.memref_slice %arg4[%mul3A_107] : memref<780800xi32, #tpu.memory_space<hbm>> -> memref<6400xi32, #tpu.memory_space<hbm>>
      %dma_start3A_112 = tpu.memref_slice %arg4[%mul3A_107] : memref<780800xi32, #tpu.memory_space<hbm>> -> memref<6400xi32, #tpu.memory_space<hbm>>
      %dma_start3A_113 = arith.constant 0 : i32
      %dma_start3A_114 = tpu.memref_slice %arg7[%dma_start3A, %dma_start3A_113] : memref<2x6400xi32, #tpu.memory_space<vmem>> -> memref<1x6400xi32, #tpu.memory_space<vmem>>
      %dma_start3A_115 = tpu.memref_squeeze %dma_start3A_114 : memref<1x6400xi32, #tpu.memory_space<vmem>> -> memref<6400xi32, #tpu.memory_space<vmem>>
      tpu.enqueue_dma source(%dma_start3A_115 : memref<6400xi32, #tpu.memory_space<vmem>>) target(%dma_start3A_112 : memref<6400xi32, #tpu.memory_space<hbm>>) target_semaphore(%arg10 : memref<!tpu.dma_semaphore, #tpu.memory_space<semaphore_mem>>)
    } else {
    }
    %add3A_19 = arith.constant 32 : i32
    %add3A_20 = arith.addi %add3A, %add3A_19 : i32
    %add3A_21 = arith.constant 64 : i32
    %add3A_22 = arith.addi %add3A, %add3A_21 : i32
    %lt3A_23 = arith.constant 122 : i32
    %lt3A_24 = arith.cmpi slt, %add3A_22, %lt3A_23 : i32
    %convert_element_type3A_25 = arith.extui %lt3A_24 : i1 to i32
    %cond3A_26 = arith.constant 0 : i32
    %cond3A_27 = arith.cmpi ne, %convert_element_type3A_25, %cond3A_26 : i32
    scf.if %cond3A_27 {
      %mul3A_88 = arith.constant 6400 : i32
      %mul3A_89 = arith.muli %add3A_22, %mul3A_88 : i32
      %add3A_90 = arith.constant 819200 : i32
      %add3A_91 = arith.addi %add3A_90, %mul3A_89 : i32
      %dma_start3A = arith.constant 0 : i32
      %dma_start3A_92 = arith.constant 0 : i32
      %dma_start3A_93 = arith.constant 0 : i32
      %dma_start3A_94 = tpu.memref_slice %arg6[%dma_start3A, %dma_start3A_92, %dma_start3A_93] : memref<2x2x6400xi32, #tpu.memory_space<vmem>> -> memref<1x2x6400xi32, #tpu.memory_space<vmem>>
      %dma_start3A_95 = tpu.memref_squeeze %dma_start3A_94 : memref<1x2x6400xi32, #tpu.memory_space<vmem>> -> memref<2x6400xi32, #tpu.memory_space<vmem>>
      %dma_start3A_96 = arith.constant 0 : i32
      %dma_start3A_97 = tpu.memref_slice %arg3[%dma_start3A_96, %add3A_91] : memref<2x1600000xi32, #tpu.memory_space<hbm>> -> memref<2x6400xi32, #tpu.memory_space<hbm>>
      %dma_start3A_98 = arith.constant 0 : i32
      %dma_start3A_99 = arith.constant 0 : i32
      %dma_start3A_100 = tpu.memref_slice %arg6[%dma_start3A, %dma_start3A_98, %dma_start3A_99] : memref<2x2x6400xi32, #tpu.memory_space<vmem>> -> memref<1x2x6400xi32, #tpu.memory_space<vmem>>
      %dma_start3A_101 = tpu.memref_squeeze %dma_start3A_100 : memref<1x2x6400xi32, #tpu.memory_space<vmem>> -> memref<2x6400xi32, #tpu.memory_space<vmem>>
      %dma_start3A_102 = arith.constant 0 : i32
      %dma_start3A_103 = tpu.memref_slice %arg3[%dma_start3A_102, %add3A_91] : memref<2x1600000xi32, #tpu.memory_space<hbm>> -> memref<2x6400xi32, #tpu.memory_space<hbm>>
      tpu.enqueue_dma source(%dma_start3A_103 : memref<2x6400xi32, #tpu.memory_space<hbm>>) target(%dma_start3A_101 : memref<2x6400xi32, #tpu.memory_space<vmem>>) target_semaphore(%arg8 : memref<!tpu.dma_semaphore, #tpu.memory_space<semaphore_mem>>)
    } else {
    }
    %lt3A_28 = arith.constant 122 : i32
    %lt3A_29 = arith.cmpi slt, %add3A_20, %lt3A_28 : i32
    %convert_element_type3A_30 = arith.extui %lt3A_29 : i1 to i32
    %cond3A_31 = arith.constant 0 : i32
    %cond3A_32 = arith.cmpi ne, %convert_element_type3A_30, %cond3A_31 : i32
    scf.if %cond3A_32 {
      %mul3A_88 = arith.constant 6400 : i32
      %mul3A_89 = arith.muli %add3A_20, %mul3A_88 : i32
      %add3A_90 = arith.constant 819200 : i32
      %add3A_91 = arith.addi %add3A_90, %mul3A_89 : i32
      %dma_wait3A = arith.constant 1 : i32
      %dma_wait3A_92 = arith.constant 0 : i32
      %dma_wait3A_93 = arith.constant 0 : i32
      %dma_wait3A_94 = tpu.memref_slice %arg6[%dma_wait3A, %dma_wait3A_92, %dma_wait3A_93] : memref<2x2x6400xi32, #tpu.memory_space<vmem>> -> memref<1x2x6400xi32, #tpu.memory_space<vmem>>
      %dma_wait3A_95 = tpu.memref_squeeze %dma_wait3A_94 : memref<1x2x6400xi32, #tpu.memory_space<vmem>> -> memref<2x6400xi32, #tpu.memory_space<vmem>>
      %dma_wait3A_96 = arith.constant 0 : i32
      %dma_wait3A_97 = tpu.memref_slice %arg3[%dma_wait3A_96, %add3A_91] : memref<2x1600000xi32, #tpu.memory_space<hbm>> -> memref<2x6400xi32, #tpu.memory_space<hbm>>
      %dma_wait3A_98 = arith.constant 0 : i32
      %dma_wait3A_99 = arith.constant 0 : i32
      %dma_wait3A_100 = tpu.memref_slice %arg6[%dma_wait3A, %dma_wait3A_98, %dma_wait3A_99] : memref<2x2x6400xi32, #tpu.memory_space<vmem>> -> memref<1x2x6400xi32, #tpu.memory_space<vmem>>
      %dma_wait3A_101 = tpu.memref_squeeze %dma_wait3A_100 : memref<1x2x6400xi32, #tpu.memory_space<vmem>> -> memref<2x6400xi32, #tpu.memory_space<vmem>>
      %dma_wait3A_102 = arith.constant 0 : i32
      %dma_wait3A_103 = tpu.memref_slice %arg3[%dma_wait3A_102, %add3A_91] : memref<2x1600000xi32, #tpu.memory_space<hbm>> -> memref<2x6400xi32, #tpu.memory_space<hbm>>
      tpu.wait_dma2 semaphore(%arg9 : memref<!tpu.dma_semaphore, #tpu.memory_space<semaphore_mem>>) src(%dma_wait3A_103 : memref<2x6400xi32, #tpu.memory_space<hbm>>) dst(%dma_wait3A_101 : memref<2x6400xi32, #tpu.memory_space<vmem>>)
      %parallel_loop3A = arith.constant 0 : i32
      %parallel_loop3A_104 = arith.constant 6400 : i32
      %parallel_loop3A_105 = arith.constant 16 : i32
      scf.for %parallel_loop3A_116 = %parallel_loop3A to %parallel_loop3A_104 step %parallel_loop3A_105  : i32 {
        %parallel_loop3A_117 = arith.constant 1 : i32
        %parallel_loop3A_118 = arith.constant 0 : i32
        %parallel_loop3A_119 = arith.index_cast %parallel_loop3A_117 : i32 to index
        %parallel_loop3A_120 = arith.index_cast %parallel_loop3A_118 : i32 to index
        %parallel_loop3A_121 = arith.index_cast %parallel_loop3A_116 : i32 to index
        %parallel_loop3A_122 = tpu.vector_load %arg6[%parallel_loop3A_119, %parallel_loop3A_120, %parallel_loop3A_121] {strides = array<i32>} : memref<2x2x6400xi32, #tpu.memory_space<vmem>>, vector<16xi32>,
        %parallel_loop3A_123 = tpu.vector_load_idx %arg5[%parallel_loop3A_122] : memref<50048xi32, #tpu.memory_space<vmem>>[vector<16xi32>], vector<16xi32>,
        %parallel_loop3A_124 = arith.constant 1 : i32
        %parallel_loop3A_125 = arith.constant 1 : i32
        %parallel_loop3A_126 = arith.index_cast %parallel_loop3A_124 : i32 to index
        %parallel_loop3A_127 = arith.index_cast %parallel_loop3A_125 : i32 to index
        %parallel_loop3A_128 = arith.index_cast %parallel_loop3A_116 : i32 to index
        %parallel_loop3A_129 = tpu.vector_load %arg6[%parallel_loop3A_126, %parallel_loop3A_127, %parallel_loop3A_128] {strides = array<i32>} : memref<2x2x6400xi32, #tpu.memory_space<vmem>>, vector<16xi32>,
        %parallel_loop3A_130 = tpu.vector_load_idx %arg5[%parallel_loop3A_129] : memref<50048xi32, #tpu.memory_space<vmem>>[vector<16xi32>], vector<16xi32>,
        %parallel_loop3A_131 = arith.constant 2 : i32
        %parallel_loop3A_132 = vector.broadcast %parallel_loop3A_131 : i32 to vector<16xi32>
        %parallel_loop3A_133 = arith.muli %parallel_loop3A_123, %parallel_loop3A_132 : vector<16xi32>
        %parallel_loop3A_134 = arith.addi %parallel_loop3A_133, %parallel_loop3A_130 : vector<16xi32>
        %parallel_loop3A_135 = arith.constant 1 : i32
        %parallel_loop3A_136 = arith.index_cast %parallel_loop3A_135 : i32 to index
        %parallel_loop3A_137 = arith.index_cast %parallel_loop3A_116 : i32 to index
        %parallel_loop3A_138 = tpu.vector_load %arg7[%parallel_loop3A_136, %parallel_loop3A_137] {strides = array<i32>} : memref<2x6400xi32, #tpu.memory_space<vmem>>, vector<16xi32>,
        tpu.vector_store %arg7[%parallel_loop3A_136, %parallel_loop3A_137], %parallel_loop3A_134 {strides = array<i32>} : memref<2x6400xi32, #tpu.memory_space<vmem>>, vector<16xi32>,
      } {sc.loop_unroll_factor = 8 : i64, sc.parallel_access}
      %mul3A_106 = arith.constant 6400 : i32
      %mul3A_107 = arith.muli %add3A_20, %mul3A_106 : i32
      %dma_start3A = arith.constant 1 : i32
      %dma_start3A_108 = arith.constant 0 : i32
      %dma_start3A_109 = tpu.memref_slice %arg7[%dma_start3A, %dma_start3A_108] : memref<2x6400xi32, #tpu.memory_space<vmem>> -> memref<1x6400xi32, #tpu.memory_space<vmem>>
      %dma_start3A_110 = tpu.memref_squeeze %dma_start3A_109 : memref<1x6400xi32, #tpu.memory_space<vmem>> -> memref<6400xi32, #tpu.memory_space<vmem>>
      %dma_start3A_111 = tpu.memref_slice %arg4[%mul3A_107] : memref<780800xi32, #tpu.memory_space<hbm>> -> memref<6400xi32, #tpu.memory_space<hbm>>
      %dma_start3A_112 = tpu.memref_slice %arg4[%mul3A_107] : memref<780800xi32, #tpu.memory_space<hbm>> -> memref<6400xi32, #tpu.memory_space<hbm>>
      %dma_start3A_113 = arith.constant 0 : i32
      %dma_start3A_114 = tpu.memref_slice %arg7[%dma_start3A, %dma_start3A_113] : memref<2x6400xi32, #tpu.memory_space<vmem>> -> memref<1x6400xi32, #tpu.memory_space<vmem>>
      %dma_start3A_115 = tpu.memref_squeeze %dma_start3A_114 : memref<1x6400xi32, #tpu.memory_space<vmem>> -> memref<6400xi32, #tpu.memory_space<vmem>>
      tpu.enqueue_dma source(%dma_start3A_115 : memref<6400xi32, #tpu.memory_space<vmem>>) target(%dma_start3A_112 : memref<6400xi32, #tpu.memory_space<hbm>>) target_semaphore(%arg11 : memref<!tpu.dma_semaphore, #tpu.memory_space<semaphore_mem>>)
    } else {
    }
    %add3A_33 = arith.constant 64 : i32
    %add3A_34 = arith.addi %add3A, %add3A_33 : i32
    %add3A_35 = arith.constant 96 : i32
    %add3A_36 = arith.addi %add3A, %add3A_35 : i32
    %lt3A_37 = arith.constant 122 : i32
    %lt3A_38 = arith.cmpi slt, %add3A_36, %lt3A_37 : i32
    %convert_element_type3A_39 = arith.extui %lt3A_38 : i1 to i32
    %cond3A_40 = arith.constant 0 : i32
    %cond3A_41 = arith.cmpi ne, %convert_element_type3A_39, %cond3A_40 : i32
    scf.if %cond3A_41 {
      %mul3A_88 = arith.constant 6400 : i32
      %mul3A_89 = arith.muli %add3A_36, %mul3A_88 : i32
      %add3A_90 = arith.constant 819200 : i32
      %add3A_91 = arith.addi %add3A_90, %mul3A_89 : i32
      %dma_start3A = arith.constant 1 : i32
      %dma_start3A_92 = arith.constant 0 : i32
      %dma_start3A_93 = arith.constant 0 : i32
      %dma_start3A_94 = tpu.memref_slice %arg6[%dma_start3A, %dma_start3A_92, %dma_start3A_93] : memref<2x2x6400xi32, #tpu.memory_space<vmem>> -> memref<1x2x6400xi32, #tpu.memory_space<vmem>>
      %dma_start3A_95 = tpu.memref_squeeze %dma_start3A_94 : memref<1x2x6400xi32, #tpu.memory_space<vmem>> -> memref<2x6400xi32, #tpu.memory_space<vmem>>
      %dma_start3A_96 = arith.constant 0 : i32
      %dma_start3A_97 = tpu.memref_slice %arg3[%dma_start3A_96, %add3A_91] : memref<2x1600000xi32, #tpu.memory_space<hbm>> -> memref<2x6400xi32, #tpu.memory_space<hbm>>
      %dma_start3A_98 = arith.constant 0 : i32
      %dma_start3A_99 = arith.constant 0 : i32
      %dma_start3A_100 = tpu.memref_slice %arg6[%dma_start3A, %dma_start3A_98, %dma_start3A_99] : memref<2x2x6400xi32, #tpu.memory_space<vmem>> -> memref<1x2x6400xi32, #tpu.memory_space<vmem>>
      %dma_start3A_101 = tpu.memref_squeeze %dma_start3A_100 : memref<1x2x6400xi32, #tpu.memory_space<vmem>> -> memref<2x6400xi32, #tpu.memory_space<vmem>>
      %dma_start3A_102 = arith.constant 0 : i32
      %dma_start3A_103 = tpu.memref_slice %arg3[%dma_start3A_102, %add3A_91] : memref<2x1600000xi32, #tpu.memory_space<hbm>> -> memref<2x6400xi32, #tpu.memory_space<hbm>>
      tpu.enqueue_dma source(%dma_start3A_103 : memref<2x6400xi32, #tpu.memory_space<hbm>>) target(%dma_start3A_101 : memref<2x6400xi32, #tpu.memory_space<vmem>>) target_semaphore(%arg9 : memref<!tpu.dma_semaphore, #tpu.memory_space<semaphore_mem>>)
    } else {
    }
    %lt3A_42 = arith.constant 122 : i32
    %lt3A_43 = arith.cmpi slt, %add3A_34, %lt3A_42 : i32
    %convert_element_type3A_44 = arith.extui %lt3A_43 : i1 to i32
    %cond3A_45 = arith.constant 0 : i32
    %cond3A_46 = arith.cmpi ne, %convert_element_type3A_44, %cond3A_45 : i32
    scf.if %cond3A_46 {
      %mul3A_88 = arith.constant 6400 : i32
      %mul3A_89 = arith.muli %add3A_34, %mul3A_88 : i32
      %add3A_90 = arith.constant 819200 : i32
      %add3A_91 = arith.addi %add3A_90, %mul3A_89 : i32
      %dma_wait3A = arith.constant 0 : i32
      %dma_wait3A_92 = arith.constant 0 : i32
      %dma_wait3A_93 = arith.constant 0 : i32
      %dma_wait3A_94 = tpu.memref_slice %arg6[%dma_wait3A, %dma_wait3A_92, %dma_wait3A_93] : memref<2x2x6400xi32, #tpu.memory_space<vmem>> -> memref<1x2x6400xi32, #tpu.memory_space<vmem>>
      %dma_wait3A_95 = tpu.memref_squeeze %dma_wait3A_94 : memref<1x2x6400xi32, #tpu.memory_space<vmem>> -> memref<2x6400xi32, #tpu.memory_space<vmem>>
      %dma_wait3A_96 = arith.constant 0 : i32
      %dma_wait3A_97 = tpu.memref_slice %arg3[%dma_wait3A_96, %add3A_91] : memref<2x1600000xi32, #tpu.memory_space<hbm>> -> memref<2x6400xi32, #tpu.memory_space<hbm>>
      %dma_wait3A_98 = arith.constant 0 : i32
      %dma_wait3A_99 = arith.constant 0 : i32
      %dma_wait3A_100 = tpu.memref_slice %arg6[%dma_wait3A, %dma_wait3A_98, %dma_wait3A_99] : memref<2x2x6400xi32, #tpu.memory_space<vmem>> -> memref<1x2x6400xi32, #tpu.memory_space<vmem>>
      %dma_wait3A_101 = tpu.memref_squeeze %dma_wait3A_100 : memref<1x2x6400xi32, #tpu.memory_space<vmem>> -> memref<2x6400xi32, #tpu.memory_space<vmem>>
      %dma_wait3A_102 = arith.constant 0 : i32
      %dma_wait3A_103 = tpu.memref_slice %arg3[%dma_wait3A_102, %add3A_91] : memref<2x1600000xi32, #tpu.memory_space<hbm>> -> memref<2x6400xi32, #tpu.memory_space<hbm>>
      tpu.wait_dma2 semaphore(%arg8 : memref<!tpu.dma_semaphore, #tpu.memory_space<semaphore_mem>>) src(%dma_wait3A_103 : memref<2x6400xi32, #tpu.memory_space<hbm>>) dst(%dma_wait3A_101 : memref<2x6400xi32, #tpu.memory_space<vmem>>)
      %sub3A = arith.constant 64 : i32
      %sub3A_104 = arith.subi %add3A_34, %sub3A : i32
      %mul3A_105 = arith.constant 6400 : i32
      %mul3A_106 = arith.muli %sub3A_104, %mul3A_105 : i32
      %dma_wait3A_107 = arith.constant 0 : i32
      %dma_wait3A_108 = arith.constant 0 : i32
      %dma_wait3A_109 = tpu.memref_slice %arg7[%dma_wait3A_107, %dma_wait3A_108] : memref<2x6400xi32, #tpu.memory_space<vmem>> -> memref<1x6400xi32, #tpu.memory_space<vmem>>
      %dma_wait3A_110 = tpu.memref_squeeze %dma_wait3A_109 : memref<1x6400xi32, #tpu.memory_space<vmem>> -> memref<6400xi32, #tpu.memory_space<vmem>>
      %dma_wait3A_111 = tpu.memref_slice %arg4[%mul3A_106] : memref<780800xi32, #tpu.memory_space<hbm>> -> memref<6400xi32, #tpu.memory_space<hbm>>
      %dma_wait3A_112 = tpu.memref_slice %arg4[%mul3A_106] : memref<780800xi32, #tpu.memory_space<hbm>> -> memref<6400xi32, #tpu.memory_space<hbm>>
      %dma_wait3A_113 = arith.constant 0 : i32
      %dma_wait3A_114 = tpu.memref_slice %arg7[%dma_wait3A_107, %dma_wait3A_113] : memref<2x6400xi32, #tpu.memory_space<vmem>> -> memref<1x6400xi32, #tpu.memory_space<vmem>>
      %dma_wait3A_115 = tpu.memref_squeeze %dma_wait3A_114 : memref<1x6400xi32, #tpu.memory_space<vmem>> -> memref<6400xi32, #tpu.memory_space<vmem>>
      tpu.wait_dma2 semaphore(%arg10 : memref<!tpu.dma_semaphore, #tpu.memory_space<semaphore_mem>>) src(%dma_wait3A_115 : memref<6400xi32, #tpu.memory_space<vmem>>) dst(%dma_wait3A_112 : memref<6400xi32, #tpu.memory_space<hbm>>)
      %parallel_loop3A = arith.constant 0 : i32
      %parallel_loop3A_116 = arith.constant 6400 : i32
      %parallel_loop3A_117 = arith.constant 16 : i32
      scf.for %parallel_loop3A_128 = %parallel_loop3A to %parallel_loop3A_116 step %parallel_loop3A_117  : i32 {
        %parallel_loop3A_129 = arith.constant 0 : i32
        %parallel_loop3A_130 = arith.constant 0 : i32
        %parallel_loop3A_131 = arith.index_cast %parallel_loop3A_129 : i32 to index
        %parallel_loop3A_132 = arith.index_cast %parallel_loop3A_130 : i32 to index
        %parallel_loop3A_133 = arith.index_cast %parallel_loop3A_128 : i32 to index
        %parallel_loop3A_134 = tpu.vector_load %arg6[%parallel_loop3A_131, %parallel_loop3A_132, %parallel_loop3A_133] {strides = array<i32>} : memref<2x2x6400xi32, #tpu.memory_space<vmem>>, vector<16xi32>,
        %parallel_loop3A_135 = tpu.vector_load_idx %arg5[%parallel_loop3A_134] : memref<50048xi32, #tpu.memory_space<vmem>>[vector<16xi32>], vector<16xi32>,
        %parallel_loop3A_136 = arith.constant 0 : i32
        %parallel_loop3A_137 = arith.constant 1 : i32
        %parallel_loop3A_138 = arith.index_cast %parallel_loop3A_136 : i32 to index
        %parallel_loop3A_139 = arith.index_cast %parallel_loop3A_137 : i32 to index
        %parallel_loop3A_140 = arith.index_cast %parallel_loop3A_128 : i32 to index
        %parallel_loop3A_141 = tpu.vector_load %arg6[%parallel_loop3A_138, %parallel_loop3A_139, %parallel_loop3A_140] {strides = array<i32>} : memref<2x2x6400xi32, #tpu.memory_space<vmem>>, vector<16xi32>,
        %parallel_loop3A_142 = tpu.vector_load_idx %arg5[%parallel_loop3A_141] : memref<50048xi32, #tpu.memory_space<vmem>>[vector<16xi32>], vector<16xi32>,
        %parallel_loop3A_143 = arith.constant 2 : i32
        %parallel_loop3A_144 = vector.broadcast %parallel_loop3A_143 : i32 to vector<16xi32>
        %parallel_loop3A_145 = arith.muli %parallel_loop3A_135, %parallel_loop3A_144 : vector<16xi32>
        %parallel_loop3A_146 = arith.addi %parallel_loop3A_145, %parallel_loop3A_142 : vector<16xi32>
        %parallel_loop3A_147 = arith.constant 0 : i32
        %parallel_loop3A_148 = arith.index_cast %parallel_loop3A_147 : i32 to index
        %parallel_loop3A_149 = arith.index_cast %parallel_loop3A_128 : i32 to index
        %parallel_loop3A_150 = tpu.vector_load %arg7[%parallel_loop3A_148, %parallel_loop3A_149] {strides = array<i32>} : memref<2x6400xi32, #tpu.memory_space<vmem>>, vector<16xi32>,
        tpu.vector_store %arg7[%parallel_loop3A_148, %parallel_loop3A_149], %parallel_loop3A_146 {strides = array<i32>} : memref<2x6400xi32, #tpu.memory_space<vmem>>, vector<16xi32>,
      } {sc.loop_unroll_factor = 8 : i64, sc.parallel_access}
      %mul3A_118 = arith.constant 6400 : i32
      %mul3A_119 = arith.muli %add3A_34, %mul3A_118 : i32
      %dma_start3A = arith.constant 0 : i32
      %dma_start3A_120 = arith.constant 0 : i32
      %dma_start3A_121 = tpu.memref_slice %arg7[%dma_start3A, %dma_start3A_120] : memref<2x6400xi32, #tpu.memory_space<vmem>> -> memref<1x6400xi32, #tpu.memory_space<vmem>>
      %dma_start3A_122 = tpu.memref_squeeze %dma_start3A_121 : memref<1x6400xi32, #tpu.memory_space<vmem>> -> memref<6400xi32, #tpu.memory_space<vmem>>
      %dma_start3A_123 = tpu.memref_slice %arg4[%mul3A_119] : memref<780800xi32, #tpu.memory_space<hbm>> -> memref<6400xi32, #tpu.memory_space<hbm>>
      %dma_start3A_124 = tpu.memref_slice %arg4[%mul3A_119] : memref<780800xi32, #tpu.memory_space<hbm>> -> memref<6400xi32, #tpu.memory_space<hbm>>
      %dma_start3A_125 = arith.constant 0 : i32
      %dma_start3A_126 = tpu.memref_slice %arg7[%dma_start3A, %dma_start3A_125] : memref<2x6400xi32, #tpu.memory_space<vmem>> -> memref<1x6400xi32, #tpu.memory_space<vmem>>
      %dma_start3A_127 = tpu.memref_squeeze %dma_start3A_126 : memref<1x6400xi32, #tpu.memory_space<vmem>> -> memref<6400xi32, #tpu.memory_space<vmem>>
      tpu.enqueue_dma source(%dma_start3A_127 : memref<6400xi32, #tpu.memory_space<vmem>>) target(%dma_start3A_124 : memref<6400xi32, #tpu.memory_space<hbm>>) target_semaphore(%arg10 : memref<!tpu.dma_semaphore, #tpu.memory_space<semaphore_mem>>)
    } else {
    }
    %add3A_47 = arith.constant 96 : i32
    %add3A_48 = arith.addi %add3A, %add3A_47 : i32
    %lt3A_49 = arith.constant 122 : i32
    %lt3A_50 = arith.cmpi slt, %add3A_48, %lt3A_49 : i32
    %convert_element_type3A_51 = arith.extui %lt3A_50 : i1 to i32
    %cond3A_52 = arith.constant 0 : i32
    %cond3A_53 = arith.cmpi ne, %convert_element_type3A_51, %cond3A_52 : i32
    scf.if %cond3A_53 {
      %mul3A_88 = arith.constant 6400 : i32
      %mul3A_89 = arith.muli %add3A_48, %mul3A_88 : i32
      %add3A_90 = arith.constant 819200 : i32
      %add3A_91 = arith.addi %add3A_90, %mul3A_89 : i32
      %dma_wait3A = arith.constant 1 : i32
      %dma_wait3A_92 = arith.constant 0 : i32
      %dma_wait3A_93 = arith.constant 0 : i32
      %dma_wait3A_94 = tpu.memref_slice %arg6[%dma_wait3A, %dma_wait3A_92, %dma_wait3A_93] : memref<2x2x6400xi32, #tpu.memory_space<vmem>> -> memref<1x2x6400xi32, #tpu.memory_space<vmem>>
      %dma_wait3A_95 = tpu.memref_squeeze %dma_wait3A_94 : memref<1x2x6400xi32, #tpu.memory_space<vmem>> -> memref<2x6400xi32, #tpu.memory_space<vmem>>
      %dma_wait3A_96 = arith.constant 0 : i32
      %dma_wait3A_97 = tpu.memref_slice %arg3[%dma_wait3A_96, %add3A_91] : memref<2x1600000xi32, #tpu.memory_space<hbm>> -> memref<2x6400xi32, #tpu.memory_space<hbm>>
      %dma_wait3A_98 = arith.constant 0 : i32
      %dma_wait3A_99 = arith.constant 0 : i32
      %dma_wait3A_100 = tpu.memref_slice %arg6[%dma_wait3A, %dma_wait3A_98, %dma_wait3A_99] : memref<2x2x6400xi32, #tpu.memory_space<vmem>> -> memref<1x2x6400xi32, #tpu.memory_space<vmem>>
      %dma_wait3A_101 = tpu.memref_squeeze %dma_wait3A_100 : memref<1x2x6400xi32, #tpu.memory_space<vmem>> -> memref<2x6400xi32, #tpu.memory_space<vmem>>
      %dma_wait3A_102 = arith.constant 0 : i32
      %dma_wait3A_103 = tpu.memref_slice %arg3[%dma_wait3A_102, %add3A_91] : memref<2x1600000xi32, #tpu.memory_space<hbm>> -> memref<2x6400xi32, #tpu.memory_space<hbm>>
      tpu.wait_dma2 semaphore(%arg9 : memref<!tpu.dma_semaphore, #tpu.memory_space<semaphore_mem>>) src(%dma_wait3A_103 : memref<2x6400xi32, #tpu.memory_space<hbm>>) dst(%dma_wait3A_101 : memref<2x6400xi32, #tpu.memory_space<vmem>>)
      %sub3A = arith.constant 64 : i32
      %sub3A_104 = arith.subi %add3A_48, %sub3A : i32
      %mul3A_105 = arith.constant 6400 : i32
      %mul3A_106 = arith.muli %sub3A_104, %mul3A_105 : i32
      %dma_wait3A_107 = arith.constant 1 : i32
      %dma_wait3A_108 = arith.constant 0 : i32
      %dma_wait3A_109 = tpu.memref_slice %arg7[%dma_wait3A_107, %dma_wait3A_108] : memref<2x6400xi32, #tpu.memory_space<vmem>> -> memref<1x6400xi32, #tpu.memory_space<vmem>>
      %dma_wait3A_110 = tpu.memref_squeeze %dma_wait3A_109 : memref<1x6400xi32, #tpu.memory_space<vmem>> -> memref<6400xi32, #tpu.memory_space<vmem>>
      %dma_wait3A_111 = tpu.memref_slice %arg4[%mul3A_106] : memref<780800xi32, #tpu.memory_space<hbm>> -> memref<6400xi32, #tpu.memory_space<hbm>>
      %dma_wait3A_112 = tpu.memref_slice %arg4[%mul3A_106] : memref<780800xi32, #tpu.memory_space<hbm>> -> memref<6400xi32, #tpu.memory_space<hbm>>
      %dma_wait3A_113 = arith.constant 0 : i32
      %dma_wait3A_114 = tpu.memref_slice %arg7[%dma_wait3A_107, %dma_wait3A_113] : memref<2x6400xi32, #tpu.memory_space<vmem>> -> memref<1x6400xi32, #tpu.memory_space<vmem>>
      %dma_wait3A_115 = tpu.memref_squeeze %dma_wait3A_114 : memref<1x6400xi32, #tpu.memory_space<vmem>> -> memref<6400xi32, #tpu.memory_space<vmem>>
      tpu.wait_dma2 semaphore(%arg11 : memref<!tpu.dma_semaphore, #tpu.memory_space<semaphore_mem>>) src(%dma_wait3A_115 : memref<6400xi32, #tpu.memory_space<vmem>>) dst(%dma_wait3A_112 : memref<6400xi32, #tpu.memory_space<hbm>>)
      %parallel_loop3A = arith.constant 0 : i32
      %parallel_loop3A_116 = arith.constant 6400 : i32
      %parallel_loop3A_117 = arith.constant 16 : i32
      scf.for %parallel_loop3A_128 = %parallel_loop3A to %parallel_loop3A_116 step %parallel_loop3A_117  : i32 {
        %parallel_loop3A_129 = arith.constant 1 : i32
        %parallel_loop3A_130 = arith.constant 0 : i32
        %parallel_loop3A_131 = arith.index_cast %parallel_loop3A_129 : i32 to index
        %parallel_loop3A_132 = arith.index_cast %parallel_loop3A_130 : i32 to index
        %parallel_loop3A_133 = arith.index_cast %parallel_loop3A_128 : i32 to index
        %parallel_loop3A_134 = tpu.vector_load %arg6[%parallel_loop3A_131, %parallel_loop3A_132, %parallel_loop3A_133] {strides = array<i32>} : memref<2x2x6400xi32, #tpu.memory_space<vmem>>, vector<16xi32>,
        %parallel_loop3A_135 = tpu.vector_load_idx %arg5[%parallel_loop3A_134] : memref<50048xi32, #tpu.memory_space<vmem>>[vector<16xi32>], vector<16xi32>,
        %parallel_loop3A_136 = arith.constant 1 : i32
        %parallel_loop3A_137 = arith.constant 1 : i32
        %parallel_loop3A_138 = arith.index_cast %parallel_loop3A_136 : i32 to index
        %parallel_loop3A_139 = arith.index_cast %parallel_loop3A_137 : i32 to index
        %parallel_loop3A_140 = arith.index_cast %parallel_loop3A_128 : i32 to index
        %parallel_loop3A_141 = tpu.vector_load %arg6[%parallel_loop3A_138, %parallel_loop3A_139, %parallel_loop3A_140] {strides = array<i32>} : memref<2x2x6400xi32, #tpu.memory_space<vmem>>, vector<16xi32>,
        %parallel_loop3A_142 = tpu.vector_load_idx %arg5[%parallel_loop3A_141] : memref<50048xi32, #tpu.memory_space<vmem>>[vector<16xi32>], vector<16xi32>,
        %parallel_loop3A_143 = arith.constant 2 : i32
        %parallel_loop3A_144 = vector.broadcast %parallel_loop3A_143 : i32 to vector<16xi32>
        %parallel_loop3A_145 = arith.muli %parallel_loop3A_135, %parallel_loop3A_144 : vector<16xi32>
        %parallel_loop3A_146 = arith.addi %parallel_loop3A_145, %parallel_loop3A_142 : vector<16xi32>
        %parallel_loop3A_147 = arith.constant 1 : i32
        %parallel_loop3A_148 = arith.index_cast %parallel_loop3A_147 : i32 to index
        %parallel_loop3A_149 = arith.index_cast %parallel_loop3A_128 : i32 to index
        %parallel_loop3A_150 = tpu.vector_load %arg7[%parallel_loop3A_148, %parallel_loop3A_149] {strides = array<i32>} : memref<2x6400xi32, #tpu.memory_space<vmem>>, vector<16xi32>,
        tpu.vector_store %arg7[%parallel_loop3A_148, %parallel_loop3A_149], %parallel_loop3A_146 {strides = array<i32>} : memref<2x6400xi32, #tpu.memory_space<vmem>>, vector<16xi32>,
      } {sc.loop_unroll_factor = 8 : i64, sc.parallel_access}
      %mul3A_118 = arith.constant 6400 : i32
      %mul3A_119 = arith.muli %add3A_48, %mul3A_118 : i32
      %dma_start3A = arith.constant 1 : i32
      %dma_start3A_120 = arith.constant 0 : i32
      %dma_start3A_121 = tpu.memref_slice %arg7[%dma_start3A, %dma_start3A_120] : memref<2x6400xi32, #tpu.memory_space<vmem>> -> memref<1x6400xi32, #tpu.memory_space<vmem>>
      %dma_start3A_122 = tpu.memref_squeeze %dma_start3A_121 : memref<1x6400xi32, #tpu.memory_space<vmem>> -> memref<6400xi32, #tpu.memory_space<vmem>>
      %dma_start3A_123 = tpu.memref_slice %arg4[%mul3A_119] : memref<780800xi32, #tpu.memory_space<hbm>> -> memref<6400xi32, #tpu.memory_space<hbm>>
      %dma_start3A_124 = tpu.memref_slice %arg4[%mul3A_119] : memref<780800xi32, #tpu.memory_space<hbm>> -> memref<6400xi32, #tpu.memory_space<hbm>>
      %dma_start3A_125 = arith.constant 0 : i32
      %dma_start3A_126 = tpu.memref_slice %arg7[%dma_start3A, %dma_start3A_125] : memref<2x6400xi32, #tpu.memory_space<vmem>> -> memref<1x6400xi32, #tpu.memory_space<vmem>>
      %dma_start3A_127 = tpu.memref_squeeze %dma_start3A_126 : memref<1x6400xi32, #tpu.memory_space<vmem>> -> memref<6400xi32, #tpu.memory_space<vmem>>
      tpu.enqueue_dma source(%dma_start3A_127 : memref<6400xi32, #tpu.memory_space<vmem>>) target(%dma_start3A_124 : memref<6400xi32, #tpu.memory_space<hbm>>) target_semaphore(%arg11 : memref<!tpu.dma_semaphore, #tpu.memory_space<semaphore_mem>>)
    } else {
    }
    %add3A_54 = arith.constant 32 : i32
    %add3A_55 = arith.addi %add3A, %add3A_54 : i32
    %lt3A_56 = arith.constant 122 : i32
    %lt3A_57 = arith.cmpi slt, %add3A_55, %lt3A_56 : i32
    %add3A_58 = arith.constant 64 : i32
    %add3A_59 = arith.addi %add3A_55, %add3A_58 : i32
    %ge3A = arith.constant 122 : i32
    %ge3A_60 = arith.cmpi sge, %add3A_59, %ge3A : i32
    %and3A = arith.andi %lt3A_57, %ge3A_60 : i1
    %convert_element_type3A_61 = arith.extui %and3A : i1 to i32
    %cond3A_62 = arith.constant 0 : i32
    %cond3A_63 = arith.cmpi ne, %convert_element_type3A_61, %cond3A_62 : i32
    scf.if %cond3A_63 {
      %mul3A_88 = arith.constant 6400 : i32
      %mul3A_89 = arith.muli %add3A_55, %mul3A_88 : i32
      %dma_wait3A = arith.constant 1 : i32
      %dma_wait3A_90 = arith.constant 0 : i32
      %dma_wait3A_91 = tpu.memref_slice %arg7[%dma_wait3A, %dma_wait3A_90] : memref<2x6400xi32, #tpu.memory_space<vmem>> -> memref<1x6400xi32, #tpu.memory_space<vmem>>
      %dma_wait3A_92 = tpu.memref_squeeze %dma_wait3A_91 : memref<1x6400xi32, #tpu.memory_space<vmem>> -> memref<6400xi32, #tpu.memory_space<vmem>>
      %dma_wait3A_93 = tpu.memref_slice %arg4[%mul3A_89] : memref<780800xi32, #tpu.memory_space<hbm>> -> memref<6400xi32, #tpu.memory_space<hbm>>
      %dma_wait3A_94 = tpu.memref_slice %arg4[%mul3A_89] : memref<780800xi32, #tpu.memory_space<hbm>> -> memref<6400xi32, #tpu.memory_space<hbm>>
      %dma_wait3A_95 = arith.constant 0 : i32
      %dma_wait3A_96 = tpu.memref_slice %arg7[%dma_wait3A, %dma_wait3A_95] : memref<2x6400xi32, #tpu.memory_space<vmem>> -> memref<1x6400xi32, #tpu.memory_space<vmem>>
      %dma_wait3A_97 = tpu.memref_squeeze %dma_wait3A_96 : memref<1x6400xi32, #tpu.memory_space<vmem>> -> memref<6400xi32, #tpu.memory_space<vmem>>
      tpu.wait_dma2 semaphore(%arg11 : memref<!tpu.dma_semaphore, #tpu.memory_space<semaphore_mem>>) src(%dma_wait3A_97 : memref<6400xi32, #tpu.memory_space<vmem>>) dst(%dma_wait3A_94 : memref<6400xi32, #tpu.memory_space<hbm>>)
    } else {
    }
    %add3A_64 = arith.constant 64 : i32
    %add3A_65 = arith.addi %add3A, %add3A_64 : i32
    %lt3A_66 = arith.constant 122 : i32
    %lt3A_67 = arith.cmpi slt, %add3A_65, %lt3A_66 : i32
    %add3A_68 = arith.constant 64 : i32
    %add3A_69 = arith.addi %add3A_65, %add3A_68 : i32
    %ge3A_70 = arith.constant 122 : i32
    %ge3A_71 = arith.cmpi sge, %add3A_69, %ge3A_70 : i32
    %and3A_72 = arith.andi %lt3A_67, %ge3A_71 : i1
    %convert_element_type3A_73 = arith.extui %and3A_72 : i1 to i32
    %cond3A_74 = arith.constant 0 : i32
    %cond3A_75 = arith.cmpi ne, %convert_element_type3A_73, %cond3A_74 : i32
    scf.if %cond3A_75 {
      %mul3A_88 = arith.constant 6400 : i32
      %mul3A_89 = arith.muli %add3A_65, %mul3A_88 : i32
      %dma_wait3A = arith.constant 0 : i32
      %dma_wait3A_90 = arith.constant 0 : i32
      %dma_wait3A_91 = tpu.memref_slice %arg7[%dma_wait3A, %dma_wait3A_90] : memref<2x6400xi32, #tpu.memory_space<vmem>> -> memref<1x6400xi32, #tpu.memory_space<vmem>>
      %dma_wait3A_92 = tpu.memref_squeeze %dma_wait3A_91 : memref<1x6400xi32, #tpu.memory_space<vmem>> -> memref<6400xi32, #tpu.memory_space<vmem>>
      %dma_wait3A_93 = tpu.memref_slice %arg4[%mul3A_89] : memref<780800xi32, #tpu.memory_space<hbm>> -> memref<6400xi32, #tpu.memory_space<hbm>>
      %dma_wait3A_94 = tpu.memref_slice %arg4[%mul3A_89] : memref<780800xi32, #tpu.memory_space<hbm>> -> memref<6400xi32, #tpu.memory_space<hbm>>
      %dma_wait3A_95 = arith.constant 0 : i32
      %dma_wait3A_96 = tpu.memref_slice %arg7[%dma_wait3A, %dma_wait3A_95] : memref<2x6400xi32, #tpu.memory_space<vmem>> -> memref<1x6400xi32, #tpu.memory_space<vmem>>
      %dma_wait3A_97 = tpu.memref_squeeze %dma_wait3A_96 : memref<1x6400xi32, #tpu.memory_space<vmem>> -> memref<6400xi32, #tpu.memory_space<vmem>>
      tpu.wait_dma2 semaphore(%arg10 : memref<!tpu.dma_semaphore, #tpu.memory_space<semaphore_mem>>) src(%dma_wait3A_97 : memref<6400xi32, #tpu.memory_space<vmem>>) dst(%dma_wait3A_94 : memref<6400xi32, #tpu.memory_space<hbm>>)
    } else {
    }
    %add3A_76 = arith.constant 96 : i32
    %add3A_77 = arith.addi %add3A, %add3A_76 : i32
    %lt3A_78 = arith.constant 122 : i32
    %lt3A_79 = arith.cmpi slt, %add3A_77, %lt3A_78 : i32
    %add3A_80 = arith.constant 64 : i32
    %add3A_81 = arith.addi %add3A_77, %add3A_80 : i32
    %ge3A_82 = arith.constant 122 : i32
    %ge3A_83 = arith.cmpi sge, %add3A_81, %ge3A_82 : i32
    %and3A_84 = arith.andi %lt3A_79, %ge3A_83 : i1
    %convert_element_type3A_85 = arith.extui %and3A_84 : i1 to i32
    %cond3A_86 = arith.constant 0 : i32
    %cond3A_87 = arith.cmpi ne, %convert_element_type3A_85, %cond3A_86 : i32
    scf.if %cond3A_87 {
      %mul3A_88 = arith.constant 6400 : i32
      %mul3A_89 = arith.muli %add3A_77, %mul3A_88 : i32
      %dma_wait3A = arith.constant 1 : i32
      %dma_wait3A_90 = arith.constant 0 : i32
      %dma_wait3A_91 = tpu.memref_slice %arg7[%dma_wait3A, %dma_wait3A_90] : memref<2x6400xi32, #tpu.memory_space<vmem>> -> memref<1x6400xi32, #tpu.memory_space<vmem>>
      %dma_wait3A_92 = tpu.memref_squeeze %dma_wait3A_91 : memref<1x6400xi32, #tpu.memory_space<vmem>> -> memref<6400xi32, #tpu.memory_space<vmem>>
      %dma_wait3A_93 = tpu.memref_slice %arg4[%mul3A_89] : memref<780800xi32, #tpu.memory_space<hbm>> -> memref<6400xi32, #tpu.memory_space<hbm>>
      %dma_wait3A_94 = tpu.memref_slice %arg4[%mul3A_89] : memref<780800xi32, #tpu.memory_space<hbm>> -> memref<6400xi32, #tpu.memory_space<hbm>>
      %dma_wait3A_95 = arith.constant 0 : i32
      %dma_wait3A_96 = tpu.memref_slice %arg7[%dma_wait3A, %dma_wait3A_95] : memref<2x6400xi32, #tpu.memory_space<vmem>> -> memref<1x6400xi32, #tpu.memory_space<vmem>>
      %dma_wait3A_97 = tpu.memref_squeeze %dma_wait3A_96 : memref<1x6400xi32, #tpu.memory_space<vmem>> -> memref<6400xi32, #tpu.memory_space<vmem>>
      tpu.wait_dma2 semaphore(%arg11 : memref<!tpu.dma_semaphore, #tpu.memory_space<semaphore_mem>>) src(%dma_wait3A_97 : memref<6400xi32, #tpu.memory_space<vmem>>) dst(%dma_wait3A_94 : memref<6400xi32, #tpu.memory_space<hbm>>)
    } else {
    }
    return
  }
}

#map = affine_map<(d0, d1) -> (0)>
#map1 = affine_map<(d0, d1) -> (0, 0)>
module attributes {stable_mosaic.version = 14 : i64} {
  func.func @sc_bond(%arg0: i32, %arg1: i32, %arg2: memref<50000xi32, #tpu.memory_space<hbm>>, %arg3: memref<2x1600000xi32, #tpu.memory_space<hbm>>, %arg4: memref<819200xi32, #tpu.memory_space<hbm>>, %arg5: memref<50048xi32, #tpu.memory_space<vmem>>, %arg6: memref<2x2x6400xi32, #tpu.memory_space<vmem>>, %arg7: memref<2x6400xi32, #tpu.memory_space<vmem>>, %arg8: memref<!tpu.dma_semaphore, #tpu.memory_space<semaphore_mem>>, %arg9: memref<!tpu.dma_semaphore, #tpu.memory_space<semaphore_mem>>, %arg10: memref<!tpu.dma_semaphore, #tpu.memory_space<semaphore_mem>>, %arg11: memref<!tpu.dma_semaphore, #tpu.memory_space<semaphore_mem>>) attributes {dimension_semantics = [#tpu.dimension_semantics<core_parallel>, #tpu.dimension_semantics<subcore_parallel>], iteration_bounds = array<i64: 2, 16>, scalar_prefetch = 0 : i64, scratch_operands = 7 : i64, tpu.core_type = #tpu.core_type<sc_vector_subcore>, window_params = [{transform_indices = #map}, {transform_indices = #map1}, {transform_indices = #map}]} {
    %mul3A = arith.constant 2 : i32
    %mul3A_0 = arith.muli %arg1, %mul3A : i32
    %add3A = arith.addi %mul3A_0, %arg0 : i32
    "tpu.region"() ({
      %run_scoped3A = tpu.sem_alloc : memref<!tpu.dma_semaphore, #tpu.memory_space<semaphore_mem>>
      %dma_start3A = arith.constant 0 : i32
      %dma_start3A_88 = tpu.memref_slice %arg5[%dma_start3A] : memref<50048xi32, #tpu.memory_space<vmem>> -> memref<50000xi32, #tpu.memory_space<vmem>>
      %dma_start3A_89 = arith.constant 0 : i32
      %dma_start3A_90 = tpu.memref_slice %arg5[%dma_start3A_89] : memref<50048xi32, #tpu.memory_space<vmem>> -> memref<50000xi32, #tpu.memory_space<vmem>>
      tpu.enqueue_dma source(%arg2 : memref<50000xi32, #tpu.memory_space<hbm>>) target(%dma_start3A_90 : memref<50000xi32, #tpu.memory_space<vmem>>) target_semaphore(%run_scoped3A : memref<!tpu.dma_semaphore, #tpu.memory_space<semaphore_mem>>)
      %dma_wait3A = arith.constant 0 : i32
      %dma_wait3A_91 = tpu.memref_slice %arg5[%dma_wait3A] : memref<50048xi32, #tpu.memory_space<vmem>> -> memref<50000xi32, #tpu.memory_space<vmem>>
      %dma_wait3A_92 = arith.constant 0 : i32
      %dma_wait3A_93 = tpu.memref_slice %arg5[%dma_wait3A_92] : memref<50048xi32, #tpu.memory_space<vmem>> -> memref<50000xi32, #tpu.memory_space<vmem>>
      tpu.wait_dma2 semaphore(%run_scoped3A : memref<!tpu.dma_semaphore, #tpu.memory_space<semaphore_mem>>) src(%arg2 : memref<50000xi32, #tpu.memory_space<hbm>>) dst(%dma_wait3A_93 : memref<50000xi32, #tpu.memory_space<vmem>>)
      tpu.yield
    }) : () -> ()
    %add3A_1 = arith.constant 0 : i32
    %add3A_2 = arith.addi %add3A, %add3A_1 : i32
    %lt3A = arith.constant 128 : i32
    %lt3A_3 = arith.cmpi slt, %add3A_2, %lt3A : i32
    %convert_element_type3A = arith.extui %lt3A_3 : i1 to i32
    %cond3A = arith.constant 0 : i32
    %cond3A_4 = arith.cmpi ne, %convert_element_type3A, %cond3A : i32
    scf.if %cond3A_4 {
      %mul3A_88 = arith.constant 6400 : i32
      %mul3A_89 = arith.muli %add3A_2, %mul3A_88 : i32
      %add3A_90 = arith.constant 0 : i32
      %add3A_91 = arith.addi %add3A_90, %mul3A_89 : i32
      %dma_start3A = arith.constant 0 : i32
      %dma_start3A_92 = arith.constant 0 : i32
      %dma_start3A_93 = arith.constant 0 : i32
      %dma_start3A_94 = tpu.memref_slice %arg6[%dma_start3A, %dma_start3A_92, %dma_start3A_93] : memref<2x2x6400xi32, #tpu.memory_space<vmem>> -> memref<1x2x6400xi32, #tpu.memory_space<vmem>>
      %dma_start3A_95 = tpu.memref_squeeze %dma_start3A_94 : memref<1x2x6400xi32, #tpu.memory_space<vmem>> -> memref<2x6400xi32, #tpu.memory_space<vmem>>
      %dma_start3A_96 = arith.constant 0 : i32
      %dma_start3A_97 = tpu.memref_slice %arg3[%dma_start3A_96, %add3A_91] : memref<2x1600000xi32, #tpu.memory_space<hbm>> -> memref<2x6400xi32, #tpu.memory_space<hbm>>
      %dma_start3A_98 = arith.constant 0 : i32
      %dma_start3A_99 = arith.constant 0 : i32
      %dma_start3A_100 = tpu.memref_slice %arg6[%dma_start3A, %dma_start3A_98, %dma_start3A_99] : memref<2x2x6400xi32, #tpu.memory_space<vmem>> -> memref<1x2x6400xi32, #tpu.memory_space<vmem>>
      %dma_start3A_101 = tpu.memref_squeeze %dma_start3A_100 : memref<1x2x6400xi32, #tpu.memory_space<vmem>> -> memref<2x6400xi32, #tpu.memory_space<vmem>>
      %dma_start3A_102 = arith.constant 0 : i32
      %dma_start3A_103 = tpu.memref_slice %arg3[%dma_start3A_102, %add3A_91] : memref<2x1600000xi32, #tpu.memory_space<hbm>> -> memref<2x6400xi32, #tpu.memory_space<hbm>>
      tpu.enqueue_dma source(%dma_start3A_103 : memref<2x6400xi32, #tpu.memory_space<hbm>>) target(%dma_start3A_101 : memref<2x6400xi32, #tpu.memory_space<vmem>>) target_semaphore(%arg8 : memref<!tpu.dma_semaphore, #tpu.memory_space<semaphore_mem>>)
    } else {
    }
    %add3A_5 = arith.constant 0 : i32
    %add3A_6 = arith.addi %add3A, %add3A_5 : i32
    %add3A_7 = arith.constant 32 : i32
    %add3A_8 = arith.addi %add3A, %add3A_7 : i32
    %lt3A_9 = arith.constant 128 : i32
    %lt3A_10 = arith.cmpi slt, %add3A_8, %lt3A_9 : i32
    %convert_element_type3A_11 = arith.extui %lt3A_10 : i1 to i32
    %cond3A_12 = arith.constant 0 : i32
    %cond3A_13 = arith.cmpi ne, %convert_element_type3A_11, %cond3A_12 : i32
    scf.if %cond3A_13 {
      %mul3A_88 = arith.constant 6400 : i32
      %mul3A_89 = arith.muli %add3A_8, %mul3A_88 : i32
      %add3A_90 = arith.constant 0 : i32
      %add3A_91 = arith.addi %add3A_90, %mul3A_89 : i32
      %dma_start3A = arith.constant 1 : i32
      %dma_start3A_92 = arith.constant 0 : i32
      %dma_start3A_93 = arith.constant 0 : i32
      %dma_start3A_94 = tpu.memref_slice %arg6[%dma_start3A, %dma_start3A_92, %dma_start3A_93] : memref<2x2x6400xi32, #tpu.memory_space<vmem>> -> memref<1x2x6400xi32, #tpu.memory_space<vmem>>
      %dma_start3A_95 = tpu.memref_squeeze %dma_start3A_94 : memref<1x2x6400xi32, #tpu.memory_space<vmem>> -> memref<2x6400xi32, #tpu.memory_space<vmem>>
      %dma_start3A_96 = arith.constant 0 : i32
      %dma_start3A_97 = tpu.memref_slice %arg3[%dma_start3A_96, %add3A_91] : memref<2x1600000xi32, #tpu.memory_space<hbm>> -> memref<2x6400xi32, #tpu.memory_space<hbm>>
      %dma_start3A_98 = arith.constant 0 : i32
      %dma_start3A_99 = arith.constant 0 : i32
      %dma_start3A_100 = tpu.memref_slice %arg6[%dma_start3A, %dma_start3A_98, %dma_start3A_99] : memref<2x2x6400xi32, #tpu.memory_space<vmem>> -> memref<1x2x6400xi32, #tpu.memory_space<vmem>>
      %dma_start3A_101 = tpu.memref_squeeze %dma_start3A_100 : memref<1x2x6400xi32, #tpu.memory_space<vmem>> -> memref<2x6400xi32, #tpu.memory_space<vmem>>
      %dma_start3A_102 = arith.constant 0 : i32
      %dma_start3A_103 = tpu.memref_slice %arg3[%dma_start3A_102, %add3A_91] : memref<2x1600000xi32, #tpu.memory_space<hbm>> -> memref<2x6400xi32, #tpu.memory_space<hbm>>
      tpu.enqueue_dma source(%dma_start3A_103 : memref<2x6400xi32, #tpu.memory_space<hbm>>) target(%dma_start3A_101 : memref<2x6400xi32, #tpu.memory_space<vmem>>) target_semaphore(%arg9 : memref<!tpu.dma_semaphore, #tpu.memory_space<semaphore_mem>>)
    } else {
    }
    %lt3A_14 = arith.constant 128 : i32
    %lt3A_15 = arith.cmpi slt, %add3A_6, %lt3A_14 : i32
    %convert_element_type3A_16 = arith.extui %lt3A_15 : i1 to i32
    %cond3A_17 = arith.constant 0 : i32
    %cond3A_18 = arith.cmpi ne, %convert_element_type3A_16, %cond3A_17 : i32
    scf.if %cond3A_18 {
      %mul3A_88 = arith.constant 6400 : i32
      %mul3A_89 = arith.muli %add3A_6, %mul3A_88 : i32
      %add3A_90 = arith.constant 0 : i32
      %add3A_91 = arith.addi %add3A_90, %mul3A_89 : i32
      %dma_wait3A = arith.constant 0 : i32
      %dma_wait3A_92 = arith.constant 0 : i32
      %dma_wait3A_93 = arith.constant 0 : i32
      %dma_wait3A_94 = tpu.memref_slice %arg6[%dma_wait3A, %dma_wait3A_92, %dma_wait3A_93] : memref<2x2x6400xi32, #tpu.memory_space<vmem>> -> memref<1x2x6400xi32, #tpu.memory_space<vmem>>
      %dma_wait3A_95 = tpu.memref_squeeze %dma_wait3A_94 : memref<1x2x6400xi32, #tpu.memory_space<vmem>> -> memref<2x6400xi32, #tpu.memory_space<vmem>>
      %dma_wait3A_96 = arith.constant 0 : i32
      %dma_wait3A_97 = tpu.memref_slice %arg3[%dma_wait3A_96, %add3A_91] : memref<2x1600000xi32, #tpu.memory_space<hbm>> -> memref<2x6400xi32, #tpu.memory_space<hbm>>
      %dma_wait3A_98 = arith.constant 0 : i32
      %dma_wait3A_99 = arith.constant 0 : i32
      %dma_wait3A_100 = tpu.memref_slice %arg6[%dma_wait3A, %dma_wait3A_98, %dma_wait3A_99] : memref<2x2x6400xi32, #tpu.memory_space<vmem>> -> memref<1x2x6400xi32, #tpu.memory_space<vmem>>
      %dma_wait3A_101 = tpu.memref_squeeze %dma_wait3A_100 : memref<1x2x6400xi32, #tpu.memory_space<vmem>> -> memref<2x6400xi32, #tpu.memory_space<vmem>>
      %dma_wait3A_102 = arith.constant 0 : i32
      %dma_wait3A_103 = tpu.memref_slice %arg3[%dma_wait3A_102, %add3A_91] : memref<2x1600000xi32, #tpu.memory_space<hbm>> -> memref<2x6400xi32, #tpu.memory_space<hbm>>
      tpu.wait_dma2 semaphore(%arg8 : memref<!tpu.dma_semaphore, #tpu.memory_space<semaphore_mem>>) src(%dma_wait3A_103 : memref<2x6400xi32, #tpu.memory_space<hbm>>) dst(%dma_wait3A_101 : memref<2x6400xi32, #tpu.memory_space<vmem>>)
      %parallel_loop3A = arith.constant 0 : i32
      %parallel_loop3A_104 = arith.constant 6400 : i32
      %parallel_loop3A_105 = arith.constant 16 : i32
      scf.for %parallel_loop3A_116 = %parallel_loop3A to %parallel_loop3A_104 step %parallel_loop3A_105  : i32 {
        %parallel_loop3A_117 = arith.constant 0 : i32
        %parallel_loop3A_118 = arith.constant 0 : i32
        %parallel_loop3A_119 = arith.index_cast %parallel_loop3A_117 : i32 to index
        %parallel_loop3A_120 = arith.index_cast %parallel_loop3A_118 : i32 to index
        %parallel_loop3A_121 = arith.index_cast %parallel_loop3A_116 : i32 to index
        %parallel_loop3A_122 = tpu.vector_load %arg6[%parallel_loop3A_119, %parallel_loop3A_120, %parallel_loop3A_121] {strides = array<i32>} : memref<2x2x6400xi32, #tpu.memory_space<vmem>>, vector<16xi32>,
        %parallel_loop3A_123 = tpu.vector_load_idx %arg5[%parallel_loop3A_122] : memref<50048xi32, #tpu.memory_space<vmem>>[vector<16xi32>], vector<16xi32>,
        %parallel_loop3A_124 = arith.constant 0 : i32
        %parallel_loop3A_125 = arith.constant 1 : i32
        %parallel_loop3A_126 = arith.index_cast %parallel_loop3A_124 : i32 to index
        %parallel_loop3A_127 = arith.index_cast %parallel_loop3A_125 : i32 to index
        %parallel_loop3A_128 = arith.index_cast %parallel_loop3A_116 : i32 to index
        %parallel_loop3A_129 = tpu.vector_load %arg6[%parallel_loop3A_126, %parallel_loop3A_127, %parallel_loop3A_128] {strides = array<i32>} : memref<2x2x6400xi32, #tpu.memory_space<vmem>>, vector<16xi32>,
        %parallel_loop3A_130 = tpu.vector_load_idx %arg5[%parallel_loop3A_129] : memref<50048xi32, #tpu.memory_space<vmem>>[vector<16xi32>], vector<16xi32>,
        %parallel_loop3A_131 = arith.constant 2 : i32
        %parallel_loop3A_132 = vector.broadcast %parallel_loop3A_131 : i32 to vector<16xi32>
        %parallel_loop3A_133 = arith.muli %parallel_loop3A_123, %parallel_loop3A_132 : vector<16xi32>
        %parallel_loop3A_134 = arith.addi %parallel_loop3A_133, %parallel_loop3A_130 : vector<16xi32>
        %parallel_loop3A_135 = arith.constant 0 : i32
        %parallel_loop3A_136 = arith.index_cast %parallel_loop3A_135 : i32 to index
        %parallel_loop3A_137 = arith.index_cast %parallel_loop3A_116 : i32 to index
        %parallel_loop3A_138 = tpu.vector_load %arg7[%parallel_loop3A_136, %parallel_loop3A_137] {strides = array<i32>} : memref<2x6400xi32, #tpu.memory_space<vmem>>, vector<16xi32>,
        tpu.vector_store %arg7[%parallel_loop3A_136, %parallel_loop3A_137], %parallel_loop3A_134 {strides = array<i32>} : memref<2x6400xi32, #tpu.memory_space<vmem>>, vector<16xi32>,
      } {sc.loop_unroll_factor = 8 : i64, sc.parallel_access}
      %mul3A_106 = arith.constant 6400 : i32
      %mul3A_107 = arith.muli %add3A_6, %mul3A_106 : i32
      %dma_start3A = arith.constant 0 : i32
      %dma_start3A_108 = arith.constant 0 : i32
      %dma_start3A_109 = tpu.memref_slice %arg7[%dma_start3A, %dma_start3A_108] : memref<2x6400xi32, #tpu.memory_space<vmem>> -> memref<1x6400xi32, #tpu.memory_space<vmem>>
      %dma_start3A_110 = tpu.memref_squeeze %dma_start3A_109 : memref<1x6400xi32, #tpu.memory_space<vmem>> -> memref<6400xi32, #tpu.memory_space<vmem>>
      %dma_start3A_111 = tpu.memref_slice %arg4[%mul3A_107] : memref<819200xi32, #tpu.memory_space<hbm>> -> memref<6400xi32, #tpu.memory_space<hbm>>
      %dma_start3A_112 = tpu.memref_slice %arg4[%mul3A_107] : memref<819200xi32, #tpu.memory_space<hbm>> -> memref<6400xi32, #tpu.memory_space<hbm>>
      %dma_start3A_113 = arith.constant 0 : i32
      %dma_start3A_114 = tpu.memref_slice %arg7[%dma_start3A, %dma_start3A_113] : memref<2x6400xi32, #tpu.memory_space<vmem>> -> memref<1x6400xi32, #tpu.memory_space<vmem>>
      %dma_start3A_115 = tpu.memref_squeeze %dma_start3A_114 : memref<1x6400xi32, #tpu.memory_space<vmem>> -> memref<6400xi32, #tpu.memory_space<vmem>>
      tpu.enqueue_dma source(%dma_start3A_115 : memref<6400xi32, #tpu.memory_space<vmem>>) target(%dma_start3A_112 : memref<6400xi32, #tpu.memory_space<hbm>>) target_semaphore(%arg10 : memref<!tpu.dma_semaphore, #tpu.memory_space<semaphore_mem>>)
    } else {
    }
    %add3A_19 = arith.constant 32 : i32
    %add3A_20 = arith.addi %add3A, %add3A_19 : i32
    %add3A_21 = arith.constant 64 : i32
    %add3A_22 = arith.addi %add3A, %add3A_21 : i32
    %lt3A_23 = arith.constant 128 : i32
    %lt3A_24 = arith.cmpi slt, %add3A_22, %lt3A_23 : i32
    %convert_element_type3A_25 = arith.extui %lt3A_24 : i1 to i32
    %cond3A_26 = arith.constant 0 : i32
    %cond3A_27 = arith.cmpi ne, %convert_element_type3A_25, %cond3A_26 : i32
    scf.if %cond3A_27 {
      %mul3A_88 = arith.constant 6400 : i32
      %mul3A_89 = arith.muli %add3A_22, %mul3A_88 : i32
      %add3A_90 = arith.constant 0 : i32
      %add3A_91 = arith.addi %add3A_90, %mul3A_89 : i32
      %dma_start3A = arith.constant 0 : i32
      %dma_start3A_92 = arith.constant 0 : i32
      %dma_start3A_93 = arith.constant 0 : i32
      %dma_start3A_94 = tpu.memref_slice %arg6[%dma_start3A, %dma_start3A_92, %dma_start3A_93] : memref<2x2x6400xi32, #tpu.memory_space<vmem>> -> memref<1x2x6400xi32, #tpu.memory_space<vmem>>
      %dma_start3A_95 = tpu.memref_squeeze %dma_start3A_94 : memref<1x2x6400xi32, #tpu.memory_space<vmem>> -> memref<2x6400xi32, #tpu.memory_space<vmem>>
      %dma_start3A_96 = arith.constant 0 : i32
      %dma_start3A_97 = tpu.memref_slice %arg3[%dma_start3A_96, %add3A_91] : memref<2x1600000xi32, #tpu.memory_space<hbm>> -> memref<2x6400xi32, #tpu.memory_space<hbm>>
      %dma_start3A_98 = arith.constant 0 : i32
      %dma_start3A_99 = arith.constant 0 : i32
      %dma_start3A_100 = tpu.memref_slice %arg6[%dma_start3A, %dma_start3A_98, %dma_start3A_99] : memref<2x2x6400xi32, #tpu.memory_space<vmem>> -> memref<1x2x6400xi32, #tpu.memory_space<vmem>>
      %dma_start3A_101 = tpu.memref_squeeze %dma_start3A_100 : memref<1x2x6400xi32, #tpu.memory_space<vmem>> -> memref<2x6400xi32, #tpu.memory_space<vmem>>
      %dma_start3A_102 = arith.constant 0 : i32
      %dma_start3A_103 = tpu.memref_slice %arg3[%dma_start3A_102, %add3A_91] : memref<2x1600000xi32, #tpu.memory_space<hbm>> -> memref<2x6400xi32, #tpu.memory_space<hbm>>
      tpu.enqueue_dma source(%dma_start3A_103 : memref<2x6400xi32, #tpu.memory_space<hbm>>) target(%dma_start3A_101 : memref<2x6400xi32, #tpu.memory_space<vmem>>) target_semaphore(%arg8 : memref<!tpu.dma_semaphore, #tpu.memory_space<semaphore_mem>>)
    } else {
    }
    %lt3A_28 = arith.constant 128 : i32
    %lt3A_29 = arith.cmpi slt, %add3A_20, %lt3A_28 : i32
    %convert_element_type3A_30 = arith.extui %lt3A_29 : i1 to i32
    %cond3A_31 = arith.constant 0 : i32
    %cond3A_32 = arith.cmpi ne, %convert_element_type3A_30, %cond3A_31 : i32
    scf.if %cond3A_32 {
      %mul3A_88 = arith.constant 6400 : i32
      %mul3A_89 = arith.muli %add3A_20, %mul3A_88 : i32
      %add3A_90 = arith.constant 0 : i32
      %add3A_91 = arith.addi %add3A_90, %mul3A_89 : i32
      %dma_wait3A = arith.constant 1 : i32
      %dma_wait3A_92 = arith.constant 0 : i32
      %dma_wait3A_93 = arith.constant 0 : i32
      %dma_wait3A_94 = tpu.memref_slice %arg6[%dma_wait3A, %dma_wait3A_92, %dma_wait3A_93] : memref<2x2x6400xi32, #tpu.memory_space<vmem>> -> memref<1x2x6400xi32, #tpu.memory_space<vmem>>
      %dma_wait3A_95 = tpu.memref_squeeze %dma_wait3A_94 : memref<1x2x6400xi32, #tpu.memory_space<vmem>> -> memref<2x6400xi32, #tpu.memory_space<vmem>>
      %dma_wait3A_96 = arith.constant 0 : i32
      %dma_wait3A_97 = tpu.memref_slice %arg3[%dma_wait3A_96, %add3A_91] : memref<2x1600000xi32, #tpu.memory_space<hbm>> -> memref<2x6400xi32, #tpu.memory_space<hbm>>
      %dma_wait3A_98 = arith.constant 0 : i32
      %dma_wait3A_99 = arith.constant 0 : i32
      %dma_wait3A_100 = tpu.memref_slice %arg6[%dma_wait3A, %dma_wait3A_98, %dma_wait3A_99] : memref<2x2x6400xi32, #tpu.memory_space<vmem>> -> memref<1x2x6400xi32, #tpu.memory_space<vmem>>
      %dma_wait3A_101 = tpu.memref_squeeze %dma_wait3A_100 : memref<1x2x6400xi32, #tpu.memory_space<vmem>> -> memref<2x6400xi32, #tpu.memory_space<vmem>>
      %dma_wait3A_102 = arith.constant 0 : i32
      %dma_wait3A_103 = tpu.memref_slice %arg3[%dma_wait3A_102, %add3A_91] : memref<2x1600000xi32, #tpu.memory_space<hbm>> -> memref<2x6400xi32, #tpu.memory_space<hbm>>
      tpu.wait_dma2 semaphore(%arg9 : memref<!tpu.dma_semaphore, #tpu.memory_space<semaphore_mem>>) src(%dma_wait3A_103 : memref<2x6400xi32, #tpu.memory_space<hbm>>) dst(%dma_wait3A_101 : memref<2x6400xi32, #tpu.memory_space<vmem>>)
      %parallel_loop3A = arith.constant 0 : i32
      %parallel_loop3A_104 = arith.constant 6400 : i32
      %parallel_loop3A_105 = arith.constant 16 : i32
      scf.for %parallel_loop3A_116 = %parallel_loop3A to %parallel_loop3A_104 step %parallel_loop3A_105  : i32 {
        %parallel_loop3A_117 = arith.constant 1 : i32
        %parallel_loop3A_118 = arith.constant 0 : i32
        %parallel_loop3A_119 = arith.index_cast %parallel_loop3A_117 : i32 to index
        %parallel_loop3A_120 = arith.index_cast %parallel_loop3A_118 : i32 to index
        %parallel_loop3A_121 = arith.index_cast %parallel_loop3A_116 : i32 to index
        %parallel_loop3A_122 = tpu.vector_load %arg6[%parallel_loop3A_119, %parallel_loop3A_120, %parallel_loop3A_121] {strides = array<i32>} : memref<2x2x6400xi32, #tpu.memory_space<vmem>>, vector<16xi32>,
        %parallel_loop3A_123 = tpu.vector_load_idx %arg5[%parallel_loop3A_122] : memref<50048xi32, #tpu.memory_space<vmem>>[vector<16xi32>], vector<16xi32>,
        %parallel_loop3A_124 = arith.constant 1 : i32
        %parallel_loop3A_125 = arith.constant 1 : i32
        %parallel_loop3A_126 = arith.index_cast %parallel_loop3A_124 : i32 to index
        %parallel_loop3A_127 = arith.index_cast %parallel_loop3A_125 : i32 to index
        %parallel_loop3A_128 = arith.index_cast %parallel_loop3A_116 : i32 to index
        %parallel_loop3A_129 = tpu.vector_load %arg6[%parallel_loop3A_126, %parallel_loop3A_127, %parallel_loop3A_128] {strides = array<i32>} : memref<2x2x6400xi32, #tpu.memory_space<vmem>>, vector<16xi32>,
        %parallel_loop3A_130 = tpu.vector_load_idx %arg5[%parallel_loop3A_129] : memref<50048xi32, #tpu.memory_space<vmem>>[vector<16xi32>], vector<16xi32>,
        %parallel_loop3A_131 = arith.constant 2 : i32
        %parallel_loop3A_132 = vector.broadcast %parallel_loop3A_131 : i32 to vector<16xi32>
        %parallel_loop3A_133 = arith.muli %parallel_loop3A_123, %parallel_loop3A_132 : vector<16xi32>
        %parallel_loop3A_134 = arith.addi %parallel_loop3A_133, %parallel_loop3A_130 : vector<16xi32>
        %parallel_loop3A_135 = arith.constant 1 : i32
        %parallel_loop3A_136 = arith.index_cast %parallel_loop3A_135 : i32 to index
        %parallel_loop3A_137 = arith.index_cast %parallel_loop3A_116 : i32 to index
        %parallel_loop3A_138 = tpu.vector_load %arg7[%parallel_loop3A_136, %parallel_loop3A_137] {strides = array<i32>} : memref<2x6400xi32, #tpu.memory_space<vmem>>, vector<16xi32>,
        tpu.vector_store %arg7[%parallel_loop3A_136, %parallel_loop3A_137], %parallel_loop3A_134 {strides = array<i32>} : memref<2x6400xi32, #tpu.memory_space<vmem>>, vector<16xi32>,
      } {sc.loop_unroll_factor = 8 : i64, sc.parallel_access}
      %mul3A_106 = arith.constant 6400 : i32
      %mul3A_107 = arith.muli %add3A_20, %mul3A_106 : i32
      %dma_start3A = arith.constant 1 : i32
      %dma_start3A_108 = arith.constant 0 : i32
      %dma_start3A_109 = tpu.memref_slice %arg7[%dma_start3A, %dma_start3A_108] : memref<2x6400xi32, #tpu.memory_space<vmem>> -> memref<1x6400xi32, #tpu.memory_space<vmem>>
      %dma_start3A_110 = tpu.memref_squeeze %dma_start3A_109 : memref<1x6400xi32, #tpu.memory_space<vmem>> -> memref<6400xi32, #tpu.memory_space<vmem>>
      %dma_start3A_111 = tpu.memref_slice %arg4[%mul3A_107] : memref<819200xi32, #tpu.memory_space<hbm>> -> memref<6400xi32, #tpu.memory_space<hbm>>
      %dma_start3A_112 = tpu.memref_slice %arg4[%mul3A_107] : memref<819200xi32, #tpu.memory_space<hbm>> -> memref<6400xi32, #tpu.memory_space<hbm>>
      %dma_start3A_113 = arith.constant 0 : i32
      %dma_start3A_114 = tpu.memref_slice %arg7[%dma_start3A, %dma_start3A_113] : memref<2x6400xi32, #tpu.memory_space<vmem>> -> memref<1x6400xi32, #tpu.memory_space<vmem>>
      %dma_start3A_115 = tpu.memref_squeeze %dma_start3A_114 : memref<1x6400xi32, #tpu.memory_space<vmem>> -> memref<6400xi32, #tpu.memory_space<vmem>>
      tpu.enqueue_dma source(%dma_start3A_115 : memref<6400xi32, #tpu.memory_space<vmem>>) target(%dma_start3A_112 : memref<6400xi32, #tpu.memory_space<hbm>>) target_semaphore(%arg11 : memref<!tpu.dma_semaphore, #tpu.memory_space<semaphore_mem>>)
    } else {
    }
    %add3A_33 = arith.constant 64 : i32
    %add3A_34 = arith.addi %add3A, %add3A_33 : i32
    %add3A_35 = arith.constant 96 : i32
    %add3A_36 = arith.addi %add3A, %add3A_35 : i32
    %lt3A_37 = arith.constant 128 : i32
    %lt3A_38 = arith.cmpi slt, %add3A_36, %lt3A_37 : i32
    %convert_element_type3A_39 = arith.extui %lt3A_38 : i1 to i32
    %cond3A_40 = arith.constant 0 : i32
    %cond3A_41 = arith.cmpi ne, %convert_element_type3A_39, %cond3A_40 : i32
    scf.if %cond3A_41 {
      %mul3A_88 = arith.constant 6400 : i32
      %mul3A_89 = arith.muli %add3A_36, %mul3A_88 : i32
      %add3A_90 = arith.constant 0 : i32
      %add3A_91 = arith.addi %add3A_90, %mul3A_89 : i32
      %dma_start3A = arith.constant 1 : i32
      %dma_start3A_92 = arith.constant 0 : i32
      %dma_start3A_93 = arith.constant 0 : i32
      %dma_start3A_94 = tpu.memref_slice %arg6[%dma_start3A, %dma_start3A_92, %dma_start3A_93] : memref<2x2x6400xi32, #tpu.memory_space<vmem>> -> memref<1x2x6400xi32, #tpu.memory_space<vmem>>
      %dma_start3A_95 = tpu.memref_squeeze %dma_start3A_94 : memref<1x2x6400xi32, #tpu.memory_space<vmem>> -> memref<2x6400xi32, #tpu.memory_space<vmem>>
      %dma_start3A_96 = arith.constant 0 : i32
      %dma_start3A_97 = tpu.memref_slice %arg3[%dma_start3A_96, %add3A_91] : memref<2x1600000xi32, #tpu.memory_space<hbm>> -> memref<2x6400xi32, #tpu.memory_space<hbm>>
      %dma_start3A_98 = arith.constant 0 : i32
      %dma_start3A_99 = arith.constant 0 : i32
      %dma_start3A_100 = tpu.memref_slice %arg6[%dma_start3A, %dma_start3A_98, %dma_start3A_99] : memref<2x2x6400xi32, #tpu.memory_space<vmem>> -> memref<1x2x6400xi32, #tpu.memory_space<vmem>>
      %dma_start3A_101 = tpu.memref_squeeze %dma_start3A_100 : memref<1x2x6400xi32, #tpu.memory_space<vmem>> -> memref<2x6400xi32, #tpu.memory_space<vmem>>
      %dma_start3A_102 = arith.constant 0 : i32
      %dma_start3A_103 = tpu.memref_slice %arg3[%dma_start3A_102, %add3A_91] : memref<2x1600000xi32, #tpu.memory_space<hbm>> -> memref<2x6400xi32, #tpu.memory_space<hbm>>
      tpu.enqueue_dma source(%dma_start3A_103 : memref<2x6400xi32, #tpu.memory_space<hbm>>) target(%dma_start3A_101 : memref<2x6400xi32, #tpu.memory_space<vmem>>) target_semaphore(%arg9 : memref<!tpu.dma_semaphore, #tpu.memory_space<semaphore_mem>>)
    } else {
    }
    %lt3A_42 = arith.constant 128 : i32
    %lt3A_43 = arith.cmpi slt, %add3A_34, %lt3A_42 : i32
    %convert_element_type3A_44 = arith.extui %lt3A_43 : i1 to i32
    %cond3A_45 = arith.constant 0 : i32
    %cond3A_46 = arith.cmpi ne, %convert_element_type3A_44, %cond3A_45 : i32
    scf.if %cond3A_46 {
      %mul3A_88 = arith.constant 6400 : i32
      %mul3A_89 = arith.muli %add3A_34, %mul3A_88 : i32
      %add3A_90 = arith.constant 0 : i32
      %add3A_91 = arith.addi %add3A_90, %mul3A_89 : i32
      %dma_wait3A = arith.constant 0 : i32
      %dma_wait3A_92 = arith.constant 0 : i32
      %dma_wait3A_93 = arith.constant 0 : i32
      %dma_wait3A_94 = tpu.memref_slice %arg6[%dma_wait3A, %dma_wait3A_92, %dma_wait3A_93] : memref<2x2x6400xi32, #tpu.memory_space<vmem>> -> memref<1x2x6400xi32, #tpu.memory_space<vmem>>
      %dma_wait3A_95 = tpu.memref_squeeze %dma_wait3A_94 : memref<1x2x6400xi32, #tpu.memory_space<vmem>> -> memref<2x6400xi32, #tpu.memory_space<vmem>>
      %dma_wait3A_96 = arith.constant 0 : i32
      %dma_wait3A_97 = tpu.memref_slice %arg3[%dma_wait3A_96, %add3A_91] : memref<2x1600000xi32, #tpu.memory_space<hbm>> -> memref<2x6400xi32, #tpu.memory_space<hbm>>
      %dma_wait3A_98 = arith.constant 0 : i32
      %dma_wait3A_99 = arith.constant 0 : i32
      %dma_wait3A_100 = tpu.memref_slice %arg6[%dma_wait3A, %dma_wait3A_98, %dma_wait3A_99] : memref<2x2x6400xi32, #tpu.memory_space<vmem>> -> memref<1x2x6400xi32, #tpu.memory_space<vmem>>
      %dma_wait3A_101 = tpu.memref_squeeze %dma_wait3A_100 : memref<1x2x6400xi32, #tpu.memory_space<vmem>> -> memref<2x6400xi32, #tpu.memory_space<vmem>>
      %dma_wait3A_102 = arith.constant 0 : i32
      %dma_wait3A_103 = tpu.memref_slice %arg3[%dma_wait3A_102, %add3A_91] : memref<2x1600000xi32, #tpu.memory_space<hbm>> -> memref<2x6400xi32, #tpu.memory_space<hbm>>
      tpu.wait_dma2 semaphore(%arg8 : memref<!tpu.dma_semaphore, #tpu.memory_space<semaphore_mem>>) src(%dma_wait3A_103 : memref<2x6400xi32, #tpu.memory_space<hbm>>) dst(%dma_wait3A_101 : memref<2x6400xi32, #tpu.memory_space<vmem>>)
      %sub3A = arith.constant 64 : i32
      %sub3A_104 = arith.subi %add3A_34, %sub3A : i32
      %mul3A_105 = arith.constant 6400 : i32
      %mul3A_106 = arith.muli %sub3A_104, %mul3A_105 : i32
      %dma_wait3A_107 = arith.constant 0 : i32
      %dma_wait3A_108 = arith.constant 0 : i32
      %dma_wait3A_109 = tpu.memref_slice %arg7[%dma_wait3A_107, %dma_wait3A_108] : memref<2x6400xi32, #tpu.memory_space<vmem>> -> memref<1x6400xi32, #tpu.memory_space<vmem>>
      %dma_wait3A_110 = tpu.memref_squeeze %dma_wait3A_109 : memref<1x6400xi32, #tpu.memory_space<vmem>> -> memref<6400xi32, #tpu.memory_space<vmem>>
      %dma_wait3A_111 = tpu.memref_slice %arg4[%mul3A_106] : memref<819200xi32, #tpu.memory_space<hbm>> -> memref<6400xi32, #tpu.memory_space<hbm>>
      %dma_wait3A_112 = tpu.memref_slice %arg4[%mul3A_106] : memref<819200xi32, #tpu.memory_space<hbm>> -> memref<6400xi32, #tpu.memory_space<hbm>>
      %dma_wait3A_113 = arith.constant 0 : i32
      %dma_wait3A_114 = tpu.memref_slice %arg7[%dma_wait3A_107, %dma_wait3A_113] : memref<2x6400xi32, #tpu.memory_space<vmem>> -> memref<1x6400xi32, #tpu.memory_space<vmem>>
      %dma_wait3A_115 = tpu.memref_squeeze %dma_wait3A_114 : memref<1x6400xi32, #tpu.memory_space<vmem>> -> memref<6400xi32, #tpu.memory_space<vmem>>
      tpu.wait_dma2 semaphore(%arg10 : memref<!tpu.dma_semaphore, #tpu.memory_space<semaphore_mem>>) src(%dma_wait3A_115 : memref<6400xi32, #tpu.memory_space<vmem>>) dst(%dma_wait3A_112 : memref<6400xi32, #tpu.memory_space<hbm>>)
      %parallel_loop3A = arith.constant 0 : i32
      %parallel_loop3A_116 = arith.constant 6400 : i32
      %parallel_loop3A_117 = arith.constant 16 : i32
      scf.for %parallel_loop3A_128 = %parallel_loop3A to %parallel_loop3A_116 step %parallel_loop3A_117  : i32 {
        %parallel_loop3A_129 = arith.constant 0 : i32
        %parallel_loop3A_130 = arith.constant 0 : i32
        %parallel_loop3A_131 = arith.index_cast %parallel_loop3A_129 : i32 to index
        %parallel_loop3A_132 = arith.index_cast %parallel_loop3A_130 : i32 to index
        %parallel_loop3A_133 = arith.index_cast %parallel_loop3A_128 : i32 to index
        %parallel_loop3A_134 = tpu.vector_load %arg6[%parallel_loop3A_131, %parallel_loop3A_132, %parallel_loop3A_133] {strides = array<i32>} : memref<2x2x6400xi32, #tpu.memory_space<vmem>>, vector<16xi32>,
        %parallel_loop3A_135 = tpu.vector_load_idx %arg5[%parallel_loop3A_134] : memref<50048xi32, #tpu.memory_space<vmem>>[vector<16xi32>], vector<16xi32>,
        %parallel_loop3A_136 = arith.constant 0 : i32
        %parallel_loop3A_137 = arith.constant 1 : i32
        %parallel_loop3A_138 = arith.index_cast %parallel_loop3A_136 : i32 to index
        %parallel_loop3A_139 = arith.index_cast %parallel_loop3A_137 : i32 to index
        %parallel_loop3A_140 = arith.index_cast %parallel_loop3A_128 : i32 to index
        %parallel_loop3A_141 = tpu.vector_load %arg6[%parallel_loop3A_138, %parallel_loop3A_139, %parallel_loop3A_140] {strides = array<i32>} : memref<2x2x6400xi32, #tpu.memory_space<vmem>>, vector<16xi32>,
        %parallel_loop3A_142 = tpu.vector_load_idx %arg5[%parallel_loop3A_141] : memref<50048xi32, #tpu.memory_space<vmem>>[vector<16xi32>], vector<16xi32>,
        %parallel_loop3A_143 = arith.constant 2 : i32
        %parallel_loop3A_144 = vector.broadcast %parallel_loop3A_143 : i32 to vector<16xi32>
        %parallel_loop3A_145 = arith.muli %parallel_loop3A_135, %parallel_loop3A_144 : vector<16xi32>
        %parallel_loop3A_146 = arith.addi %parallel_loop3A_145, %parallel_loop3A_142 : vector<16xi32>
        %parallel_loop3A_147 = arith.constant 0 : i32
        %parallel_loop3A_148 = arith.index_cast %parallel_loop3A_147 : i32 to index
        %parallel_loop3A_149 = arith.index_cast %parallel_loop3A_128 : i32 to index
        %parallel_loop3A_150 = tpu.vector_load %arg7[%parallel_loop3A_148, %parallel_loop3A_149] {strides = array<i32>} : memref<2x6400xi32, #tpu.memory_space<vmem>>, vector<16xi32>,
        tpu.vector_store %arg7[%parallel_loop3A_148, %parallel_loop3A_149], %parallel_loop3A_146 {strides = array<i32>} : memref<2x6400xi32, #tpu.memory_space<vmem>>, vector<16xi32>,
      } {sc.loop_unroll_factor = 8 : i64, sc.parallel_access}
      %mul3A_118 = arith.constant 6400 : i32
      %mul3A_119 = arith.muli %add3A_34, %mul3A_118 : i32
      %dma_start3A = arith.constant 0 : i32
      %dma_start3A_120 = arith.constant 0 : i32
      %dma_start3A_121 = tpu.memref_slice %arg7[%dma_start3A, %dma_start3A_120] : memref<2x6400xi32, #tpu.memory_space<vmem>> -> memref<1x6400xi32, #tpu.memory_space<vmem>>
      %dma_start3A_122 = tpu.memref_squeeze %dma_start3A_121 : memref<1x6400xi32, #tpu.memory_space<vmem>> -> memref<6400xi32, #tpu.memory_space<vmem>>
      %dma_start3A_123 = tpu.memref_slice %arg4[%mul3A_119] : memref<819200xi32, #tpu.memory_space<hbm>> -> memref<6400xi32, #tpu.memory_space<hbm>>
      %dma_start3A_124 = tpu.memref_slice %arg4[%mul3A_119] : memref<819200xi32, #tpu.memory_space<hbm>> -> memref<6400xi32, #tpu.memory_space<hbm>>
      %dma_start3A_125 = arith.constant 0 : i32
      %dma_start3A_126 = tpu.memref_slice %arg7[%dma_start3A, %dma_start3A_125] : memref<2x6400xi32, #tpu.memory_space<vmem>> -> memref<1x6400xi32, #tpu.memory_space<vmem>>
      %dma_start3A_127 = tpu.memref_squeeze %dma_start3A_126 : memref<1x6400xi32, #tpu.memory_space<vmem>> -> memref<6400xi32, #tpu.memory_space<vmem>>
      tpu.enqueue_dma source(%dma_start3A_127 : memref<6400xi32, #tpu.memory_space<vmem>>) target(%dma_start3A_124 : memref<6400xi32, #tpu.memory_space<hbm>>) target_semaphore(%arg10 : memref<!tpu.dma_semaphore, #tpu.memory_space<semaphore_mem>>)
    } else {
    }
    %add3A_47 = arith.constant 96 : i32
    %add3A_48 = arith.addi %add3A, %add3A_47 : i32
    %lt3A_49 = arith.constant 128 : i32
    %lt3A_50 = arith.cmpi slt, %add3A_48, %lt3A_49 : i32
    %convert_element_type3A_51 = arith.extui %lt3A_50 : i1 to i32
    %cond3A_52 = arith.constant 0 : i32
    %cond3A_53 = arith.cmpi ne, %convert_element_type3A_51, %cond3A_52 : i32
    scf.if %cond3A_53 {
      %mul3A_88 = arith.constant 6400 : i32
      %mul3A_89 = arith.muli %add3A_48, %mul3A_88 : i32
      %add3A_90 = arith.constant 0 : i32
      %add3A_91 = arith.addi %add3A_90, %mul3A_89 : i32
      %dma_wait3A = arith.constant 1 : i32
      %dma_wait3A_92 = arith.constant 0 : i32
      %dma_wait3A_93 = arith.constant 0 : i32
      %dma_wait3A_94 = tpu.memref_slice %arg6[%dma_wait3A, %dma_wait3A_92, %dma_wait3A_93] : memref<2x2x6400xi32, #tpu.memory_space<vmem>> -> memref<1x2x6400xi32, #tpu.memory_space<vmem>>
      %dma_wait3A_95 = tpu.memref_squeeze %dma_wait3A_94 : memref<1x2x6400xi32, #tpu.memory_space<vmem>> -> memref<2x6400xi32, #tpu.memory_space<vmem>>
      %dma_wait3A_96 = arith.constant 0 : i32
      %dma_wait3A_97 = tpu.memref_slice %arg3[%dma_wait3A_96, %add3A_91] : memref<2x1600000xi32, #tpu.memory_space<hbm>> -> memref<2x6400xi32, #tpu.memory_space<hbm>>
      %dma_wait3A_98 = arith.constant 0 : i32
      %dma_wait3A_99 = arith.constant 0 : i32
      %dma_wait3A_100 = tpu.memref_slice %arg6[%dma_wait3A, %dma_wait3A_98, %dma_wait3A_99] : memref<2x2x6400xi32, #tpu.memory_space<vmem>> -> memref<1x2x6400xi32, #tpu.memory_space<vmem>>
      %dma_wait3A_101 = tpu.memref_squeeze %dma_wait3A_100 : memref<1x2x6400xi32, #tpu.memory_space<vmem>> -> memref<2x6400xi32, #tpu.memory_space<vmem>>
      %dma_wait3A_102 = arith.constant 0 : i32
      %dma_wait3A_103 = tpu.memref_slice %arg3[%dma_wait3A_102, %add3A_91] : memref<2x1600000xi32, #tpu.memory_space<hbm>> -> memref<2x6400xi32, #tpu.memory_space<hbm>>
      tpu.wait_dma2 semaphore(%arg9 : memref<!tpu.dma_semaphore, #tpu.memory_space<semaphore_mem>>) src(%dma_wait3A_103 : memref<2x6400xi32, #tpu.memory_space<hbm>>) dst(%dma_wait3A_101 : memref<2x6400xi32, #tpu.memory_space<vmem>>)
      %sub3A = arith.constant 64 : i32
      %sub3A_104 = arith.subi %add3A_48, %sub3A : i32
      %mul3A_105 = arith.constant 6400 : i32
      %mul3A_106 = arith.muli %sub3A_104, %mul3A_105 : i32
      %dma_wait3A_107 = arith.constant 1 : i32
      %dma_wait3A_108 = arith.constant 0 : i32
      %dma_wait3A_109 = tpu.memref_slice %arg7[%dma_wait3A_107, %dma_wait3A_108] : memref<2x6400xi32, #tpu.memory_space<vmem>> -> memref<1x6400xi32, #tpu.memory_space<vmem>>
      %dma_wait3A_110 = tpu.memref_squeeze %dma_wait3A_109 : memref<1x6400xi32, #tpu.memory_space<vmem>> -> memref<6400xi32, #tpu.memory_space<vmem>>
      %dma_wait3A_111 = tpu.memref_slice %arg4[%mul3A_106] : memref<819200xi32, #tpu.memory_space<hbm>> -> memref<6400xi32, #tpu.memory_space<hbm>>
      %dma_wait3A_112 = tpu.memref_slice %arg4[%mul3A_106] : memref<819200xi32, #tpu.memory_space<hbm>> -> memref<6400xi32, #tpu.memory_space<hbm>>
      %dma_wait3A_113 = arith.constant 0 : i32
      %dma_wait3A_114 = tpu.memref_slice %arg7[%dma_wait3A_107, %dma_wait3A_113] : memref<2x6400xi32, #tpu.memory_space<vmem>> -> memref<1x6400xi32, #tpu.memory_space<vmem>>
      %dma_wait3A_115 = tpu.memref_squeeze %dma_wait3A_114 : memref<1x6400xi32, #tpu.memory_space<vmem>> -> memref<6400xi32, #tpu.memory_space<vmem>>
      tpu.wait_dma2 semaphore(%arg11 : memref<!tpu.dma_semaphore, #tpu.memory_space<semaphore_mem>>) src(%dma_wait3A_115 : memref<6400xi32, #tpu.memory_space<vmem>>) dst(%dma_wait3A_112 : memref<6400xi32, #tpu.memory_space<hbm>>)
      %parallel_loop3A = arith.constant 0 : i32
      %parallel_loop3A_116 = arith.constant 6400 : i32
      %parallel_loop3A_117 = arith.constant 16 : i32
      scf.for %parallel_loop3A_128 = %parallel_loop3A to %parallel_loop3A_116 step %parallel_loop3A_117  : i32 {
        %parallel_loop3A_129 = arith.constant 1 : i32
        %parallel_loop3A_130 = arith.constant 0 : i32
        %parallel_loop3A_131 = arith.index_cast %parallel_loop3A_129 : i32 to index
        %parallel_loop3A_132 = arith.index_cast %parallel_loop3A_130 : i32 to index
        %parallel_loop3A_133 = arith.index_cast %parallel_loop3A_128 : i32 to index
        %parallel_loop3A_134 = tpu.vector_load %arg6[%parallel_loop3A_131, %parallel_loop3A_132, %parallel_loop3A_133] {strides = array<i32>} : memref<2x2x6400xi32, #tpu.memory_space<vmem>>, vector<16xi32>,
        %parallel_loop3A_135 = tpu.vector_load_idx %arg5[%parallel_loop3A_134] : memref<50048xi32, #tpu.memory_space<vmem>>[vector<16xi32>], vector<16xi32>,
        %parallel_loop3A_136 = arith.constant 1 : i32
        %parallel_loop3A_137 = arith.constant 1 : i32
        %parallel_loop3A_138 = arith.index_cast %parallel_loop3A_136 : i32 to index
        %parallel_loop3A_139 = arith.index_cast %parallel_loop3A_137 : i32 to index
        %parallel_loop3A_140 = arith.index_cast %parallel_loop3A_128 : i32 to index
        %parallel_loop3A_141 = tpu.vector_load %arg6[%parallel_loop3A_138, %parallel_loop3A_139, %parallel_loop3A_140] {strides = array<i32>} : memref<2x2x6400xi32, #tpu.memory_space<vmem>>, vector<16xi32>,
        %parallel_loop3A_142 = tpu.vector_load_idx %arg5[%parallel_loop3A_141] : memref<50048xi32, #tpu.memory_space<vmem>>[vector<16xi32>], vector<16xi32>,
        %parallel_loop3A_143 = arith.constant 2 : i32
        %parallel_loop3A_144 = vector.broadcast %parallel_loop3A_143 : i32 to vector<16xi32>
        %parallel_loop3A_145 = arith.muli %parallel_loop3A_135, %parallel_loop3A_144 : vector<16xi32>
        %parallel_loop3A_146 = arith.addi %parallel_loop3A_145, %parallel_loop3A_142 : vector<16xi32>
        %parallel_loop3A_147 = arith.constant 1 : i32
        %parallel_loop3A_148 = arith.index_cast %parallel_loop3A_147 : i32 to index
        %parallel_loop3A_149 = arith.index_cast %parallel_loop3A_128 : i32 to index
        %parallel_loop3A_150 = tpu.vector_load %arg7[%parallel_loop3A_148, %parallel_loop3A_149] {strides = array<i32>} : memref<2x6400xi32, #tpu.memory_space<vmem>>, vector<16xi32>,
        tpu.vector_store %arg7[%parallel_loop3A_148, %parallel_loop3A_149], %parallel_loop3A_146 {strides = array<i32>} : memref<2x6400xi32, #tpu.memory_space<vmem>>, vector<16xi32>,
      } {sc.loop_unroll_factor = 8 : i64, sc.parallel_access}
      %mul3A_118 = arith.constant 6400 : i32
      %mul3A_119 = arith.muli %add3A_48, %mul3A_118 : i32
      %dma_start3A = arith.constant 1 : i32
      %dma_start3A_120 = arith.constant 0 : i32
      %dma_start3A_121 = tpu.memref_slice %arg7[%dma_start3A, %dma_start3A_120] : memref<2x6400xi32, #tpu.memory_space<vmem>> -> memref<1x6400xi32, #tpu.memory_space<vmem>>
      %dma_start3A_122 = tpu.memref_squeeze %dma_start3A_121 : memref<1x6400xi32, #tpu.memory_space<vmem>> -> memref<6400xi32, #tpu.memory_space<vmem>>
      %dma_start3A_123 = tpu.memref_slice %arg4[%mul3A_119] : memref<819200xi32, #tpu.memory_space<hbm>> -> memref<6400xi32, #tpu.memory_space<hbm>>
      %dma_start3A_124 = tpu.memref_slice %arg4[%mul3A_119] : memref<819200xi32, #tpu.memory_space<hbm>> -> memref<6400xi32, #tpu.memory_space<hbm>>
      %dma_start3A_125 = arith.constant 0 : i32
      %dma_start3A_126 = tpu.memref_slice %arg7[%dma_start3A, %dma_start3A_125] : memref<2x6400xi32, #tpu.memory_space<vmem>> -> memref<1x6400xi32, #tpu.memory_space<vmem>>
      %dma_start3A_127 = tpu.memref_squeeze %dma_start3A_126 : memref<1x6400xi32, #tpu.memory_space<vmem>> -> memref<6400xi32, #tpu.memory_space<vmem>>
      tpu.enqueue_dma source(%dma_start3A_127 : memref<6400xi32, #tpu.memory_space<vmem>>) target(%dma_start3A_124 : memref<6400xi32, #tpu.memory_space<hbm>>) target_semaphore(%arg11 : memref<!tpu.dma_semaphore, #tpu.memory_space<semaphore_mem>>)
    } else {
    }
    %add3A_54 = arith.constant 32 : i32
    %add3A_55 = arith.addi %add3A, %add3A_54 : i32
    %lt3A_56 = arith.constant 128 : i32
    %lt3A_57 = arith.cmpi slt, %add3A_55, %lt3A_56 : i32
    %add3A_58 = arith.constant 64 : i32
    %add3A_59 = arith.addi %add3A_55, %add3A_58 : i32
    %ge3A = arith.constant 128 : i32
    %ge3A_60 = arith.cmpi sge, %add3A_59, %ge3A : i32
    %and3A = arith.andi %lt3A_57, %ge3A_60 : i1
    %convert_element_type3A_61 = arith.extui %and3A : i1 to i32
    %cond3A_62 = arith.constant 0 : i32
    %cond3A_63 = arith.cmpi ne, %convert_element_type3A_61, %cond3A_62 : i32
    scf.if %cond3A_63 {
      %mul3A_88 = arith.constant 6400 : i32
      %mul3A_89 = arith.muli %add3A_55, %mul3A_88 : i32
      %dma_wait3A = arith.constant 1 : i32
      %dma_wait3A_90 = arith.constant 0 : i32
      %dma_wait3A_91 = tpu.memref_slice %arg7[%dma_wait3A, %dma_wait3A_90] : memref<2x6400xi32, #tpu.memory_space<vmem>> -> memref<1x6400xi32, #tpu.memory_space<vmem>>
      %dma_wait3A_92 = tpu.memref_squeeze %dma_wait3A_91 : memref<1x6400xi32, #tpu.memory_space<vmem>> -> memref<6400xi32, #tpu.memory_space<vmem>>
      %dma_wait3A_93 = tpu.memref_slice %arg4[%mul3A_89] : memref<819200xi32, #tpu.memory_space<hbm>> -> memref<6400xi32, #tpu.memory_space<hbm>>
      %dma_wait3A_94 = tpu.memref_slice %arg4[%mul3A_89] : memref<819200xi32, #tpu.memory_space<hbm>> -> memref<6400xi32, #tpu.memory_space<hbm>>
      %dma_wait3A_95 = arith.constant 0 : i32
      %dma_wait3A_96 = tpu.memref_slice %arg7[%dma_wait3A, %dma_wait3A_95] : memref<2x6400xi32, #tpu.memory_space<vmem>> -> memref<1x6400xi32, #tpu.memory_space<vmem>>
      %dma_wait3A_97 = tpu.memref_squeeze %dma_wait3A_96 : memref<1x6400xi32, #tpu.memory_space<vmem>> -> memref<6400xi32, #tpu.memory_space<vmem>>
      tpu.wait_dma2 semaphore(%arg11 : memref<!tpu.dma_semaphore, #tpu.memory_space<semaphore_mem>>) src(%dma_wait3A_97 : memref<6400xi32, #tpu.memory_space<vmem>>) dst(%dma_wait3A_94 : memref<6400xi32, #tpu.memory_space<hbm>>)
    } else {
    }
    %add3A_64 = arith.constant 64 : i32
    %add3A_65 = arith.addi %add3A, %add3A_64 : i32
    %lt3A_66 = arith.constant 128 : i32
    %lt3A_67 = arith.cmpi slt, %add3A_65, %lt3A_66 : i32
    %add3A_68 = arith.constant 64 : i32
    %add3A_69 = arith.addi %add3A_65, %add3A_68 : i32
    %ge3A_70 = arith.constant 128 : i32
    %ge3A_71 = arith.cmpi sge, %add3A_69, %ge3A_70 : i32
    %and3A_72 = arith.andi %lt3A_67, %ge3A_71 : i1
    %convert_element_type3A_73 = arith.extui %and3A_72 : i1 to i32
    %cond3A_74 = arith.constant 0 : i32
    %cond3A_75 = arith.cmpi ne, %convert_element_type3A_73, %cond3A_74 : i32
    scf.if %cond3A_75 {
      %mul3A_88 = arith.constant 6400 : i32
      %mul3A_89 = arith.muli %add3A_65, %mul3A_88 : i32
      %dma_wait3A = arith.constant 0 : i32
      %dma_wait3A_90 = arith.constant 0 : i32
      %dma_wait3A_91 = tpu.memref_slice %arg7[%dma_wait3A, %dma_wait3A_90] : memref<2x6400xi32, #tpu.memory_space<vmem>> -> memref<1x6400xi32, #tpu.memory_space<vmem>>
      %dma_wait3A_92 = tpu.memref_squeeze %dma_wait3A_91 : memref<1x6400xi32, #tpu.memory_space<vmem>> -> memref<6400xi32, #tpu.memory_space<vmem>>
      %dma_wait3A_93 = tpu.memref_slice %arg4[%mul3A_89] : memref<819200xi32, #tpu.memory_space<hbm>> -> memref<6400xi32, #tpu.memory_space<hbm>>
      %dma_wait3A_94 = tpu.memref_slice %arg4[%mul3A_89] : memref<819200xi32, #tpu.memory_space<hbm>> -> memref<6400xi32, #tpu.memory_space<hbm>>
      %dma_wait3A_95 = arith.constant 0 : i32
      %dma_wait3A_96 = tpu.memref_slice %arg7[%dma_wait3A, %dma_wait3A_95] : memref<2x6400xi32, #tpu.memory_space<vmem>> -> memref<1x6400xi32, #tpu.memory_space<vmem>>
      %dma_wait3A_97 = tpu.memref_squeeze %dma_wait3A_96 : memref<1x6400xi32, #tpu.memory_space<vmem>> -> memref<6400xi32, #tpu.memory_space<vmem>>
      tpu.wait_dma2 semaphore(%arg10 : memref<!tpu.dma_semaphore, #tpu.memory_space<semaphore_mem>>) src(%dma_wait3A_97 : memref<6400xi32, #tpu.memory_space<vmem>>) dst(%dma_wait3A_94 : memref<6400xi32, #tpu.memory_space<hbm>>)
    } else {
    }
    %add3A_76 = arith.constant 96 : i32
    %add3A_77 = arith.addi %add3A, %add3A_76 : i32
    %lt3A_78 = arith.constant 128 : i32
    %lt3A_79 = arith.cmpi slt, %add3A_77, %lt3A_78 : i32
    %add3A_80 = arith.constant 64 : i32
    %add3A_81 = arith.addi %add3A_77, %add3A_80 : i32
    %ge3A_82 = arith.constant 128 : i32
    %ge3A_83 = arith.cmpi sge, %add3A_81, %ge3A_82 : i32
    %and3A_84 = arith.andi %lt3A_79, %ge3A_83 : i1
    %convert_element_type3A_85 = arith.extui %and3A_84 : i1 to i32
    %cond3A_86 = arith.constant 0 : i32
    %cond3A_87 = arith.cmpi ne, %convert_element_type3A_85, %cond3A_86 : i32
    scf.if %cond3A_87 {
      %mul3A_88 = arith.constant 6400 : i32
      %mul3A_89 = arith.muli %add3A_77, %mul3A_88 : i32
      %dma_wait3A = arith.constant 1 : i32
      %dma_wait3A_90 = arith.constant 0 : i32
      %dma_wait3A_91 = tpu.memref_slice %arg7[%dma_wait3A, %dma_wait3A_90] : memref<2x6400xi32, #tpu.memory_space<vmem>> -> memref<1x6400xi32, #tpu.memory_space<vmem>>
      %dma_wait3A_92 = tpu.memref_squeeze %dma_wait3A_91 : memref<1x6400xi32, #tpu.memory_space<vmem>> -> memref<6400xi32, #tpu.memory_space<vmem>>
      %dma_wait3A_93 = tpu.memref_slice %arg4[%mul3A_89] : memref<819200xi32, #tpu.memory_space<hbm>> -> memref<6400xi32, #tpu.memory_space<hbm>>
      %dma_wait3A_94 = tpu.memref_slice %arg4[%mul3A_89] : memref<819200xi32, #tpu.memory_space<hbm>> -> memref<6400xi32, #tpu.memory_space<hbm>>
      %dma_wait3A_95 = arith.constant 0 : i32
      %dma_wait3A_96 = tpu.memref_slice %arg7[%dma_wait3A, %dma_wait3A_95] : memref<2x6400xi32, #tpu.memory_space<vmem>> -> memref<1x6400xi32, #tpu.memory_space<vmem>>
      %dma_wait3A_97 = tpu.memref_squeeze %dma_wait3A_96 : memref<1x6400xi32, #tpu.memory_space<vmem>> -> memref<6400xi32, #tpu.memory_space<vmem>>
      tpu.wait_dma2 semaphore(%arg11 : memref<!tpu.dma_semaphore, #tpu.memory_space<semaphore_mem>>) src(%dma_wait3A_97 : memref<6400xi32, #tpu.memory_space<vmem>>) dst(%dma_wait3A_94 : memref<6400xi32, #tpu.memory_space<hbm>>)
    } else {
    }
    return
  }
}

module attributes {stable_mosaic.version = 14 : i64} {
  func.func @_tc_node_body(%arg0: memref<50000xi32, #tpu.memory_space<vmem>>, %arg1: memref<8x2xf32, #tpu.memory_space<vmem>>, %arg2: memref<4x50000xf32, #tpu.memory_space<vmem>>) attributes {dimension_semantics = [], scalar_prefetch = 0 : i64, scratch_operands = 0 : i64, tpu.core_type = #tpu.core_type<tc>} {
    %get3A = arith.constant 0 : index
    %get3A_0 = vector.load %arg0[%get3A] : memref<50000xi32, #tpu.memory_space<vmem>>, vector<50000xi32>
    %reshape3A = vector.shape_cast %get3A_0 : vector<50000xi32> to vector<1x50000xi32>
    %convert_element_type3A = arith.sitofp %reshape3A : vector<1x50000xi32> to vector<1x50000xf32>
    %get3A_1 = arith.constant 0 : index
    %get3A_2 = arith.constant 0 : index
    %get3A_3 = vector.load %arg1[%get3A_1, %get3A_2] : memref<8x2xf32, #tpu.memory_space<vmem>>, vector<8x1xf32>
    %get3A_4 = arith.constant 0 : index
    %get3A_5 = arith.constant 1 : index
    %get3A_6 = vector.load %arg1[%get3A_4, %get3A_5] : memref<8x2xf32, #tpu.memory_space<vmem>>, vector<8x1xf32>
    %sub3A = arith.subf %get3A_6, %get3A_3 : vector<8x1xf32>
    %mul3A = vector.broadcast %convert_element_type3A : vector<1x50000xf32> to vector<8x50000xf32>
    %mul3A_7 = vector.broadcast %sub3A : vector<8x1xf32> to vector<8x50000xf32>
    %mul3A_8 = arith.mulf %mul3A, %mul3A_7 : vector<8x50000xf32>
    %add3A = vector.broadcast %get3A_3 : vector<8x1xf32> to vector<8x50000xf32>
    %add3A_9 = arith.addf %add3A, %mul3A_8 : vector<8x50000xf32>
    %slice3A = vector.extract_strided_slice %add3A_9 {offsets = [0, 0], sizes = [4, 50000], strides = [1, 1]} : vector<8x50000xf32> to vector<4x50000xf32>
    %swap3A = arith.constant 0 : index
    %swap3A_10 = arith.constant 0 : index
    %swap3A_11 = vector.load %arg2[%swap3A, %swap3A_10] : memref<4x50000xf32, #tpu.memory_space<vmem>>, vector<4x50000xf32>
    tpu.vector_store %arg2[%swap3A, %swap3A_10], %slice3A {strides = array<i32>} : memref<4x50000xf32, #tpu.memory_space<vmem>>, vector<4x50000xf32>,
    return
  }
}

module attributes {stable_mosaic.version = 14 : i64} {
  func.func @_tc_edge_body(%arg0: i32, %arg1: memref<102400xf32, #tpu.memory_space<vmem>>, %arg2: memref<102400xi32, #tpu.memory_space<vmem>>, %arg3: memref<16x8xf32, #tpu.memory_space<vmem>>, %arg4: memref<16x8xf32, #tpu.memory_space<vmem>>, %arg5: memref<1x2xf32, #tpu.memory_space<vmem>>, %arg6: memref<13x102400xf32, #tpu.memory_space<vmem>>) attributes {dimension_semantics = [#tpu.dimension_semantics<arbitrary>], iteration_bounds = array<i64: 8>, scalar_prefetch = 0 : i64, scratch_operands = 0 : i64, tpu.core_type = #tpu.core_type<tc>, window_params = [{transform_indices = @transform_0, window_bounds = array<i64: 102400>}, {transform_indices = @transform_1, window_bounds = array<i64: 102400>}, {pipeline_mode = #tpu.pipeline_mode<synchronous>, transform_indices = @transform_2, window_bounds = array<i64: 16, 8>}, {pipeline_mode = #tpu.pipeline_mode<synchronous>, transform_indices = @transform_3, window_bounds = array<i64: 16, 8>}, {pipeline_mode = #tpu.pipeline_mode<synchronous>, transform_indices = @transform_4, window_bounds = array<i64: 1, 2>}, {transform_indices = @transform_5, window_bounds = array<i64: 13, 102400>}]} {
    %get3A = arith.constant 0 : index
    %get3A_0 = vector.load %arg1[%get3A] : memref<102400xf32, #tpu.memory_space<vmem>>, vector<102400xf32>
    %reshape3A = vector.shape_cast %get3A_0 : vector<102400xf32> to vector<1x102400xf32>
    %get3A_1 = arith.constant 0 : index
    %get3A_2 = vector.load %arg2[%get3A_1] : memref<102400xi32, #tpu.memory_space<vmem>>, vector<102400xi32>
    %reshape3A_3 = vector.shape_cast %get3A_2 : vector<102400xi32> to vector<1x102400xi32>
    %iota3A = tpu.iota {dimensions = array<i32: 0>} : vector<8x102400xi32>
    %eq3A = vector.broadcast %reshape3A_3 : vector<1x102400xi32> to vector<8x102400xi32>
    %eq3A_4 = arith.cmpi eq, %iota3A, %eq3A : vector<8x102400xi32>
    %convert_element_type3A = arith.extui %eq3A_4 : vector<8x102400xi1> to vector<8x102400xi32>
    %convert_element_type3A_5 = arith.sitofp %convert_element_type3A : vector<8x102400xi32> to vector<8x102400xf32>
    %sub3A = arith.constant 5.000000e+00 : f32
    %sub3A_6 = vector.broadcast %sub3A : f32 to vector<1x102400xf32>
    %sub3A_7 = arith.subf %reshape3A, %sub3A_6 : vector<1x102400xf32>
    %add3A = arith.constant 5.000000e+00 : f32
    %add3A_8 = vector.broadcast %add3A : f32 to vector<1x102400xf32>
    %add3A_9 = arith.addf %sub3A_7, %add3A_8 : vector<1x102400xf32>
    %div3A = arith.constant 1.000000e+00 : f32
    %div3A_10 = vector.broadcast %div3A : f32 to vector<1x102400xf32>
    %div3A_11 = arith.divf %add3A_9, %div3A_10 : vector<1x102400xf32>
    %exp3A = math.exp %div3A_11 : vector<1x102400xf32>
    %add3A_12 = arith.constant 1.000000e+00 : f32
    %add3A_13 = vector.broadcast %add3A_12 : f32 to vector<1x102400xf32>
    %add3A_14 = arith.addf %add3A_13, %exp3A : vector<1x102400xf32>
    %div3A_15 = arith.constant 1.000000e+00 : f32
    %div3A_16 = vector.broadcast %div3A_15 : f32 to vector<1x102400xf32>
    %div3A_17 = arith.divf %div3A_16, %add3A_14 : vector<1x102400xf32>
    %get3A_18 = arith.constant 0 : index
    %get3A_19 = arith.constant 0 : index
    %get3A_20 = vector.load %arg3[%get3A_18, %get3A_19] : memref<16x8xf32, #tpu.memory_space<vmem>>, vector<16x8xf32>
    %mul3A = vector.broadcast %div3A_17 : vector<1x102400xf32> to vector<8x102400xf32>
    %mul3A_21 = arith.mulf %convert_element_type3A_5, %mul3A : vector<8x102400xf32>
    %dot_general3A = arith.constant dense<0.000000e+00> : vector<16x102400xf32>
    %dot_general3A_22 = tpu.matmul %get3A_20, %mul3A_21, %dot_general3A {dimension_numbers = #tpu.dot_dimension_numbers<[1], [0], [0], [1], [0, 0, 1, 1], [], []>, transpose_lhs_hint = false} : vector<16x8xf32>, vector<8x102400xf32>, vector<16x102400xf32> -> vector<16x102400xf32>
    %get3A_23 = arith.constant 0 : index
    %get3A_24 = arith.constant 0 : index
    %get3A_25 = vector.load %arg4[%get3A_23, %get3A_24] : memref<16x8xf32, #tpu.memory_space<vmem>>, vector<16x8xf32>
    %abs3A = math.absf %get3A_25 : vector<16x8xf32>
    %add3A_26 = arith.constant 1.000000e+00 : f32
    %add3A_27 = vector.broadcast %add3A_26 : f32 to vector<16x8xf32>
    %add3A_28 = arith.addf %abs3A, %add3A_27 : vector<16x8xf32>
    %dot_general3A_29 = arith.constant dense<0.000000e+00> : vector<16x102400xf32>
    %dot_general3A_30 = tpu.matmul %add3A_28, %convert_element_type3A_5, %dot_general3A_29 {dimension_numbers = #tpu.dot_dimension_numbers<[1], [0], [0], [1], [0, 0, 1, 1], [], []>, transpose_lhs_hint = false} : vector<16x8xf32>, vector<8x102400xf32>, vector<16x102400xf32> -> vector<16x102400xf32>
    %get3A_31 = arith.constant 0 : index
    %get3A_32 = arith.constant 0 : index
    %get3A_33 = vector.load %arg5[%get3A_31, %get3A_32] : memref<1x2xf32, #tpu.memory_space<vmem>>, vector<1x1xf32>
    %get3A_34 = vector.extract %get3A_33[0, 0] : f32 from vector<1x1xf32>
    %get3A_35 = arith.constant 0 : index
    %get3A_36 = arith.constant 1 : index
    %get3A_37 = vector.load %arg5[%get3A_35, %get3A_36] : memref<1x2xf32, #tpu.memory_space<vmem>>, vector<1x1xf32>
    %get3A_38 = vector.extract %get3A_37[0, 0] : f32 from vector<1x1xf32>
    %shift_right_arithmetic3A = arith.constant 1 : i32
    %shift_right_arithmetic3A_39 = vector.broadcast %shift_right_arithmetic3A : i32 to vector<1x102400xi32>
    %shift_right_arithmetic3A_40 = arith.shrsi %reshape3A_3, %shift_right_arithmetic3A_39 : vector<1x102400xi32>
    %and3A = arith.constant 1 : i32
    %and3A_41 = vector.broadcast %and3A : i32 to vector<1x102400xi32>
    %and3A_42 = arith.andi %reshape3A_3, %and3A_41 : vector<1x102400xi32>
    %add3A_43 = arith.addi %shift_right_arithmetic3A_40, %and3A_42 : vector<1x102400xi32>
    %convert_element_type3A_44 = arith.sitofp %add3A_43 : vector<1x102400xi32> to vector<1x102400xf32>
    %mul3A_45 = arith.constant 5.000000e-01 : f32
    %mul3A_46 = vector.broadcast %mul3A_45 : f32 to vector<1x102400xf32>
    %mul3A_47 = arith.mulf %mul3A_46, %convert_element_type3A_44 : vector<1x102400xf32>
    %sub3A_48 = arith.subf %get3A_38, %get3A_34 : f32
    %mul3A_49 = vector.broadcast %sub3A_48 : f32 to vector<1x102400xf32>
    %mul3A_50 = arith.mulf %mul3A_47, %mul3A_49 : vector<1x102400xf32>
    %add3A_51 = vector.broadcast %get3A_34 : f32 to vector<1x102400xf32>
    %add3A_52 = arith.addf %add3A_51, %mul3A_50 : vector<1x102400xf32>
    %div3A_53 = arith.divf %add3A_52, %reshape3A : vector<1x102400xf32>
    %log3A = math.log %div3A_53 : vector<1x102400xf32>
    %mul3A_54 = vector.broadcast %log3A : vector<1x102400xf32> to vector<16x102400xf32>
    %mul3A_55 = arith.mulf %dot_general3A_30, %mul3A_54 : vector<16x102400xf32>
    %exp3A_56 = math.exp %mul3A_55 : vector<16x102400xf32>
    %mul3A_57 = arith.mulf %dot_general3A_22, %exp3A_56 : vector<16x102400xf32>
    %slice3A = vector.extract_strided_slice %mul3A_57 {offsets = [0, 0], sizes = [13, 102400], strides = [1, 1]} : vector<16x102400xf32> to vector<13x102400xf32>
    %swap3A = arith.constant 0 : index
    %swap3A_58 = arith.constant 0 : index
    %swap3A_59 = vector.load %arg6[%swap3A, %swap3A_58] : memref<13x102400xf32, #tpu.memory_space<vmem>>, vector<13x102400xf32>
    tpu.vector_store %arg6[%swap3A, %swap3A_58], %slice3A {strides = array<i32>} : memref<13x102400xf32, #tpu.memory_space<vmem>>, vector<13x102400xf32>,
    return
  }
  func.func @transform_0(%arg0: i32) -> i32 {
    %c0_i32 = arith.constant 0 : i32
    return %arg0 : i32
  }
  func.func @transform_1(%arg0: i32) -> i32 {
    %c0_i32 = arith.constant 0 : i32
    return %arg0 : i32
  }
  func.func @transform_2(%arg0: i32) -> (i32, i32) {
    %c0_i32 = arith.constant 0 : i32
    %c0_i32_0 = arith.constant 0 : i32
    %c0_i32_1 = arith.constant 0 : i32
    return %c0_i32, %c0_i32_0 : i32, i32
  }
  func.func @transform_3(%arg0: i32) -> (i32, i32) {
    %c0_i32 = arith.constant 0 : i32
    %c0_i32_0 = arith.constant 0 : i32
    %c0_i32_1 = arith.constant 0 : i32
    return %c0_i32, %c0_i32_0 : i32, i32
  }
  func.func @transform_4(%arg0: i32) -> (i32, i32) {
    %c0_i32 = arith.constant 0 : i32
    %c0_i32_0 = arith.constant 0 : i32
    %c0_i32_1 = arith.constant 0 : i32
    return %c0_i32, %c0_i32_0 : i32, i32
  }
  func.func @transform_5(%arg0: i32) -> (i32, i32) {
    %c0_i32 = arith.constant 0 : i32
    %c0_i32_0 = arith.constant 0 : i32
    return %c0_i32, %arg0 : i32, i32
  }
}

module attributes {stable_mosaic.version = 14 : i64} {
  func.func @_tc_edge_body_alias(%arg0: i32, %arg1: memref<102400xf32, #tpu.memory_space<vmem>>, %arg2: memref<102400xi32, #tpu.memory_space<vmem>>, %arg3: memref<16x8xf32, #tpu.memory_space<vmem>>, %arg4: memref<16x8xf32, #tpu.memory_space<vmem>>, %arg5: memref<1x2xf32, #tpu.memory_space<vmem>>, %arg6: memref<13x1600000xf32, #tpu.memory_space<hbm>>, %arg7: memref<13x102400xf32, #tpu.memory_space<vmem>>) attributes {dimension_semantics = [#tpu.dimension_semantics<arbitrary>], iteration_bounds = array<i64: 8>, scalar_prefetch = 0 : i64, scratch_operands = 0 : i64, tpu.core_type = #tpu.core_type<tc>, window_params = [{transform_indices = @transform_0, window_bounds = array<i64: 102400>}, {transform_indices = @transform_1, window_bounds = array<i64: 102400>}, {pipeline_mode = #tpu.pipeline_mode<synchronous>, transform_indices = @transform_2, window_bounds = array<i64: 16, 8>}, {pipeline_mode = #tpu.pipeline_mode<synchronous>, transform_indices = @transform_3, window_bounds = array<i64: 16, 8>}, {pipeline_mode = #tpu.pipeline_mode<synchronous>, transform_indices = @transform_4, window_bounds = array<i64: 1, 2>}, {}, {transform_indices = @transform_6, window_bounds = array<i64: 13, 102400>}]} {
    %get3A = arith.constant 0 : index
    %get3A_0 = vector.load %arg1[%get3A] : memref<102400xf32, #tpu.memory_space<vmem>>, vector<102400xf32>
    %reshape3A = vector.shape_cast %get3A_0 : vector<102400xf32> to vector<1x102400xf32>
    %get3A_1 = arith.constant 0 : index
    %get3A_2 = vector.load %arg2[%get3A_1] : memref<102400xi32, #tpu.memory_space<vmem>>, vector<102400xi32>
    %reshape3A_3 = vector.shape_cast %get3A_2 : vector<102400xi32> to vector<1x102400xi32>
    %iota3A = tpu.iota {dimensions = array<i32: 0>} : vector<8x102400xi32>
    %eq3A = vector.broadcast %reshape3A_3 : vector<1x102400xi32> to vector<8x102400xi32>
    %eq3A_4 = arith.cmpi eq, %iota3A, %eq3A : vector<8x102400xi32>
    %convert_element_type3A = arith.extui %eq3A_4 : vector<8x102400xi1> to vector<8x102400xi32>
    %convert_element_type3A_5 = arith.sitofp %convert_element_type3A : vector<8x102400xi32> to vector<8x102400xf32>
    %sub3A = arith.constant 5.000000e+00 : f32
    %sub3A_6 = vector.broadcast %sub3A : f32 to vector<1x102400xf32>
    %sub3A_7 = arith.subf %reshape3A, %sub3A_6 : vector<1x102400xf32>
    %add3A = arith.constant 5.000000e+00 : f32
    %add3A_8 = vector.broadcast %add3A : f32 to vector<1x102400xf32>
    %add3A_9 = arith.addf %sub3A_7, %add3A_8 : vector<1x102400xf32>
    %div3A = arith.constant 1.000000e+00 : f32
    %div3A_10 = vector.broadcast %div3A : f32 to vector<1x102400xf32>
    %div3A_11 = arith.divf %add3A_9, %div3A_10 : vector<1x102400xf32>
    %exp3A = math.exp %div3A_11 : vector<1x102400xf32>
    %add3A_12 = arith.constant 1.000000e+00 : f32
    %add3A_13 = vector.broadcast %add3A_12 : f32 to vector<1x102400xf32>
    %add3A_14 = arith.addf %add3A_13, %exp3A : vector<1x102400xf32>
    %div3A_15 = arith.constant 1.000000e+00 : f32
    %div3A_16 = vector.broadcast %div3A_15 : f32 to vector<1x102400xf32>
    %div3A_17 = arith.divf %div3A_16, %add3A_14 : vector<1x102400xf32>
    %get3A_18 = arith.constant 0 : index
    %get3A_19 = arith.constant 0 : index
    %get3A_20 = vector.load %arg3[%get3A_18, %get3A_19] : memref<16x8xf32, #tpu.memory_space<vmem>>, vector<16x8xf32>
    %mul3A = vector.broadcast %div3A_17 : vector<1x102400xf32> to vector<8x102400xf32>
    %mul3A_21 = arith.mulf %convert_element_type3A_5, %mul3A : vector<8x102400xf32>
    %dot_general3A = arith.constant dense<0.000000e+00> : vector<16x102400xf32>
    %dot_general3A_22 = tpu.matmul %get3A_20, %mul3A_21, %dot_general3A {dimension_numbers = #tpu.dot_dimension_numbers<[1], [0], [0], [1], [0, 0, 1, 1], [], []>, transpose_lhs_hint = false} : vector<16x8xf32>, vector<8x102400xf32>, vector<16x102400xf32> -> vector<16x102400xf32>
    %get3A_23 = arith.constant 0 : index
    %get3A_24 = arith.constant 0 : index
    %get3A_25 = vector.load %arg4[%get3A_23, %get3A_24] : memref<16x8xf32, #tpu.memory_space<vmem>>, vector<16x8xf32>
    %abs3A = math.absf %get3A_25 : vector<16x8xf32>
    %add3A_26 = arith.constant 1.000000e+00 : f32
    %add3A_27 = vector.broadcast %add3A_26 : f32 to vector<16x8xf32>
    %add3A_28 = arith.addf %abs3A, %add3A_27 : vector<16x8xf32>
    %dot_general3A_29 = arith.constant dense<0.000000e+00> : vector<16x102400xf32>
    %dot_general3A_30 = tpu.matmul %add3A_28, %convert_element_type3A_5, %dot_general3A_29 {dimension_numbers = #tpu.dot_dimension_numbers<[1], [0], [0], [1], [0, 0, 1, 1], [], []>, transpose_lhs_hint = false} : vector<16x8xf32>, vector<8x102400xf32>, vector<16x102400xf32> -> vector<16x102400xf32>
    %get3A_31 = arith.constant 0 : index
    %get3A_32 = arith.constant 0 : index
    %get3A_33 = vector.load %arg5[%get3A_31, %get3A_32] : memref<1x2xf32, #tpu.memory_space<vmem>>, vector<1x1xf32>
    %get3A_34 = vector.extract %get3A_33[0, 0] : f32 from vector<1x1xf32>
    %get3A_35 = arith.constant 0 : index
    %get3A_36 = arith.constant 1 : index
    %get3A_37 = vector.load %arg5[%get3A_35, %get3A_36] : memref<1x2xf32, #tpu.memory_space<vmem>>, vector<1x1xf32>
    %get3A_38 = vector.extract %get3A_37[0, 0] : f32 from vector<1x1xf32>
    %shift_right_arithmetic3A = arith.constant 1 : i32
    %shift_right_arithmetic3A_39 = vector.broadcast %shift_right_arithmetic3A : i32 to vector<1x102400xi32>
    %shift_right_arithmetic3A_40 = arith.shrsi %reshape3A_3, %shift_right_arithmetic3A_39 : vector<1x102400xi32>
    %and3A = arith.constant 1 : i32
    %and3A_41 = vector.broadcast %and3A : i32 to vector<1x102400xi32>
    %and3A_42 = arith.andi %reshape3A_3, %and3A_41 : vector<1x102400xi32>
    %add3A_43 = arith.addi %shift_right_arithmetic3A_40, %and3A_42 : vector<1x102400xi32>
    %convert_element_type3A_44 = arith.sitofp %add3A_43 : vector<1x102400xi32> to vector<1x102400xf32>
    %mul3A_45 = arith.constant 5.000000e-01 : f32
    %mul3A_46 = vector.broadcast %mul3A_45 : f32 to vector<1x102400xf32>
    %mul3A_47 = arith.mulf %mul3A_46, %convert_element_type3A_44 : vector<1x102400xf32>
    %sub3A_48 = arith.subf %get3A_38, %get3A_34 : f32
    %mul3A_49 = vector.broadcast %sub3A_48 : f32 to vector<1x102400xf32>
    %mul3A_50 = arith.mulf %mul3A_47, %mul3A_49 : vector<1x102400xf32>
    %add3A_51 = vector.broadcast %get3A_34 : f32 to vector<1x102400xf32>
    %add3A_52 = arith.addf %add3A_51, %mul3A_50 : vector<1x102400xf32>
    %div3A_53 = arith.divf %add3A_52, %reshape3A : vector<1x102400xf32>
    %log3A = math.log %div3A_53 : vector<1x102400xf32>
    %mul3A_54 = vector.broadcast %log3A : vector<1x102400xf32> to vector<16x102400xf32>
    %mul3A_55 = arith.mulf %dot_general3A_30, %mul3A_54 : vector<16x102400xf32>
    %exp3A_56 = math.exp %mul3A_55 : vector<16x102400xf32>
    %mul3A_57 = arith.mulf %dot_general3A_22, %exp3A_56 : vector<16x102400xf32>
    %slice3A = vector.extract_strided_slice %mul3A_57 {offsets = [0, 0], sizes = [13, 102400], strides = [1, 1]} : vector<16x102400xf32> to vector<13x102400xf32>
    %swap3A = arith.constant 0 : index
    %swap3A_58 = arith.constant 0 : index
    %swap3A_59 = vector.load %arg7[%swap3A, %swap3A_58] : memref<13x102400xf32, #tpu.memory_space<vmem>>, vector<13x102400xf32>
    tpu.vector_store %arg7[%swap3A, %swap3A_58], %slice3A {strides = array<i32>} : memref<13x102400xf32, #tpu.memory_space<vmem>>, vector<13x102400xf32>,
    return
  }
  func.func @transform_0(%arg0: i32) -> i32 {
    %add3A = arith.constant 8 : i32
    %add3A_0 = arith.addi %arg0, %add3A : i32
    %c0_i32 = arith.constant 0 : i32
    return %add3A_0 : i32
  }
  func.func @transform_1(%arg0: i32) -> i32 {
    %c0_i32 = arith.constant 0 : i32
    return %arg0 : i32
  }
  func.func @transform_2(%arg0: i32) -> (i32, i32) {
    %c0_i32 = arith.constant 0 : i32
    %c0_i32_0 = arith.constant 0 : i32
    %c0_i32_1 = arith.constant 0 : i32
    return %c0_i32, %c0_i32_0 : i32, i32
  }
  func.func @transform_3(%arg0: i32) -> (i32, i32) {
    %c0_i32 = arith.constant 0 : i32
    %c0_i32_0 = arith.constant 0 : i32
    %c0_i32_1 = arith.constant 0 : i32
    return %c0_i32, %c0_i32_0 : i32, i32
  }
  func.func @transform_4(%arg0: i32) -> (i32, i32) {
    %c0_i32 = arith.constant 0 : i32
    %c0_i32_0 = arith.constant 0 : i32
    %c0_i32_1 = arith.constant 0 : i32
    return %c0_i32, %c0_i32_0 : i32, i32
  }
  func.func @transform_6(%arg0: i32) -> (i32, i32) {
    %add3A = arith.constant 8 : i32
    %add3A_0 = arith.addi %arg0, %add3A : i32
    %c0_i32 = arith.constant 0 : i32
    %c0_i32_1 = arith.constant 0 : i32
    return %c0_i32, %add3A_0 : i32, i32
  }
}

</mosaic_0001>

<sc_bundles>
// kernel: kernel.10.cloned.1.call-start
scs
__scs_entry_jumppad:
0x0: {  	(pc) =	sbr.rel $0x88, $3  }
0x1: {  	(tag) =	ssettag $0x0;
	lr =	simm.s32 $0x1  }
0x2: {  	[smem:$0x3F9B] =	sst lr;
	_ =	strace $0xD0000000  }
0x3: {  	_ = 	snop  }
0x4: {  	_ = 	snop  }
0x5: {  	_ = 	snop  }
0x6: {  	_ = 	snop  }
0x7: {  	_ = 	snop  }
__scs_overlays_trampoline_lowered:
0x8: {  	[smem:$0x3FAA] =	sst s0  }
0x9: {  	[smem:$0x3FAB] =	sst s1  }
0xa: {  	[smem:$0x3FAC] =	sst s2  }
0xb: {  	[smem:$0x3FAD] =	sst s3  }
0xc: {  	[smem:$0x3FAE] =	sst s4  }
0xd: {  	[smem:$0x3FAF] =	sst s5  }
0xe: {  	[smem:$0x3FB0] =	sst s6  }
0xf: {  	[smem:$0x3FB1] =	sst s7  }
0x10: {  	[smem:$0x3FB2] =	sst s8  }
0x11: {  	[smem:$0x3FB3] =	sst s9;
	s0 =	simm.s32 @!p0 $0x0  }
0x12: {  	s1 =	sld [smem:$0x3F99];
	s0 =	simm.s32 @p0 $0x1  }
0x13: {  	[smem:$0x3FB4] =	sst s0;
	s0 =	simm.s32 @!p1 $0x0  }
0x14: {  	s2 =	sld [smem:$0x3F98];
	s0 =	simm.s32 @p1 $0x1  }
0x15: {  	[smem:$0x3FB5] =	sst s0;
	s0 =	simm.s32 @!p2 $0x0  }
0x16: {  	s3 =	sld [smem:$0x3FDB];
	s0 =	simm.s32 @p2 $0x1  }
0x17: {  	s4 =	simm.s32 $0x1BF5;
	[smem:$0x3FB7] =	sst s0  }
0x18: {  	s0 =	sld [smem:$0x3F9A];
	_ =	swait.ge [sflag:s4], $0x0  }
0x19: {  	s7 =	sld [smem:$0x3F9B]  }
0x1a: {  	s8 =	sadd.s32 $0xFFFFE003, lr  }
0x1b: {  	s9 =	sadd.s32 $0xFFFFFEF7, lr;
	s5 =	simm.s32 $0xFFFFFFFF;
	p2 =	slt.u32 s8, $0xFFFFF086  }
0x1c: {  	p1 =	slt.u32 s9, $0xF7A;
	s5 =	simm.s32 @!p2 $0x0  }
0x1d: {  	s5 =	simm.s32 @p1 $0x1;
	p0 =	seq.s32 s7, s2  }
0x1e: {  	s7 =	smul.u32 @!p0 $0xF7A, s2;
	p2 =	seq.s32 @!p0 s5, $0x0  }
0x1f: {  	s9 =	smul.u32 $0xF7A, s1;
	s8 =	simm.s32 @!p0 $0x1BF5;
	p2 =	por !p2, p0  }
0x20: {  	[sflag:s8] =	ssyncset.s32 @!p0 $0xFFFFF086;
	s6 =	sadd.s32 @!p0 s3, s7;
	s7 =	simm.s32 @!p0 $0x108  }
0x21: {  	s3 =	sadd.s32 s3, s9;
	s6 =	sadd.s32 @!p0 $0x88, s6;
	s7 =	simm.s32 @p2 $0x1082  }
0x22: {  	[simem:s7], [sflag:s8] =	dma.local @!p0 [hbm:s6], $0xF7A  }
0x23: {  	s9 =	sor.u32 $0xD0000000, s2;
	s6 =	simm.s32 $0x108;
	_ =	swait.ge @!p0 [sflag:s8], $0x0  }
0x24: {  	s3 =	sadd.s32 $0x88, s3;
	s6 =	simm.s32 @!p1 $0x1082;
	[sflag:s4] =	ssyncset.s32 $0xFFFFF086  }
0x25: {  	[simem:s6], [sflag:s4] =	dma.local [hbm:s3], $0xF7A  }
0x26: {  	[smem:$0x3F9B] =	sst s1;
	(tag) =	ssettag s2;
	_ =	strace s9  }
0x27: {  	s1 =	sld [smem:$0x3FAB]  }
0x28: {  	s2 =	sld [smem:$0x3FAC]  }
0x29: {  	s4 =	sld [smem:$0x3FAE]  }
0x2a: {  	p0 =	seq.s32 s5, $0x0;
	s5 =	sld [smem:$0x3FAF]  }
0x2b: {  	s6 =	sld [smem:$0x3FB0]  }
0x2c: {  	s7 =	sld [smem:$0x3FB1]  }
0x2d: {  	s3 =	simm.s32 $0x108;
	s8 =	sld [smem:$0x3FB2]  }
0x2e: {  	s3 =	simm.s32 @!p0 $0x1082;
	s9 =	sld [smem:$0x3FB3]  }
0x2f: {  	lr =	sadd.s32 s0, s3;
	s0 =	sld [smem:$0x3FAA]  }
0x30: {  	s3 =	sld [smem:$0x3FAD]  }
0x31: {  	[smem:$0x3FB6] =	sst s10  }
0x32: {  	s10 =	sld [smem:$0x3FB4];
	_ =	sdelay $0x3  }
0x33: {  	p0 =	seq.s32 s10, $0x1;
	s10 =	sld [smem:$0x3FB6];
	_ =	sdelay $0x3  }
0x34: {  	[smem:$0x3FB6] =	sst s10  }
0x35: {  	s10 =	sld [smem:$0x3FB5];
	_ =	sdelay $0x3  }
0x36: {  	p1 =	seq.s32 s10, $0x1;
	s10 =	sld [smem:$0x3FB6];
	_ =	sdelay $0x3  }
0x37: {  	[smem:$0x3FB6] =	sst s10  }
0x38: {  	s10 =	sld [smem:$0x3FB7]  }
0x39: {  	_ = 	snop;
	(pc) =	sbr.ind lr, $3  }
0x3a: {  	_ = 	snop  }
0x3b: {  	_ = 	snop  }
0x3c: {  	p2 =	seq.s32 s10, $0x1;
	s10 =	sld [smem:$0x3FB6]  }
0x3d: {  	_ =	shalt  }
0x3e: {  	_ =	shalt  }
0x3f: {  	_ =	shalt  }
0x40: {  	_ =	shalt  }
0x41: {  	_ =	shalt  }
0x42: {  	_ =	shalt  }
0x43: {  	_ =	shalt  }
0x44: {  	_ =	shalt  }
0x45: {  	_ =	shalt  }
0x46: {  	_ =	shalt  }
0x47: {  	_ =	shalt  }
0x48: {  	_ =	shalt  }
0x49: {  	_ =	shalt  }
0x4a: {  	_ =	shalt  }
0x4b: {  	_ =	shalt  }
0x4c: {  	_ =	shalt  }
0x4d: {  	_ =	shalt  }
0x4e: {  	_ =	shalt  }
0x4f: {  	_ =	shalt  }
0x50: {  	_ =	shalt  }
0x51: {  	_ =	shalt  }
0x52: {  	_ =	shalt  }
0x53: {  	_ =	shalt  }
0x54: {  	_ =	shalt  }
0x55: {  	_ =	shalt  }
0x56: {  	_ =	shalt  }
0x57: {  	_ =	shalt  }
0x58: {  	_ =	shalt  }
0x59: {  	_ =	shalt  }
0x5a: {  	_ =	shalt  }
0x5b: {  	_ =	shalt  }
0x5c: {  	_ =	shalt  }
0x5d: {  	_ =	shalt  }
0x5e: {  	_ =	shalt  }
0x5f: {  	_ =	shalt  }
0x60: {  	_ =	shalt  }
0x61: {  	_ =	shalt  }
0x62: {  	_ =	shalt  }
0x63: {  	_ =	shalt  }
0x64: {  	_ =	shalt  }
0x65: {  	_ =	shalt  }
0x66: {  	_ =	shalt  }
0x67: {  	_ =	shalt  }
0x68: {  	_ =	shalt  }
0x69: {  	_ =	shalt  }
0x6a: {  	_ =	shalt  }
0x6b: {  	_ =	shalt  }
0x6c: {  	_ =	shalt  }
0x6d: {  	_ =	shalt  }
0x6e: {  	_ =	shalt  }
0x6f: {  	_ =	shalt  }
0x70: {  	_ =	shalt  }
0x71: {  	_ =	shalt  }
0x72: {  	_ =	shalt  }
0x73: {  	_ =	shalt  }
0x74: {  	_ =	shalt  }
0x75: {  	_ =	shalt  }
0x76: {  	_ =	shalt  }
0x77: {  	_ =	shalt  }
0x78: {  	_ =	shalt  }
0x79: {  	_ =	shalt  }
0x7a: {  	_ =	shalt  }
0x7b: {  	_ =	shalt  }
0x7c: {  	_ =	shalt  }
0x7d: {  	_ =	shalt  }
0x7e: {  	_ =	shalt  }
0x7f: {  	_ =	shalt  }
0x80: {  	_ =	shalt  }
0x81: {  	_ =	shalt  }
0x82: {  	_ =	shalt  }
0x83: {  	_ =	shalt  }
0x84: {  	_ =	shalt  }
0x85: {  	_ =	shalt  }
0x86: {  	_ =	shalt  }
0x87: {  	_ =	shalt  }
.Lfunc_end0:
.L_simem_size_0:
called_computation.1_lowered:
.L_overlay_start_0:
0x88: {  	s2 =	sld [smem:$0x3FD9]  }
0x89: {  	s3 =	sld [smem:$0x3FFE];
	_ =	sdelay $0x1  }
0x8a: {  	s1 =	srdreg.scid  }
0x8b: {  	s0 =	sand.u32 $0x1, s1  }
0x8c: {  	s17 =	sshll.u32 s0, $0xA;
	s2 =	sadd.s32 s3, s2  }
0x8d: {  	s2 =	sadd.s32 s2, s17  }
0x8e: {  	[smem:$0x3FC2] =	sst s2  }
0x8f: {  	_ = 	snop  }
0x90: {  	s18 =	sld [smem:$0x3FC9]  }
0x91: {  	s4 =	sld [smem:$0x3FC8];
	(tm) =	ssettm $0x1  }
0x92: {  	s19 =	sld [smem:$0x3FFB];
	_ =	sdelay $0x3  }
0x93: {  	_ =	strace s19  }
0x94: {  	s2 =	sld [smem:$0x3FFC];
	_ =	sdelay $0x3  }
0x95: {  	_ =	strace s2  }
0x96: {  	s2 =	sld [smem:$0x3FFD];
	_ =	sdelay $0x3  }
0x97: {  	_ =	strace s2  }
0x98: {  	_ =	strace $0x8FFFFFFF  }
0x99: {  	s20 =	sld [smem:$0x3FDB];
	_ =	sdelay $0x1  }
0x9a: {  	s5 =	simm.s32 $_scs_section_size  }
0x9b: {  	s6 =	simm.s32 $_size__tile_overlayer_lowered;
	s7 =	simm.s32 $_tile_overlayer_lowered  }
0x9c: {  	s8 =	simm.s32 $0x1BFF;
	s21 =	sshll.u32 s7, $0x1;
	s5 =	sadd.s32 s5, s20  }
0x9d: {  	s22 =	simm.s32 $0x0;
	s6 =	sshll.u32 s6, $0x1;
	s7 =	sadd.s32 s21, s5  }
0x9e: {  	[timem:s22], [sflag:s8] =	dma.local [hbm:s7], s6  }
0x9f: {  	_ =	swait.ge [sflag:s8], s6  }
0xa0: {  	s6 =	ssub.s32 $0x0, s6;
	[sflag:s8] =	ssyncset.done $0x0  }
0xa1: {  	[sflag:s8] =	ssyncadd.s32 s6;
	_ =	sdelay $0x1  }
0xa2: {  	s23 =	simm.s32 $0x1B8B  }
0xa3: {  	_ =	swait.ge [sflag:s23], $0x1  }
0xa4: {  	[sflag:s23] =	ssyncset.done $0x0  }
0xa5: {  	[sflag:s23] =	ssyncadd.s32 $0xFFFFFFFF  }
0xa6: {  	s6 =	sld [smem:$0x0]  }
0xa7: {  	s7 =	sand.u32 $0xFFFFFFFE, s1  }
0xa8: {  	p0 =	sne.s32 s1, s7  }
0xa9: {  	s7 =	sshll.u32 @p0 s7, $0xE  }
0xaa: {  	s7 =	sadd.s32 @p0 $0x11B8D, s7;
	s8 =	sshll.u32 @p0 s6, $0x11  }
0xab: {  	s7 =	sor.u32 @p0 s8, s7  }
0xac: {  	[sflag:s7] =	ssyncadd.remote.s32 @p0 $0x1;
	_ =	sdelay $0x1  }
0xad: {  	s7 =	simm.s32 @p0 $0x1B8D  }
0xae: {  	_ =	swait.eq @p0 [sflag:s7], $0x1  }
0xaf: {  	[sflag:s7] =	ssyncadd.s32 @p0 $0xFFFFFFFF  }
0xb0: {  	s8 =	sshll.u32 @!p0 s1, $0xE  }
0xb1: {  	s8 =	sor.u32 @!p0 $0x4000, s8;
	s7 =	simm.s32 @!p0 $0x1B8D  }
0xb2: {  	s6 =	sshll.u32 @!p0 s6, $0x11;
	s8 =	sadd.s32 @!p0 $0x11B8D, s8;
	_ =	swait.eq @!p0 [sflag:s7], $0x1  }
0xb3: {  	s6 =	sor.u32 @!p0 s6, s8;
	[sflag:s7] =	ssyncadd.s32 @!p0 $0xFFFFFFFF  }
0xb4: {  	s25 =	simm.s32 $0x1B8E;
	s24 =	sld [smem:$0x3FFE];
	[sflag:s6] =	ssyncadd.remote.s32 @!p0 $0x1  }
0xb5: {  	s26 =	simm.s32 $execute0_lowered;
	[smem:$0x3FD2] =	sst s25  }
0xb6: {  	s7 =	sshll.u32 s26, $0x1;
	_ =	strace $0x80000049;
	[dreg:$0x1] =	wrdreg $0xFFFFFFFF  }
0xb7: {  	s28 =	simm.s32 $_size_execute0_lowered;
	s5 =	sadd.s32 s5, s7;
	[dreg:$0x0] =	wrdreg $0x0  }
0xb8: {  	s7 =	sshll.u32 s28, $0x1;
	[dreg:$0x2] =	wrdreg s5  }
0xb9: {  	[dreg:$0x3] =	wrdreg s7  }
0xba: {  	[dreg:$0x4] =	wrdreg $0xC0  }
0xbb: {  	_ =	task [dreg:s22], $0x5FFFF  }
0xbc: {  	[dreg:$0x1] =	wrdreg $0xFFFFFFFF  }
0xbd: {  	[dreg:$0x0] =	wrdreg $0x60  }
0xbe: {  	[dreg:$0x2] =	wrdreg s18  }
0xbf: {  	[dreg:$0x3] =	wrdreg s4  }
0xc0: {  	[dreg:$0x4] =	wrdreg s24  }
0xc1: {  	[dreg:$0x5] =	wrdreg $0xA  }
0xc2: {  	_ =	task.clear_ibuf [dreg:s22], $0x6FFFF;
	_ =	strace $0x90000049  }
0xc3: {  	s29 =	simm.s32 $0xA;
	_ =	strace $0x8000004B  }
0xc4: {  	_ =	swait.ge [sflag:s29], $0x1  }
0xc5: {  	[sflag:s29] =	ssyncadd.s32 $0xFFFFFFFF  }
0xc6: {  	_ =	strace $0x9000004B  }
0xc7: {  	_ =	sfence  }
0xc8: {  	s30 =	sld [smem:$0x0];
	_ =	sdelay $0x2  }
0xc9: {  	s31 =	sshll.u32 s1, $0xD;
	s1 =	sshrl.u32 s1, $0x2  }
0xca: {  	s4 =	sand.u32 $0x4000, s31;
	s1 =	sadd.s32 s1, s30  }
0xcb: {  	s0 =	sor.u32 s4, s0;
	s1 =	sshll.u32 s1, $0x11  }
0xcc: {  	s0 =	sor.u32 s1, s0  }
0xcd: {  	s0 =	sadd.s32 $0x8F2B, s0  }
0xce: {  	[sflag:s0] =	ssyncadd.remote.s32 $0x1  }
0xcf: {  	_ =	sfence.sel $0xFFFF  }
0xd0: {  	[dreg:$0x0] =	wrdreg $0xFFFFFFFF;
	(pc) =	sbr.abs _section_cstart, $3  }
0xd1: {  	[dreg:$0x1] =	wrdreg $0xFFFFFFFF  }
0xd2: {  	_ =	task.clear_ibuf [dreg:s22], $0x2FFFF;
	_ =	strace $0x9FFFFFFF  }
0xd3: {  	(tm) =	ssettm $0x7FFFFFFF  }
tec
execute0_lowered:
.L_overlay_start_1:
0x0: {  	(tag) =	ssettag $0x1  }
0x1: {  	s1 =	rddreg [dreg:$0x0]  }
0x2: {  	s7 =	rddreg [dreg:$0x1]  }
0x3: {  	s5 =	srdreg.scid;
	s2 =	stileid.u32  }
0x4: {  	s4 =	rddreg [dreg:$0x2];
	s5 =	sand.u32 $0x1, s5;
	s6 =	sshll.u32 s2, $0x1  }
0x5: {  	s0 =	rddreg [dreg:$0x3];
	s6 =	sor.u32 s5, s6  }
0x6: {  	s3 =	simm.s32 $0x0;
	s16 =	simm.s32 $0x1;
	s8 =	smul.u32 $0x3200, s6  }
0x7: {  	s17 =	simm.s32 $0x2;
	s9 =	sor.u32 $0x20, s6;
	s28 =	smul.u32 $0x320, s6  }
0x8: {  	s18 =	simm.s32 $0x3;
	s10 =	sor.u32 $0x40, s6;
	s26 =	smul.u32 $0x3200, s9  }
0x9: {  	s19 =	simm.s32 $0x4;
	s14 =	sor.u32 $0x60, s6;
	s13 =	smul.u32 $0x3200, s10  }
0xa: {  	s20 =	simm.s32 $0x0;
	[smem:$0x7FF] =	sst s3;
	s15 =	smul.u32 $0x3200, s14  }
0xb: {  	s11 =	sadd.s32 $0x1E00, s4;
	s5 =	ssub.s32 $0x2, s5;
	s29 =	smul.u32 $0x320, s9  }
0xc: {  	p0 =	sgt.u32 s2, $0xC;
	s24 =	sshrl.u32 s5, $0x1;
	s10 =	smul.u32 $0x320, s10  }
0xd: {  	_ =	strace $0x8000004A;
	s12 =	ssub.s32 s5, s24;
	s14 =	smul.u32 $0x320, s14  }
0xe: {  	s25 =	sshrl.u32 s8, $0x3;
	s6 =	sadd.s32 s11, s28;
	s12 =	smax.u32 s12, $0x1  }
0xf: {  	s4 =	sadd.s32 s7, s25;
	s5 =	sshrl.u32 s26, $0x3;
	s30 =	sshrl.u32 s13, $0x3  }
.Ltmp0:
0x10: {  	s31 =	sshrl.u32 s15, $0x3;
	s8 =	sadd.s32 s11, s29;
	(pc) =	sbr.rel .LBB2_1-.Ltmp0, $4  }
0x11: {  	s10 =	sadd.s32 s11, s10;
	s11 =	sadd.s32 s11, s14;
	s14 =	simm.s32 $0xC380  }
0x12: {  	s15 =	simm.s32 $0xF580;
	s4 =	sadd.s32 $0x32000, s4;
	s5 =	sadd.s32 s7, s5  }
0x13: {  	s9 =	sadd.s32 s7, s30;
	s13 =	sadd.s32 s7, s31;
	s5 =	sadd.s32 $0x32000, s5  }
0x14: {  	s7 =	sadd.s32 $0x32000, s9;
	s9 =	sadd.s32 $0x32000, s13;
	s13 =	simm.s32 $0x5  }
.LBB2_14:
0x15: {  	s21 =	simm.s32 $0x3;
	s22 =	simm.s32 $0x4  }
.LBB2_20:
0x16: {  	s20 =	sadd.s32 $0x1, s20  }
0x17: {  	_ =	swait.ge [sflag:s22], $0x1900;
	p1 =	sne.s32 s20, s12  }
.Ltmp1:
0x18: {  	[sflag:s22] =	ssyncset.done $0x0;
	(pc) =	sbr.rel @!p1 .LBB2_21-.Ltmp1, $4  }
0x19: {  	[sflag:s22] =	ssyncadd.s32 $0xFFFFE700  }
0x1a: {  	_ =	swait.ge [sflag:s21], $0x1900  }
0x1b: {  	[sflag:s21] =	ssyncset.done $0x0  }
0x1c: {  	[sflag:s21] =	ssyncadd.s32 $0xFFFFE700  }
.LBB2_1:
0x1d: {  	[tilespmem:s3], [sflag:$0x5] =	stream.linear.gather [hbm4b:s1+s3], $0xC350, $0x38;
	[tilespmem:$0x15980] =	vst v63  }
0x1e: {  	_ =	swait.ge [sflag:s13], $0xC350  }
0x1f: {  	[sflag:s13] =	ssyncset.done $0x0  }
0x20: {  	[sflag:s13] =	ssyncadd.s32 $0xFFFF3CB0  }
0x21: {  	[tilespmem:s14], [sflag:$0x1] =	stream.linear.gather [hbm4b:s4+s3], $0x3200, $0x38;
	[tilespmem:$0x15980] =	vst v63  }
0x22: {  	_ = 	snop  }
0x23: {  	[tilespmem:s15], [sflag:$0x2] =	stream.linear.gather [hbm4b:s5+s3], $0x3200, $0x38;
	[tilespmem:$0x15980] =	vst v63  }
0x24: {  	_ =	swait.ge [sflag:s16], $0x3200  }
0x25: {  	[sflag:s16] =	ssyncset.done $0x0  }
0x26: {  	s21 =	simm.s32 $0xC400;
	[sflag:s16] =	ssyncadd.s32 $0xFFFFCE00  }
0x27: {  	v0 =	vld [tilespmem:s21+$0xFFFFFFF0]  }
0x28: {  	v1 =	vld [tilespmem:s21+$0x70]  }
0x29: {  	v2 =	vld [tilespmem:s21+$0xFFFFFF90]  }
0x2a: {  	v3 =	vld [tilespmem:s21+$0xFFFFFFA0]  }
0x2b: {  	v4 =	vld [tilespmem:s21+$0xFFFFFFB0]  }
0x2c: {  	v5 =	vld [tilespmem:s21+$0xFFFFFFC0]  }
0x2d: {  	v6 =	vld [tilespmem:s21+$0xFFFFFFD0]  }
0x2e: {  	v7 =	vld [tilespmem:s21+$0xFFFFFFE0]  }
0x2f: {  	v9 =	vld [tilespmem:s21+$0x0]  }
0x30: {  	v10 =	vld [tilespmem:s21+$0x10]  }
0x31: {  	v11 =	vld [tilespmem:s21+$0x20]  }
0x32: {  	v12 =	vld [tilespmem:s21+$0x30]  }
0x33: {  	v13 =	vld [tilespmem:s21+$0x40]  }
0x34: {  	v14 =	vld [tilespmem:s21+$0x50]  }
0x35: {  	v15 =	vld [tilespmem:s21+$0x60]  }
0x36: {  	v0 =	vld.idx.msk [tilespmem:v0+s3+$0x0], $0xffff  }
0x37: {  	v8 =	vld.idx.msk [tilespmem:v1+s3+$0x0], $0xffff  }
0x38: {  	v1 =	vld [tilespmem:s21+$0xFFFFFF80]  }
0x39: {  	v2 =	vld.idx.msk [tilespmem:v2+s3+$0x0], $0xffff  }
0x3a: {  	v3 =	vld.idx.msk [tilespmem:v3+s3+$0x0], $0xffff  }
0x3b: {  	v4 =	vld.idx.msk [tilespmem:v4+s3+$0x0], $0xffff  }
0x3c: {  	v5 =	vld.idx.msk [tilespmem:v5+s3+$0x0], $0xffff  }
0x3d: {  	v17 =	vld.idx.msk [tilespmem:v6+s3+$0x0], $0xffff  }
0x3e: {  	v18 =	vld.idx.msk [tilespmem:v7+s3+$0x0], $0xffff  }
0x3f: {  	v19 =	vld.idx.msk [tilespmem:v9+s3+$0x0], $0xffff  }
0x40: {  	v16 =	vld.idx.msk [tilespmem:v1+s3+$0x0], $0xffff  }
0x41: {  	v6 =	vld.idx.msk [tilespmem:v10+s3+$0x0], $0xffff  }
0x42: {  	v7 =	vshll.u32 v0, $0x1;
	v0 =	vld.idx.msk [tilespmem:v12+s3+$0x0], $0xffff  }
0x43: {  	v1 =	vld.idx.msk [tilespmem:v11+s3+$0x0], $0xffff  }
0x44: {  	v7 =	vadd.s32 v7, v8;
	v8 =	vshll.u32 v4, $0x1;
	v4 =	vshll.u32 v5, $0x1;
	v5 =	vld.idx.msk [tilespmem:v14+s3+$0x0], $0xffff  }
0x45: {  	s21 =	simm.s32 $0x127C0;
	v9 =	vshll.u32 v3, $0x1;
	v11 =	vshll.u32 v2, $0x1;
	v2 =	vld.idx.msk [tilespmem:v13+s3+$0x0], $0xffff;
	v10 =	vshll.u32 v16, $0x1  }
0x46: {  	s22 =	simm.s32 $0x0;
	s23 =	simm.s32 $0xC500;
	v3 =	vshll.u32 v18, $0x1;
	[tilespmem:s21+$0x30] =	vst v7;
	v7 =	vshll.u32 v17, $0x1;
	v12 =	vadd.s32 v10, v19;
	v10 =	vld.idx.msk [tilespmem:v15+s3+$0x0], $0xffff  }
.LBB2_2:
0x47: {  	v13 =	vld [tilespmem:s23+$0xFFFFFFF0];
	s22 =	sadd.s32 $0x80, s22;
	[tilespmem:s21+$0xFFFFFFC0] =	vst v12;
	v6 =	vadd.s32 v11, v6  }
0x48: {  	v1 =	vadd.s32 v9, v1;
	v11 =	vld [tilespmem:s23+$0x70];
	p1 =	slt.u32 s22, $0x1880;
	[tilespmem:s21+$0xFFFFFFD0] =	vst v6  }
0x49: {  	v0 =	vadd.s32 v8, v0;
	v6 =	vld [tilespmem:s23+$0xFFFFFF90];
	[tilespmem:s21+$0xFFFFFFE0] =	vst v1  }
0x4a: {  	v1 =	vld [tilespmem:s23+$0xFFFFFFA0];
	[tilespmem:s21+$0xFFFFFFF0] =	vst v0;
	v0 =	vadd.s32 v4, v2  }
0x4b: {  	v2 =	vld [tilespmem:s23+$0xFFFFFFB0];
	[tilespmem:s21+$0x0] =	vst v0;
	v0 =	vadd.s32 v7, v5  }
0x4c: {  	v4 =	vld [tilespmem:s23+$0xFFFFFFC0];
	[tilespmem:s21+$0x10] =	vst v0;
	v0 =	vadd.s32 v3, v10  }
0x4d: {  	v3 =	vld [tilespmem:s23+$0xFFFFFFD0];
	[tilespmem:s21+$0x20] =	vst v0  }
0x4e: {  	v0 =	vld [tilespmem:s23+$0xFFFFFFE0]  }
0x4f: {  	v5 =	vld.idx.msk [tilespmem:v13+s3+$0x0], $0xffff  }
0x50: {  	v7 =	vld.idx.msk [tilespmem:v11+s3+$0x0], $0xffff  }
0x51: {  	v8 =	vld [tilespmem:s23+$0xFFFFFF80]  }
0x52: {  	v9 =	vld [tilespmem:s23+$0x0]  }
0x53: {  	v10 =	vld [tilespmem:s23+$0x10]  }
0x54: {  	v12 =	vld [tilespmem:s23+$0x20]  }
0x55: {  	v5 =	vshll.u32 v5, $0x1;
	v13 =	vld [tilespmem:s23+$0x30]  }
0x56: {  	s21 =	sadd.s32 $0x100, s21;
	v5 =	vadd.s32 v5, v7;
	v14 =	vld [tilespmem:s23+$0x40]  }
0x57: {  	v15 =	vld [tilespmem:s23+$0x50];
	[tilespmem:s21+$0x30] =	vst v5  }
0x58: {  	v16 =	vld [tilespmem:s23+$0x60]  }
0x59: {  	v5 =	vld.idx.msk [tilespmem:v8+s3+$0x0], $0xffff  }
0x5a: {  	v6 =	vld.idx.msk [tilespmem:v6+s3+$0x0], $0xffff  }
0x5b: {  	v1 =	vld.idx.msk [tilespmem:v1+s3+$0x0], $0xffff  }
0x5c: {  	v2 =	vld.idx.msk [tilespmem:v2+s3+$0x0], $0xffff  }
0x5d: {  	v4 =	vld.idx.msk [tilespmem:v4+s3+$0x0], $0xffff  }
0x5e: {  	v3 =	vld.idx.msk [tilespmem:v3+s3+$0x0], $0xffff  }
0x5f: {  	v17 =	vshll.u32 v5, $0x1;
	v18 =	vld.idx.msk [tilespmem:v0+s3+$0x0], $0xffff  }
0x60: {  	v11 =	vshll.u32 v6, $0x1;
	v19 =	vld.idx.msk [tilespmem:v9+s3+$0x0], $0xffff  }
0x61: {  	v9 =	vshll.u32 v1, $0x1;
	v6 =	vld.idx.msk [tilespmem:v10+s3+$0x0], $0xffff  }
.Ltmp2:
0x62: {  	v8 =	vshll.u32 v2, $0x1;
	v1 =	vld.idx.msk [tilespmem:v12+s3+$0x0], $0xffff;
	(pc) =	sbr.rel @p1 .LBB2_2-.Ltmp2, $4  }
0x63: {  	v4 =	vshll.u32 v4, $0x1;
	v0 =	vld.idx.msk [tilespmem:v13+s3+$0x0], $0xffff  }
0x64: {  	v7 =	vshll.u32 v3, $0x1;
	v2 =	vld.idx.msk [tilespmem:v14+s3+$0x0], $0xffff  }
0x65: {  	v3 =	vshll.u32 v18, $0x1;
	v5 =	vld.idx.msk [tilespmem:v15+s3+$0x0], $0xffff  }
0x66: {  	s23 =	sadd.s32 $0x100, s23;
	v12 =	vadd.s32 v17, v19;
	v10 =	vld.idx.msk [tilespmem:v16+s3+$0x0], $0xffff  }
0x67: {  	[tilespmem:s21+$0xFFFFFFC0] =	vst v12;
	v6 =	vadd.s32 v11, v6  }
0x68: {  	v1 =	vadd.s32 v9, v1;
	[tilespmem:s21+$0xFFFFFFD0] =	vst v6  }
0x69: {  	[tilespmem:s21+$0xFFFFFFE0] =	vst v1;
	v0 =	vadd.s32 v8, v0  }
0x6a: {  	[tilespmem:s21+$0xFFFFFFF0] =	vst v0;
	v61 =	vadd.s32 v4, v2  }
0x6b: {  	[tilespmem:s21+$0x0] =	vst v61;
	v62 =	vadd.s32 v7, v5  }
0x6c: {  	s22 =	simm.s32 $0x12780;
	[tilespmem:s21+$0x10] =	vst v62;
	v63 =	vadd.s32 v3, v10  }
0x6d: {  	s24 =	sadd.s32 $0x0, s6;
	s23 =	simm.s32 $0x12880;
	[tilespmem:s21+$0x20] =	vst v63;
	s21 =	simm.s32 $0x10  }
.LBB2_4:
0x6e: {  	[hbm4b:s24+s3] =	stream.linear.scatter [tilespmem:s22], [sflag:$0x3], $0x80, $0x38;
	[tilespmem:$0x15980] =	vst v63  }
0x6f: {  	s24 =	smov.u32 s21;
	s22 =	smov.u32 s23;
	p1 =	sne.s32 s21, $0x310  }
.Ltmp3:
0x70: {  	s21 =	sadd.s32 $0x10, s21;
	(pc) =	sbr.rel @p1 .LBB2_4-.Ltmp3, $2  }
0x71: {  	_ =	sdelay $0x2  }
0x72: {  	s23 =	sadd.s32 $0x100, s23;
	s24 =	sadd.s32 s24, s6  }
0x73: {  	[hbm4b:s24+s3] =	stream.linear.scatter [tilespmem:s22], [sflag:$0x3], $0x80, $0x38;
	[tilespmem:$0x15980] =	vst v63  }
0x74: {  	_ = 	snop  }
0x75: {  	[tilespmem:s14], [sflag:$0x1] =	stream.linear.gather [hbm4b:s7+s3], $0x3200, $0x38;
	[tilespmem:$0x15980] =	vst v63  }
0x76: {  	_ =	swait.ge [sflag:s17], $0x3200  }
0x77: {  	[sflag:s17] =	ssyncset.done $0x0  }
0x78: {  	s21 =	simm.s32 $0xF670;
	[sflag:s17] =	ssyncadd.s32 $0xFFFFCE00  }
0x79: {  	v0 =	vld [tilespmem:s21+$0xFFFFFF80]  }
0x7a: {  	v1 =	vld [tilespmem:s21+$0x0]  }
0x7b: {  	v2 =	vld [tilespmem:s21+$0xFFFFFF20]  }
0x7c: {  	v3 =	vld [tilespmem:s21+$0xFFFFFF30]  }
0x7d: {  	v4 =	vld [tilespmem:s21+$0xFFFFFF40]  }
0x7e: {  	v5 =	vld [tilespmem:s21+$0xFFFFFF50]  }
0x7f: {  	v6 =	vld [tilespmem:s21+$0xFFFFFF60]  }
0x80: {  	v7 =	vld [tilespmem:s21+$0xFFFFFF70]  }
0x81: {  	v9 =	vld [tilespmem:s21+$0xFFFFFF90]  }
0x82: {  	v10 =	vld [tilespmem:s21+$0xFFFFFFA0]  }
0x83: {  	v11 =	vld [tilespmem:s21+$0xFFFFFFB0]  }
0x84: {  	v12 =	vld [tilespmem:s21+$0xFFFFFFC0]  }
0x85: {  	v13 =	vld [tilespmem:s21+$0xFFFFFFD0]  }
0x86: {  	v14 =	vld [tilespmem:s21+$0xFFFFFFE0]  }
0x87: {  	v15 =	vld [tilespmem:s21+$0xFFFFFFF0]  }
0x88: {  	v0 =	vld.idx.msk [tilespmem:v0+s3+$0x0], $0xffff  }
0x89: {  	v8 =	vld.idx.msk [tilespmem:v1+s3+$0x0], $0xffff  }
0x8a: {  	v1 =	vld [tilespmem:s21+$0xFFFFFF10]  }
0x8b: {  	v2 =	vld.idx.msk [tilespmem:v2+s3+$0x0], $0xffff  }
0x8c: {  	v3 =	vld.idx.msk [tilespmem:v3+s3+$0x0], $0xffff  }
0x8d: {  	v4 =	vld.idx.msk [tilespmem:v4+s3+$0x0], $0xffff  }
0x8e: {  	v5 =	vld.idx.msk [tilespmem:v5+s3+$0x0], $0xffff  }
0x8f: {  	v17 =	vld.idx.msk [tilespmem:v6+s3+$0x0], $0xffff  }
0x90: {  	v18 =	vld.idx.msk [tilespmem:v7+s3+$0x0], $0xffff  }
0x91: {  	v19 =	vld.idx.msk [tilespmem:v9+s3+$0x0], $0xffff  }
0x92: {  	v16 =	vld.idx.msk [tilespmem:v1+s3+$0x0], $0xffff  }
0x93: {  	v6 =	vld.idx.msk [tilespmem:v10+s3+$0x0], $0xffff  }
0x94: {  	v7 =	vshll.u32 v0, $0x1;
	v0 =	vld.idx.msk [tilespmem:v12+s3+$0x0], $0xffff  }
0x95: {  	v1 =	vld.idx.msk [tilespmem:v11+s3+$0x0], $0xffff  }
0x96: {  	v7 =	vadd.s32 v7, v8;
	v8 =	vshll.u32 v4, $0x1;
	v4 =	vshll.u32 v5, $0x1;
	v5 =	vld.idx.msk [tilespmem:v14+s3+$0x0], $0xffff  }
0x97: {  	s21 =	simm.s32 $0x12870;
	v9 =	vshll.u32 v3, $0x1;
	v11 =	vshll.u32 v2, $0x1;
	v2 =	vld.idx.msk [tilespmem:v13+s3+$0x0], $0xffff;
	v10 =	vshll.u32 v16, $0x1  }
0x98: {  	s22 =	simm.s32 $0x0;
	s23 =	simm.s32 $0xF770;
	v3 =	vshll.u32 v18, $0x1;
	[tilespmem:s21+$0x0] =	vst v7;
	v7 =	vshll.u32 v17, $0x1;
	v12 =	vadd.s32 v10, v19;
	v10 =	vld.idx.msk [tilespmem:v15+s3+$0x0], $0xffff  }
.LBB2_6:
0x99: {  	v13 =	vld [tilespmem:s23+$0xFFFFFF80];
	s22 =	sadd.s32 $0x80, s22;
	[tilespmem:s21+$0xFFFFFF90] =	vst v12;
	v6 =	vadd.s32 v11, v6  }
0x9a: {  	v1 =	vadd.s32 v9, v1;
	v11 =	vld [tilespmem:s23+$0x0];
	p1 =	slt.u32 s22, $0x1880;
	[tilespmem:s21+$0xFFFFFFA0] =	vst v6  }
0x9b: {  	v0 =	vadd.s32 v8, v0;
	v6 =	vld [tilespmem:s23+$0xFFFFFF20];
	[tilespmem:s21+$0xFFFFFFB0] =	vst v1  }
0x9c: {  	v1 =	vld [tilespmem:s23+$0xFFFFFF30];
	[tilespmem:s21+$0xFFFFFFC0] =	vst v0;
	v0 =	vadd.s32 v4, v2  }
0x9d: {  	v2 =	vld [tilespmem:s23+$0xFFFFFF40];
	[tilespmem:s21+$0xFFFFFFD0] =	vst v0;
	v0 =	vadd.s32 v7, v5  }
0x9e: {  	v4 =	vld [tilespmem:s23+$0xFFFFFF50];
	[tilespmem:s21+$0xFFFFFFE0] =	vst v0;
	v0 =	vadd.s32 v3, v10  }
0x9f: {  	v3 =	vld [tilespmem:s23+$0xFFFFFF60];
	[tilespmem:s21+$0xFFFFFFF0] =	vst v0  }
0xa0: {  	v0 =	vld [tilespmem:s23+$0xFFFFFF70]  }
0xa1: {  	v5 =	vld.idx.msk [tilespmem:v13+s3+$0x0], $0xffff  }
0xa2: {  	v7 =	vld.idx.msk [tilespmem:v11+s3+$0x0], $0xffff  }
0xa3: {  	v8 =	vld [tilespmem:s23+$0xFFFFFF10]  }
0xa4: {  	v9 =	vld [tilespmem:s23+$0xFFFFFF90]  }
0xa5: {  	v10 =	vld [tilespmem:s23+$0xFFFFFFA0]  }
0xa6: {  	v12 =	vld [tilespmem:s23+$0xFFFFFFB0]  }
0xa7: {  	v5 =	vshll.u32 v5, $0x1;
	v13 =	vld [tilespmem:s23+$0xFFFFFFC0]  }
0xa8: {  	s21 =	sadd.s32 $0x100, s21;
	v5 =	vadd.s32 v5, v7;
	v14 =	vld [tilespmem:s23+$0xFFFFFFD0]  }
0xa9: {  	v15 =	vld [tilespmem:s23+$0xFFFFFFE0];
	[tilespmem:s21+$0x0] =	vst v5  }
0xaa: {  	v16 =	vld [tilespmem:s23+$0xFFFFFFF0]  }
0xab: {  	v5 =	vld.idx.msk [tilespmem:v8+s3+$0x0], $0xffff  }
0xac: {  	v6 =	vld.idx.msk [tilespmem:v6+s3+$0x0], $0xffff  }
0xad: {  	v1 =	vld.idx.msk [tilespmem:v1+s3+$0x0], $0xffff  }
0xae: {  	v2 =	vld.idx.msk [tilespmem:v2+s3+$0x0], $0xffff  }
0xaf: {  	v4 =	vld.idx.msk [tilespmem:v4+s3+$0x0], $0xffff  }
0xb0: {  	v3 =	vld.idx.msk [tilespmem:v3+s3+$0x0], $0xffff  }
0xb1: {  	v17 =	vshll.u32 v5, $0x1;
	v18 =	vld.idx.msk [tilespmem:v0+s3+$0x0], $0xffff  }
0xb2: {  	v11 =	vshll.u32 v6, $0x1;
	v19 =	vld.idx.msk [tilespmem:v9+s3+$0x0], $0xffff  }
0xb3: {  	v9 =	vshll.u32 v1, $0x1;
	v6 =	vld.idx.msk [tilespmem:v10+s3+$0x0], $0xffff  }
.Ltmp4:
0xb4: {  	v8 =	vshll.u32 v2, $0x1;
	v1 =	vld.idx.msk [tilespmem:v12+s3+$0x0], $0xffff;
	(pc) =	sbr.rel @p1 .LBB2_6-.Ltmp4, $4  }
0xb5: {  	v4 =	vshll.u32 v4, $0x1;
	v0 =	vld.idx.msk [tilespmem:v13+s3+$0x0], $0xffff  }
0xb6: {  	v7 =	vshll.u32 v3, $0x1;
	v2 =	vld.idx.msk [tilespmem:v14+s3+$0x0], $0xffff  }
0xb7: {  	v3 =	vshll.u32 v18, $0x1;
	v5 =	vld.idx.msk [tilespmem:v15+s3+$0x0], $0xffff  }
0xb8: {  	s23 =	sadd.s32 $0x100, s23;
	v12 =	vadd.s32 v17, v19;
	v10 =	vld.idx.msk [tilespmem:v16+s3+$0x0], $0xffff  }
0xb9: {  	[tilespmem:s21+$0xFFFFFF90] =	vst v12;
	v6 =	vadd.s32 v11, v6  }
0xba: {  	v1 =	vadd.s32 v9, v1;
	[tilespmem:s21+$0xFFFFFFA0] =	vst v6  }
0xbb: {  	[tilespmem:s21+$0xFFFFFFB0] =	vst v1;
	v0 =	vadd.s32 v8, v0  }
0xbc: {  	[tilespmem:s21+$0xFFFFFFC0] =	vst v0;
	v61 =	vadd.s32 v4, v2  }
0xbd: {  	[tilespmem:s21+$0xFFFFFFD0] =	vst v61;
	v62 =	vadd.s32 v7, v5  }
0xbe: {  	s22 =	simm.s32 $0x12800;
	[tilespmem:s21+$0xFFFFFFE0] =	vst v62;
	v63 =	vadd.s32 v3, v10  }
0xbf: {  	s24 =	sadd.s32 $0x0, s8;
	s23 =	simm.s32 $0x12900;
	[tilespmem:s21+$0xFFFFFFF0] =	vst v63;
	s21 =	simm.s32 $0x10  }
.LBB2_8:
0xc0: {  	[hbm4b:s24+s3] =	stream.linear.scatter [tilespmem:s22], [sflag:$0x4], $0x80, $0x38;
	[tilespmem:$0x15980] =	vst v63  }
0xc1: {  	s24 =	smov.u32 s21;
	s22 =	smov.u32 s23;
	p1 =	sne.s32 s21, $0x310  }
.Ltmp5:
0xc2: {  	s21 =	sadd.s32 $0x10, s21;
	(pc) =	sbr.rel @p1 .LBB2_8-.Ltmp5, $2  }
0xc3: {  	_ =	sdelay $0x2  }
0xc4: {  	s23 =	sadd.s32 $0x100, s23;
	s24 =	sadd.s32 s24, s8  }
0xc5: {  	[hbm4b:s24+s3] =	stream.linear.scatter [tilespmem:s22], [sflag:$0x4], $0x80, $0x38;
	[tilespmem:$0x15980] =	vst v63  }
0xc6: {  	s21 =	simm.s32 @!p0 $0x0;
	s22 =	simm.s32 @!p0 $0xF580  }
0xc7: {  	[tilespmem:s22], [sflag:$0x2] =	stream.linear.gather @!p0 [hbm4b:s9+s21], $0x3200, $0x38;
	[tilespmem:$0x15980] =	vst v63  }
0xc8: {  	_ =	swait.ge [sflag:s16], $0x3200  }
0xc9: {  	[sflag:s16] =	ssyncset.done $0x0  }
0xca: {  	[sflag:s16] =	ssyncadd.s32 $0xFFFFCE00  }
0xcb: {  	_ =	swait.ge [sflag:s18], $0x1900  }
0xcc: {  	[sflag:s18] =	ssyncset.done $0x0  }
0xcd: {  	s31 =	simm.s32 $0xC400;
	[sflag:s18] =	ssyncadd.s32 $0xFFFFE700  }
0xce: {  	v0 =	vld [tilespmem:s31+$0xFFFFFFF0]  }
0xcf: {  	v1 =	vld [tilespmem:s31+$0x70]  }
0xd0: {  	v2 =	vld [tilespmem:s31+$0xFFFFFF90]  }
0xd1: {  	v3 =	vld [tilespmem:s31+$0xFFFFFFA0]  }
0xd2: {  	v4 =	vld [tilespmem:s31+$0xFFFFFFB0]  }
0xd3: {  	v5 =	vld [tilespmem:s31+$0xFFFFFFC0]  }
0xd4: {  	v6 =	vld [tilespmem:s31+$0xFFFFFFD0]  }
0xd5: {  	v7 =	vld [tilespmem:s31+$0xFFFFFFE0]  }
0xd6: {  	v9 =	vld [tilespmem:s31+$0x0]  }
0xd7: {  	v10 =	vld [tilespmem:s31+$0x10]  }
0xd8: {  	v11 =	vld [tilespmem:s31+$0x20]  }
0xd9: {  	v12 =	vld [tilespmem:s31+$0x30]  }
0xda: {  	v13 =	vld [tilespmem:s31+$0x40]  }
0xdb: {  	v14 =	vld [tilespmem:s31+$0x50]  }
0xdc: {  	v15 =	vld [tilespmem:s31+$0x60]  }
0xdd: {  	v0 =	vld.idx.msk [tilespmem:v0+s3+$0x0], $0xffff  }
0xde: {  	v8 =	vld.idx.msk [tilespmem:v1+s3+$0x0], $0xffff  }
0xdf: {  	v1 =	vld [tilespmem:s31+$0xFFFFFF80]  }
0xe0: {  	v2 =	vld.idx.msk [tilespmem:v2+s3+$0x0], $0xffff  }
0xe1: {  	v3 =	vld.idx.msk [tilespmem:v3+s3+$0x0], $0xffff  }
0xe2: {  	v4 =	vld.idx.msk [tilespmem:v4+s3+$0x0], $0xffff  }
0xe3: {  	v5 =	vld.idx.msk [tilespmem:v5+s3+$0x0], $0xffff  }
0xe4: {  	v17 =	vld.idx.msk [tilespmem:v6+s3+$0x0], $0xffff  }
0xe5: {  	v18 =	vld.idx.msk [tilespmem:v7+s3+$0x0], $0xffff  }
0xe6: {  	v19 =	vld.idx.msk [tilespmem:v9+s3+$0x0], $0xffff  }
0xe7: {  	v16 =	vld.idx.msk [tilespmem:v1+s3+$0x0], $0xffff  }
0xe8: {  	v6 =	vld.idx.msk [tilespmem:v10+s3+$0x0], $0xffff  }
0xe9: {  	v7 =	vshll.u32 v0, $0x1;
	v0 =	vld.idx.msk [tilespmem:v12+s3+$0x0], $0xffff  }
0xea: {  	v1 =	vld.idx.msk [tilespmem:v11+s3+$0x0], $0xffff  }
0xeb: {  	v7 =	vadd.s32 v7, v8;
	v8 =	vshll.u32 v4, $0x1;
	v4 =	vshll.u32 v5, $0x1;
	v5 =	vld.idx.msk [tilespmem:v14+s3+$0x0], $0xffff  }
0xec: {  	s21 =	simm.s32 $0x127C0;
	v9 =	vshll.u32 v3, $0x1;
	v11 =	vshll.u32 v2, $0x1;
	v2 =	vld.idx.msk [tilespmem:v13+s3+$0x0], $0xffff;
	v10 =	vshll.u32 v16, $0x1  }
0xed: {  	s23 =	simm.s32 $0xC500;
	s22 =	simm.s32 $0x0;
	v3 =	vshll.u32 v18, $0x1;
	[tilespmem:s21+$0x30] =	vst v7;
	v7 =	vshll.u32 v17, $0x1;
	v12 =	vadd.s32 v10, v19;
	v10 =	vld.idx.msk [tilespmem:v15+s3+$0x0], $0xffff  }
.LBB2_10:
0xee: {  	v13 =	vld [tilespmem:s23+$0xFFFFFFF0];
	s22 =	sadd.s32 $0x80, s22;
	[tilespmem:s21+$0xFFFFFFC0] =	vst v12;
	v6 =	vadd.s32 v11, v6  }
0xef: {  	v1 =	vadd.s32 v9, v1;
	v11 =	vld [tilespmem:s23+$0x70];
	p1 =	slt.u32 s22, $0x1880;
	[tilespmem:s21+$0xFFFFFFD0] =	vst v6  }
0xf0: {  	v0 =	vadd.s32 v8, v0;
	v6 =	vld [tilespmem:s23+$0xFFFFFF90];
	[tilespmem:s21+$0xFFFFFFE0] =	vst v1  }
0xf1: {  	v1 =	vld [tilespmem:s23+$0xFFFFFFA0];
	[tilespmem:s21+$0xFFFFFFF0] =	vst v0;
	v0 =	vadd.s32 v4, v2  }
0xf2: {  	v2 =	vld [tilespmem:s23+$0xFFFFFFB0];
	[tilespmem:s21+$0x0] =	vst v0;
	v0 =	vadd.s32 v7, v5  }
0xf3: {  	v4 =	vld [tilespmem:s23+$0xFFFFFFC0];
	[tilespmem:s21+$0x10] =	vst v0;
	v0 =	vadd.s32 v3, v10  }
0xf4: {  	v3 =	vld [tilespmem:s23+$0xFFFFFFD0];
	[tilespmem:s21+$0x20] =	vst v0  }
0xf5: {  	v0 =	vld [tilespmem:s23+$0xFFFFFFE0]  }
0xf6: {  	v5 =	vld.idx.msk [tilespmem:v13+s3+$0x0], $0xffff  }
0xf7: {  	v7 =	vld.idx.msk [tilespmem:v11+s3+$0x0], $0xffff  }
0xf8: {  	v8 =	vld [tilespmem:s23+$0xFFFFFF80]  }
0xf9: {  	v9 =	vld [tilespmem:s23+$0x0]  }
0xfa: {  	v10 =	vld [tilespmem:s23+$0x10]  }
0xfb: {  	v12 =	vld [tilespmem:s23+$0x20]  }
0xfc: {  	v5 =	vshll.u32 v5, $0x1;
	v13 =	vld [tilespmem:s23+$0x30]  }
0xfd: {  	s21 =	sadd.s32 $0x100, s21;
	v5 =	vadd.s32 v5, v7;
	v14 =	vld [tilespmem:s23+$0x40]  }
0xfe: {  	v15 =	vld [tilespmem:s23+$0x50];
	[tilespmem:s21+$0x30] =	vst v5  }
0xff: {  	v16 =	vld [tilespmem:s23+$0x60]  }
0x100: {  	v5 =	vld.idx.msk [tilespmem:v8+s3+$0x0], $0xffff  }
0x101: {  	v6 =	vld.idx.msk [tilespmem:v6+s3+$0x0], $0xffff  }
0x102: {  	v1 =	vld.idx.msk [tilespmem:v1+s3+$0x0], $0xffff  }
0x103: {  	v2 =	vld.idx.msk [tilespmem:v2+s3+$0x0], $0xffff  }
0x104: {  	v4 =	vld.idx.msk [tilespmem:v4+s3+$0x0], $0xffff  }
0x105: {  	v3 =	vld.idx.msk [tilespmem:v3+s3+$0x0], $0xffff  }
0x106: {  	v17 =	vshll.u32 v5, $0x1;
	v18 =	vld.idx.msk [tilespmem:v0+s3+$0x0], $0xffff  }
0x107: {  	v11 =	vshll.u32 v6, $0x1;
	v19 =	vld.idx.msk [tilespmem:v9+s3+$0x0], $0xffff  }
0x108: {  	v9 =	vshll.u32 v1, $0x1;
	v6 =	vld.idx.msk [tilespmem:v10+s3+$0x0], $0xffff  }
.Ltmp6:
0x109: {  	v8 =	vshll.u32 v2, $0x1;
	v1 =	vld.idx.msk [tilespmem:v12+s3+$0x0], $0xffff;
	(pc) =	sbr.rel @p1 .LBB2_10-.Ltmp6, $4  }
0x10a: {  	v4 =	vshll.u32 v4, $0x1;
	v0 =	vld.idx.msk [tilespmem:v13+s3+$0x0], $0xffff  }
0x10b: {  	v7 =	vshll.u32 v3, $0x1;
	v2 =	vld.idx.msk [tilespmem:v14+s3+$0x0], $0xffff  }
0x10c: {  	v3 =	vshll.u32 v18, $0x1;
	v5 =	vld.idx.msk [tilespmem:v15+s3+$0x0], $0xffff  }
0x10d: {  	s23 =	sadd.s32 $0x100, s23;
	v12 =	vadd.s32 v17, v19;
	v10 =	vld.idx.msk [tilespmem:v16+s3+$0x0], $0xffff  }
0x10e: {  	[tilespmem:s21+$0xFFFFFFC0] =	vst v12;
	v6 =	vadd.s32 v11, v6  }
0x10f: {  	v1 =	vadd.s32 v9, v1;
	[tilespmem:s21+$0xFFFFFFD0] =	vst v6  }
0x110: {  	[tilespmem:s21+$0xFFFFFFE0] =	vst v1;
	v0 =	vadd.s32 v8, v0  }
0x111: {  	[tilespmem:s21+$0xFFFFFFF0] =	vst v0;
	v61 =	vadd.s32 v4, v2  }
0x112: {  	[tilespmem:s21+$0x0] =	vst v61;
	v62 =	vadd.s32 v7, v5  }
0x113: {  	s22 =	simm.s32 $0x12780;
	[tilespmem:s21+$0x10] =	vst v62;
	v63 =	vadd.s32 v3, v10  }
0x114: {  	s24 =	sadd.s32 $0x0, s10;
	s23 =	simm.s32 $0x12880;
	[tilespmem:s21+$0x20] =	vst v63;
	s21 =	simm.s32 $0x10  }
.LBB2_12:
0x115: {  	[hbm4b:s24+s3] =	stream.linear.scatter [tilespmem:s22], [sflag:$0x3], $0x80, $0x38;
	[tilespmem:$0x15980] =	vst v63  }
0x116: {  	s24 =	smov.u32 s21;
	s22 =	smov.u32 s23;
	p1 =	sne.s32 s21, $0x310  }
.Ltmp7:
0x117: {  	s21 =	sadd.s32 $0x10, s21;
	(pc) =	sbr.rel @p1 .LBB2_12-.Ltmp7, $2  }
0x118: {  	_ =	sdelay $0x2  }
0x119: {  	s23 =	sadd.s32 $0x100, s23;
	s24 =	sadd.s32 s24, s10  }
.Ltmp8:
0x11a: {  	(pc) =	sbr.rel @p0 .LBB2_14-.Ltmp8, $2  }
0x11b: {  	_ =	sdelay $0x2  }
0x11c: {  	[hbm4b:s24+s3] =	stream.linear.scatter [tilespmem:s22], [sflag:$0x3], $0x80, $0x38;
	[tilespmem:$0x15980] =	vst v63  }
0x11d: {  	_ =	swait.ge [sflag:s17], $0x3200  }
0x11e: {  	[sflag:s17] =	ssyncset.done $0x0  }
0x11f: {  	[sflag:s17] =	ssyncadd.s32 $0xFFFFCE00  }
0x120: {  	_ =	swait.ge [sflag:s19], $0x1900  }
0x121: {  	[sflag:s19] =	ssyncset.done $0x0  }
0x122: {  	s21 =	simm.s32 $0xF670;
	[sflag:s19] =	ssyncadd.s32 $0xFFFFE700  }
0x123: {  	v0 =	vld [tilespmem:s21+$0xFFFFFF80]  }
0x124: {  	v1 =	vld [tilespmem:s21+$0x0]  }
0x125: {  	v2 =	vld [tilespmem:s21+$0xFFFFFF20]  }
0x126: {  	v3 =	vld [tilespmem:s21+$0xFFFFFF30]  }
0x127: {  	v4 =	vld [tilespmem:s21+$0xFFFFFF40]  }
0x128: {  	v5 =	vld [tilespmem:s21+$0xFFFFFF50]  }
0x129: {  	v6 =	vld [tilespmem:s21+$0xFFFFFF60]  }
0x12a: {  	v7 =	vld [tilespmem:s21+$0xFFFFFF70]  }
0x12b: {  	v9 =	vld [tilespmem:s21+$0xFFFFFF90]  }
0x12c: {  	v10 =	vld [tilespmem:s21+$0xFFFFFFA0]  }
0x12d: {  	v11 =	vld [tilespmem:s21+$0xFFFFFFB0]  }
0x12e: {  	v12 =	vld [tilespmem:s21+$0xFFFFFFC0]  }
0x12f: {  	v13 =	vld [tilespmem:s21+$0xFFFFFFD0]  }
0x130: {  	v14 =	vld [tilespmem:s21+$0xFFFFFFE0]  }
0x131: {  	v15 =	vld [tilespmem:s21+$0xFFFFFFF0]  }
0x132: {  	v0 =	vld.idx.msk [tilespmem:v0+s3+$0x0], $0xffff  }
0x133: {  	v8 =	vld.idx.msk [tilespmem:v1+s3+$0x0], $0xffff  }
0x134: {  	v1 =	vld [tilespmem:s21+$0xFFFFFF10]  }
0x135: {  	v2 =	vld.idx.msk [tilespmem:v2+s3+$0x0], $0xffff  }
0x136: {  	v3 =	vld.idx.msk [tilespmem:v3+s3+$0x0], $0xffff  }
0x137: {  	v4 =	vld.idx.msk [tilespmem:v4+s3+$0x0], $0xffff  }
0x138: {  	v5 =	vld.idx.msk [tilespmem:v5+s3+$0x0], $0xffff  }
0x139: {  	v17 =	vld.idx.msk [tilespmem:v6+s3+$0x0], $0xffff  }
0x13a: {  	v18 =	vld.idx.msk [tilespmem:v7+s3+$0x0], $0xffff  }
0x13b: {  	v19 =	vld.idx.msk [tilespmem:v9+s3+$0x0], $0xffff  }
0x13c: {  	v16 =	vld.idx.msk [tilespmem:v1+s3+$0x0], $0xffff  }
0x13d: {  	v6 =	vld.idx.msk [tilespmem:v10+s3+$0x0], $0xffff  }
0x13e: {  	v7 =	vshll.u32 v0, $0x1;
	v0 =	vld.idx.msk [tilespmem:v12+s3+$0x0], $0xffff  }
0x13f: {  	v1 =	vld.idx.msk [tilespmem:v11+s3+$0x0], $0xffff  }
0x140: {  	v7 =	vadd.s32 v7, v8;
	v8 =	vshll.u32 v4, $0x1;
	v4 =	vshll.u32 v5, $0x1;
	v5 =	vld.idx.msk [tilespmem:v14+s3+$0x0], $0xffff  }
0x141: {  	s21 =	simm.s32 $0x12870;
	v9 =	vshll.u32 v3, $0x1;
	v11 =	vshll.u32 v2, $0x1;
	v2 =	vld.idx.msk [tilespmem:v13+s3+$0x0], $0xffff;
	v10 =	vshll.u32 v16, $0x1  }
0x142: {  	s22 =	simm.s32 $0x0;
	s23 =	simm.s32 $0xF770;
	v3 =	vshll.u32 v18, $0x1;
	[tilespmem:s21+$0x0] =	vst v7;
	v7 =	vshll.u32 v17, $0x1;
	v12 =	vadd.s32 v10, v19;
	v10 =	vld.idx.msk [tilespmem:v15+s3+$0x0], $0xffff  }
.LBB2_16:
0x143: {  	v13 =	vld [tilespmem:s23+$0xFFFFFF80];
	s22 =	sadd.s32 $0x80, s22;
	[tilespmem:s21+$0xFFFFFF90] =	vst v12;
	v6 =	vadd.s32 v11, v6  }
0x144: {  	v1 =	vadd.s32 v9, v1;
	v11 =	vld [tilespmem:s23+$0x0];
	p1 =	slt.u32 s22, $0x1880;
	[tilespmem:s21+$0xFFFFFFA0] =	vst v6  }
0x145: {  	v0 =	vadd.s32 v8, v0;
	v6 =	vld [tilespmem:s23+$0xFFFFFF20];
	[tilespmem:s21+$0xFFFFFFB0] =	vst v1  }
0x146: {  	v1 =	vld [tilespmem:s23+$0xFFFFFF30];
	[tilespmem:s21+$0xFFFFFFC0] =	vst v0;
	v0 =	vadd.s32 v4, v2  }
0x147: {  	v2 =	vld [tilespmem:s23+$0xFFFFFF40];
	[tilespmem:s21+$0xFFFFFFD0] =	vst v0;
	v0 =	vadd.s32 v7, v5  }
0x148: {  	v4 =	vld [tilespmem:s23+$0xFFFFFF50];
	[tilespmem:s21+$0xFFFFFFE0] =	vst v0;
	v0 =	vadd.s32 v3, v10  }
0x149: {  	v3 =	vld [tilespmem:s23+$0xFFFFFF60];
	[tilespmem:s21+$0xFFFFFFF0] =	vst v0  }
0x14a: {  	v0 =	vld [tilespmem:s23+$0xFFFFFF70]  }
0x14b: {  	v5 =	vld.idx.msk [tilespmem:v13+s3+$0x0], $0xffff  }
0x14c: {  	v7 =	vld.idx.msk [tilespmem:v11+s3+$0x0], $0xffff  }
0x14d: {  	v8 =	vld [tilespmem:s23+$0xFFFFFF10]  }
0x14e: {  	v9 =	vld [tilespmem:s23+$0xFFFFFF90]  }
0x14f: {  	v10 =	vld [tilespmem:s23+$0xFFFFFFA0]  }
0x150: {  	v12 =	vld [tilespmem:s23+$0xFFFFFFB0]  }
0x151: {  	v5 =	vshll.u32 v5, $0x1;
	v13 =	vld [tilespmem:s23+$0xFFFFFFC0]  }
0x152: {  	s21 =	sadd.s32 $0x100, s21;
	v5 =	vadd.s32 v5, v7;
	v14 =	vld [tilespmem:s23+$0xFFFFFFD0]  }
0x153: {  	v15 =	vld [tilespmem:s23+$0xFFFFFFE0];
	[tilespmem:s21+$0x0] =	vst v5  }
0x154: {  	v16 =	vld [tilespmem:s23+$0xFFFFFFF0]  }
0x155: {  	v5 =	vld.idx.msk [tilespmem:v8+s3+$0x0], $0xffff  }
0x156: {  	v6 =	vld.idx.msk [tilespmem:v6+s3+$0x0], $0xffff  }
0x157: {  	v1 =	vld.idx.msk [tilespmem:v1+s3+$0x0], $0xffff  }
0x158: {  	v2 =	vld.idx.msk [tilespmem:v2+s3+$0x0], $0xffff  }
0x159: {  	v4 =	vld.idx.msk [tilespmem:v4+s3+$0x0], $0xffff  }
0x15a: {  	v3 =	vld.idx.msk [tilespmem:v3+s3+$0x0], $0xffff  }
0x15b: {  	v17 =	vshll.u32 v5, $0x1;
	v18 =	vld.idx.msk [tilespmem:v0+s3+$0x0], $0xffff  }
0x15c: {  	v11 =	vshll.u32 v6, $0x1;
	v19 =	vld.idx.msk [tilespmem:v9+s3+$0x0], $0xffff  }
0x15d: {  	v9 =	vshll.u32 v1, $0x1;
	v6 =	vld.idx.msk [tilespmem:v10+s3+$0x0], $0xffff  }
.Ltmp9:
0x15e: {  	v8 =	vshll.u32 v2, $0x1;
	v1 =	vld.idx.msk [tilespmem:v12+s3+$0x0], $0xffff;
	(pc) =	sbr.rel @p1 .LBB2_16-.Ltmp9, $4  }
0x15f: {  	v4 =	vshll.u32 v4, $0x1;
	v0 =	vld.idx.msk [tilespmem:v13+s3+$0x0], $0xffff  }
0x160: {  	v7 =	vshll.u32 v3, $0x1;
	v2 =	vld.idx.msk [tilespmem:v14+s3+$0x0], $0xffff  }
0x161: {  	v3 =	vshll.u32 v18, $0x1;
	v5 =	vld.idx.msk [tilespmem:v15+s3+$0x0], $0xffff  }
0x162: {  	s23 =	sadd.s32 $0x100, s23;
	v12 =	vadd.s32 v17, v19;
	v10 =	vld.idx.msk [tilespmem:v16+s3+$0x0], $0xffff  }
0x163: {  	[tilespmem:s21+$0xFFFFFF90] =	vst v12;
	v6 =	vadd.s32 v11, v6  }
0x164: {  	v1 =	vadd.s32 v9, v1;
	[tilespmem:s21+$0xFFFFFFA0] =	vst v6  }
0x165: {  	[tilespmem:s21+$0xFFFFFFB0] =	vst v1;
	v0 =	vadd.s32 v8, v0  }
0x166: {  	[tilespmem:s21+$0xFFFFFFC0] =	vst v0;
	v61 =	vadd.s32 v4, v2  }
0x167: {  	[tilespmem:s21+$0xFFFFFFD0] =	vst v61;
	v62 =	vadd.s32 v7, v5  }
0x168: {  	[tilespmem:s21+$0xFFFFFFE0] =	vst v62;
	v63 =	vadd.s32 v3, v10  }
0x169: {  	s22 =	simm.s32 $0x12800;
	[tilespmem:s21+$0xFFFFFFF0] =	vst v63;
	s21 =	simm.s32 $0x0  }
.LBB2_18:
0x16a: {  	p1 =	sne.s32 s21, $0x310  }
.Ltmp10:
0x16b: {  	_ = 	snop;
	(pc) =	sbr.rel @p1 .LBB2_18-.Ltmp10, $4  }
0x16c: {  	_ = 	snop  }
0x16d: {  	s23 =	sadd.s32 s21, s11  }
0x16e: {  	[hbm4b:s23+s3] =	stream.linear.scatter [tilespmem:s22], [sflag:$0x4], $0x80, $0x38;
	[tilespmem:$0x15980] =	vst v63  }
0x16f: {  	s21 =	sadd.s32 $0x10, s21;
	s22 =	sadd.s32 $0x100, s22  }
.Ltmp11:
0x170: {  	(pc) =	sbr.rel .LBB2_20-.Ltmp11, $2  }
0x171: {  	_ =	sdelay $0x2  }
0x172: {  	s21 =	simm.s32 $0x4;
	s22 =	simm.s32 $0x3  }
.LBB2_21:
0x173: {  	_ =	sfence.sel $0x180000  }
0x174: {  	[bflag:$0x0] =	sbarrier.arrive $0xFFFF  }
0x175: {  	p0 =	sne.s32 s2, $0x0;
	_ =	strace $0x9000004A  }
0x176: {  	s0 =	sadd.s32 @!p0 $0x100000, s0;
	[bflag:$0x2] =	sbarrier.arrive $0xFFFF  }
0x177: {  	[sflag:s0] =	ssyncadd.tile.s32 @!p0 $0x1;
	_ =	shalt  }
.Lfunc_end2:
_tile_overlayer_lowered:
.L_overlay_start_2:
0x178: {  	(tag) =	ssettag $0x2  }
0x179: {  	s0 =	rddreg [dreg:$0x0];
	s2 =	stileid.u32  }
0x17a: {  	s1 =	rddreg [dreg:$0x1];
	p0 =	sne.s32 s2, $0x0  }
0x17b: {  	s3 =	rddreg [dreg:$0x2];
	[bflag:$0x3] =	sbarrier.arrive $0xFFFF;
	s2 =	simm.s32 @!p0 $0x1C05  }
0x17c: {  	[timem:s3], [sflag:s2] =	dma.local @!p0 [hbm:s0], s1  }
0x17d: {  	s0 =	simm.s32 @!p0 $0x5  }
0x17e: {  	_ =	swait.ge @!p0 [sflag:s0], s1  }
0x17f: {  	s1 =	ssub.s32 @!p0 $0x0, s1;
	[sflag:s0] =	ssyncset.done @!p0 $0x0  }
0x180: {  	[sflag:s0] =	ssyncadd.s32 @!p0 s1  }
0x181: {  	[bflag:$0x3] =	sbarrier.arrive $0xFFFF  }
0x182: {  	_ =	shalt  }

// kernel: kernel.7.cloned.1.call-start
scs
__scs_entry_jumppad:
0x0: {  	(pc) =	sbr.rel $0x88, $3  }
0x1: {  	(tag) =	ssettag $0x0;
	lr =	simm.s32 $0x1  }
0x2: {  	[smem:$0x3F9B] =	sst lr;
	_ =	strace $0xD0000000  }
0x3: {  	_ = 	snop  }
0x4: {  	_ = 	snop  }
0x5: {  	_ = 	snop  }
0x6: {  	_ = 	snop  }
0x7: {  	_ = 	snop  }
__scs_overlays_trampoline_lowered:
0x8: {  	[smem:$0x3FAA] =	sst s0  }
0x9: {  	[smem:$0x3FAB] =	sst s1  }
0xa: {  	[smem:$0x3FAC] =	sst s2  }
0xb: {  	[smem:$0x3FAD] =	sst s3  }
0xc: {  	[smem:$0x3FAE] =	sst s4  }
0xd: {  	[smem:$0x3FAF] =	sst s5  }
0xe: {  	[smem:$0x3FB0] =	sst s6  }
0xf: {  	[smem:$0x3FB1] =	sst s7  }
0x10: {  	[smem:$0x3FB2] =	sst s8  }
0x11: {  	[smem:$0x3FB3] =	sst s9;
	s0 =	simm.s32 @!p0 $0x0  }
0x12: {  	s1 =	sld [smem:$0x3F99];
	s0 =	simm.s32 @p0 $0x1  }
0x13: {  	[smem:$0x3FB4] =	sst s0;
	s0 =	simm.s32 @!p1 $0x0  }
0x14: {  	s2 =	sld [smem:$0x3F98];
	s0 =	simm.s32 @p1 $0x1  }
0x15: {  	[smem:$0x3FB5] =	sst s0;
	s0 =	simm.s32 @!p2 $0x0  }
0x16: {  	s3 =	sld [smem:$0x3FDB];
	s0 =	simm.s32 @p2 $0x1  }
0x17: {  	s4 =	simm.s32 $0x1BF5;
	[smem:$0x3FB7] =	sst s0  }
0x18: {  	s0 =	sld [smem:$0x3F9A];
	_ =	swait.ge [sflag:s4], $0x0  }
0x19: {  	s7 =	sld [smem:$0x3F9B]  }
0x1a: {  	s8 =	sadd.s32 $0xFFFFE003, lr  }
0x1b: {  	s9 =	sadd.s32 $0xFFFFFEF7, lr;
	s5 =	simm.s32 $0xFFFFFFFF;
	p2 =	slt.u32 s8, $0xFFFFF086  }
0x1c: {  	p1 =	slt.u32 s9, $0xF7A;
	s5 =	simm.s32 @!p2 $0x0  }
0x1d: {  	s5 =	simm.s32 @p1 $0x1;
	p0 =	seq.s32 s7, s2  }
0x1e: {  	s7 =	smul.u32 @!p0 $0xF7A, s2;
	p2 =	seq.s32 @!p0 s5, $0x0  }
0x1f: {  	s9 =	smul.u32 $0xF7A, s1;
	s8 =	simm.s32 @!p0 $0x1BF5;
	p2 =	por !p2, p0  }
0x20: {  	[sflag:s8] =	ssyncset.s32 @!p0 $0xFFFFF086;
	s6 =	sadd.s32 @!p0 s3, s7;
	s7 =	simm.s32 @!p0 $0x108  }
0x21: {  	s3 =	sadd.s32 s3, s9;
	s6 =	sadd.s32 @!p0 $0x88, s6;
	s7 =	simm.s32 @p2 $0x1082  }
0x22: {  	[simem:s7], [sflag:s8] =	dma.local @!p0 [hbm:s6], $0xF7A  }
0x23: {  	s9 =	sor.u32 $0xD0000000, s2;
	s6 =	simm.s32 $0x108;
	_ =	swait.ge @!p0 [sflag:s8], $0x0  }
0x24: {  	s3 =	sadd.s32 $0x88, s3;
	s6 =	simm.s32 @!p1 $0x1082;
	[sflag:s4] =	ssyncset.s32 $0xFFFFF086  }
0x25: {  	[simem:s6], [sflag:s4] =	dma.local [hbm:s3], $0xF7A  }
0x26: {  	[smem:$0x3F9B] =	sst s1;
	(tag) =	ssettag s2;
	_ =	strace s9  }
0x27: {  	s1 =	sld [smem:$0x3FAB]  }
0x28: {  	s2 =	sld [smem:$0x3FAC]  }
0x29: {  	s4 =	sld [smem:$0x3FAE]  }
0x2a: {  	p0 =	seq.s32 s5, $0x0;
	s5 =	sld [smem:$0x3FAF]  }
0x2b: {  	s6 =	sld [smem:$0x3FB0]  }
0x2c: {  	s7 =	sld [smem:$0x3FB1]  }
0x2d: {  	s3 =	simm.s32 $0x108;
	s8 =	sld [smem:$0x3FB2]  }
0x2e: {  	s3 =	simm.s32 @!p0 $0x1082;
	s9 =	sld [smem:$0x3FB3]  }
0x2f: {  	lr =	sadd.s32 s0, s3;
	s0 =	sld [smem:$0x3FAA]  }
0x30: {  	s3 =	sld [smem:$0x3FAD]  }
0x31: {  	[smem:$0x3FB6] =	sst s10  }
0x32: {  	s10 =	sld [smem:$0x3FB4];
	_ =	sdelay $0x3  }
0x33: {  	p0 =	seq.s32 s10, $0x1;
	s10 =	sld [smem:$0x3FB6];
	_ =	sdelay $0x3  }
0x34: {  	[smem:$0x3FB6] =	sst s10  }
0x35: {  	s10 =	sld [smem:$0x3FB5];
	_ =	sdelay $0x3  }
0x36: {  	p1 =	seq.s32 s10, $0x1;
	s10 =	sld [smem:$0x3FB6];
	_ =	sdelay $0x3  }
0x37: {  	[smem:$0x3FB6] =	sst s10  }
0x38: {  	s10 =	sld [smem:$0x3FB7]  }
0x39: {  	_ = 	snop;
	(pc) =	sbr.ind lr, $3  }
0x3a: {  	_ = 	snop  }
0x3b: {  	_ = 	snop  }
0x3c: {  	p2 =	seq.s32 s10, $0x1;
	s10 =	sld [smem:$0x3FB6]  }
0x3d: {  	_ =	shalt  }
0x3e: {  	_ =	shalt  }
0x3f: {  	_ =	shalt  }
0x40: {  	_ =	shalt  }
0x41: {  	_ =	shalt  }
0x42: {  	_ =	shalt  }
0x43: {  	_ =	shalt  }
0x44: {  	_ =	shalt  }
0x45: {  	_ =	shalt  }
0x46: {  	_ =	shalt  }
0x47: {  	_ =	shalt  }
0x48: {  	_ =	shalt  }
0x49: {  	_ =	shalt  }
0x4a: {  	_ =	shalt  }
0x4b: {  	_ =	shalt  }
0x4c: {  	_ =	shalt  }
0x4d: {  	_ =	shalt  }
0x4e: {  	_ =	shalt  }
0x4f: {  	_ =	shalt  }
0x50: {  	_ =	shalt  }
0x51: {  	_ =	shalt  }
0x52: {  	_ =	shalt  }
0x53: {  	_ =	shalt  }
0x54: {  	_ =	shalt  }
0x55: {  	_ =	shalt  }
0x56: {  	_ =	shalt  }
0x57: {  	_ =	shalt  }
0x58: {  	_ =	shalt  }
0x59: {  	_ =	shalt  }
0x5a: {  	_ =	shalt  }
0x5b: {  	_ =	shalt  }
0x5c: {  	_ =	shalt  }
0x5d: {  	_ =	shalt  }
0x5e: {  	_ =	shalt  }
0x5f: {  	_ =	shalt  }
0x60: {  	_ =	shalt  }
0x61: {  	_ =	shalt  }
0x62: {  	_ =	shalt  }
0x63: {  	_ =	shalt  }
0x64: {  	_ =	shalt  }
0x65: {  	_ =	shalt  }
0x66: {  	_ =	shalt  }
0x67: {  	_ =	shalt  }
0x68: {  	_ =	shalt  }
0x69: {  	_ =	shalt  }
0x6a: {  	_ =	shalt  }
0x6b: {  	_ =	shalt  }
0x6c: {  	_ =	shalt  }
0x6d: {  	_ =	shalt  }
0x6e: {  	_ =	shalt  }
0x6f: {  	_ =	shalt  }
0x70: {  	_ =	shalt  }
0x71: {  	_ =	shalt  }
0x72: {  	_ =	shalt  }
0x73: {  	_ =	shalt  }
0x74: {  	_ =	shalt  }
0x75: {  	_ =	shalt  }
0x76: {  	_ =	shalt  }
0x77: {  	_ =	shalt  }
0x78: {  	_ =	shalt  }
0x79: {  	_ =	shalt  }
0x7a: {  	_ =	shalt  }
0x7b: {  	_ =	shalt  }
0x7c: {  	_ =	shalt  }
0x7d: {  	_ =	shalt  }
0x7e: {  	_ =	shalt  }
0x7f: {  	_ =	shalt  }
0x80: {  	_ =	shalt  }
0x81: {  	_ =	shalt  }
0x82: {  	_ =	shalt  }
0x83: {  	_ =	shalt  }
0x84: {  	_ =	shalt  }
0x85: {  	_ =	shalt  }
0x86: {  	_ =	shalt  }
0x87: {  	_ =	shalt  }
.Lfunc_end0:
.L_simem_size_0:
called_computation_lowered:
.L_overlay_start_0:
0x88: {  	s2 =	sld [smem:$0x3FD9]  }
0x89: {  	s3 =	sld [smem:$0x3FFE];
	_ =	sdelay $0x1  }
0x8a: {  	s1 =	srdreg.scid  }
0x8b: {  	s0 =	sand.u32 $0x1, s1  }
0x8c: {  	s15 =	sshll.u32 s0, $0xA;
	s2 =	sadd.s32 s3, s2  }
0x8d: {  	s2 =	sadd.s32 s2, s15  }
0x8e: {  	[smem:$0x3FC2] =	sst s2  }
0x8f: {  	_ = 	snop  }
0x90: {  	s2 =	sld [smem:$0x3FD0];
	_ =	sdelay $0x1  }
0x91: {  	s16 =	sld [smem:$0x3FC9]  }
0x92: {  	s5 =	simm.s32 $0xB;
	s6 =	simm.s32 $0x10;
	s4 =	sld [smem:$0x3FC8]  }
0x93: {  	[smem:s6], [sflag:s5] =	dma.local [hbm:s2], $0x1  }
0x94: {  	_ =	swait.eq [sflag:s5], $0x1  }
0x95: {  	[sflag:s5] =	ssyncset.done $0x0  }
0x96: {  	[sflag:s5] =	ssyncadd.s32 $0xFFFFFFFF  }
0x97: {  	s17 =	sld [smem:$0x10];
	(tm) =	ssettm $0x1  }
0x98: {  	s18 =	sld [smem:$0x3FFB];
	_ =	sdelay $0x3  }
0x99: {  	_ =	strace s18  }
0x9a: {  	s5 =	sld [smem:$0x3FFC];
	_ =	sdelay $0x3  }
0x9b: {  	_ =	strace s5  }
0x9c: {  	s5 =	sld [smem:$0x3FFD];
	_ =	sdelay $0x3  }
0x9d: {  	_ =	strace s5  }
0x9e: {  	_ =	strace $0x8FFFFFFF  }
0x9f: {  	s19 =	sld [smem:$0x3FDB];
	_ =	sdelay $0x1  }
0xa0: {  	s20 =	simm.s32 $_scs_section_size  }
0xa1: {  	s7 =	simm.s32 $_size__tile_overlayer_lowered;
	s8 =	simm.s32 $_tile_overlayer_lowered  }
0xa2: {  	s23 =	simm.s32 $0x1BFF;
	s22 =	sshll.u32 s8, $0x1;
	s5 =	sadd.s32 s20, s19  }
0xa3: {  	s9 =	simm.s32 $0x0;
	s21 =	sshll.u32 s7, $0x1;
	s7 =	sadd.s32 s22, s5  }
0xa4: {  	[timem:s9], [sflag:s23] =	dma.local [hbm:s7], s21  }
0xa5: {  	_ =	swait.ge [sflag:s23], s21  }
0xa6: {  	s6 =	ssub.s32 $0x0, s21;
	[sflag:s23] =	ssyncset.done $0x0  }
0xa7: {  	[sflag:s23] =	ssyncadd.s32 s6;
	_ =	sdelay $0x1  }
0xa8: {  	s24 =	simm.s32 $0x1B8B  }
0xa9: {  	_ =	swait.ge [sflag:s24], $0x1  }
0xaa: {  	[sflag:s24] =	ssyncset.done $0x0  }
0xab: {  	s25 =	simm.s32 $0x1B8E;
	[sflag:s24] =	ssyncadd.s32 $0xFFFFFFFF  }
0xac: {  	s26 =	simm.s32 $execute0_lowered;
	[smem:$0x3FD2] =	sst s25  }
0xad: {  	s6 =	sshll.u32 s26, $0x1;
	_ =	strace $0x80000046;
	[dreg:$0x1] =	wrdreg $0xFFFFFFFF  }
0xae: {  	s28 =	simm.s32 $_size_execute0_lowered;
	s5 =	sadd.s32 s5, s6;
	[dreg:$0x0] =	wrdreg $0x0  }
0xaf: {  	s6 =	sshll.u32 s28, $0x1;
	[dreg:$0x2] =	wrdreg s5  }
0xb0: {  	[dreg:$0x3] =	wrdreg s6  }
0xb1: {  	[dreg:$0x4] =	wrdreg $0xC0  }
0xb2: {  	_ =	task [dreg:s9], $0x5FFFF  }
0xb3: {  	[dreg:$0x1] =	wrdreg $0xFFFFFFFF  }
0xb4: {  	[dreg:$0x0] =	wrdreg $0x60  }
0xb5: {  	[dreg:$0x2] =	wrdreg s16  }
0xb6: {  	[dreg:$0x3] =	wrdreg s4  }
0xb7: {  	[dreg:$0x4] =	wrdreg s17  }
0xb8: {  	[dreg:$0x5] =	wrdreg $0x9  }
0xb9: {  	_ =	task.clear_ibuf [dreg:s9], $0x6FFFF;
	_ =	strace $0x90000046  }
0xba: {  	s29 =	simm.s32 $0x9;
	_ =	strace $0x80000048  }
0xbb: {  	_ =	swait.ge [sflag:s29], $0x1  }
0xbc: {  	[sflag:s29] =	ssyncadd.s32 $0xFFFFFFFF  }
0xbd: {  	_ =	strace $0x90000048  }
0xbe: {  	_ =	sfence  }
0xbf: {  	s30 =	sld [smem:$0x0];
	_ =	sdelay $0x2  }
0xc0: {  	s31 =	sshll.u32 s1, $0xD;
	s1 =	sshrl.u32 s1, $0x2  }
0xc1: {  	s3 =	sand.u32 $0x4000, s31;
	s1 =	sadd.s32 s1, s30  }
0xc2: {  	s0 =	sor.u32 s3, s0;
	s1 =	sshll.u32 s1, $0x11  }
0xc3: {  	s0 =	sor.u32 s1, s0  }
0xc4: {  	s0 =	sadd.s32 $0x8F2B, s0  }
0xc5: {  	[sflag:s0] =	ssyncadd.remote.s32 $0x1  }
0xc6: {  	_ =	sfence.sel $0xFFFF  }
0xc7: {  	[dreg:$0x0] =	wrdreg $0xFFFFFFFF;
	(pc) =	sbr.abs _section_cstart, $3  }
0xc8: {  	[dreg:$0x1] =	wrdreg $0xFFFFFFFF  }
0xc9: {  	_ =	task.clear_ibuf [dreg:s9], $0x2FFFF;
	_ =	strace $0x9FFFFFFF  }
0xca: {  	(tm) =	ssettm $0x7FFFFFFF  }
0xcb: {  	_ =	shalt  }
tec
execute0_lowered:
.L_overlay_start_1:
0x0: {  	(tag) =	ssettag $0x1  }
0x1: {  	s1 =	srdreg.scid;
	s0 =	stileid.u32  }
0x2: {  	s9 =	rddreg [dreg:$0x1];
	s4 =	sand.u32 $0x1, s1;
	s29 =	sshll.u32 s0, $0x1  }
0x3: {  	s11 =	rddreg [dreg:$0x2];
	s5 =	sor.u32 s4, s29  }
0x4: {  	s2 =	rddreg [dreg:$0x3];
	s3 =	simm.s32 $0x0;
	s6 =	smul.u32 $0x640, s5  }
0x5: {  	s18 =	simm.s32 $0x3;
	s7 =	sor.u32 $0x20, s5;
	s10 =	smul.u32 $0x320, s5  }
0x6: {  	s19 =	simm.s32 $0x4;
	s12 =	sor.u32 $0x40, s5;
	s8 =	smul.u32 $0x640, s7  }
0x7: {  	s20 =	simm.s32 $0x0;
	s1 =	rddreg [dreg:$0x0];
	s13 =	smul.u32 $0x640, s12  }
0x8: {  	s4 =	ssub.s32 $0x2, s4;
	s30 =	sor.u32 $0x60, s5;
	s14 =	smul.u32 $0x320, s7  }
0x9: {  	[smem:$0x7FF] =	sst s3;
	s31 =	sshrl.u32 s4, $0x1;
	s15 =	smul.u32 $0x640, s30  }
0xa: {  	_ =	strace $0x80000047;
	s16 =	ssub.s32 s4, s31;
	s12 =	smul.u32 $0x320, s12  }
0xb: {  	s17 =	smul.u32 $0x320, s30;
	s4 =	sadd.s32 s9, s6;
	s6 =	sadd.s32 s11, s10  }
0xc: {  	s5 =	sadd.s32 s9, s8;
	s7 =	sadd.s32 s9, s13;
	s8 =	sadd.s32 s11, s14  }
0xd: {  	s9 =	sadd.s32 s9, s15;
	s10 =	sadd.s32 s11, s12;
	s11 =	sadd.s32 s11, s17  }
0xe: {  	s12 =	smax.u32 s16, $0x1;
	s13 =	simm.s32 $0x5;
	s14 =	simm.s32 $0xC380  }
0xf: {  	s15 =	simm.s32 $0xF580;
	s16 =	simm.s32 $0x1;
	s17 =	simm.s32 $0x2  }
.LBB2_1:
0x10: {  	[tilespmem:s3], [sflag:$0x5] =	stream.linear.gather [hbm4b:s1+s3], $0xC350, $0x38;
	[tilespmem:$0x15980] =	vst v63  }
0x11: {  	_ =	swait.ge [sflag:s13], $0xC350  }
0x12: {  	[sflag:s13] =	ssyncset.done $0x0  }
0x13: {  	[sflag:s13] =	ssyncadd.s32 $0xFFFF3CB0  }
0x14: {  	[tilespmem:s14], [sflag:$0x1] =	stream.linear.gather [hbm4b:s4+s3], $0x3200, $0x38;
	[tilespmem:$0x15980] =	vst v63  }
0x15: {  	_ = 	snop  }
0x16: {  	[tilespmem:s15], [sflag:$0x2] =	stream.linear.gather [hbm4b:s5+s3], $0x3200, $0x38;
	[tilespmem:$0x15980] =	vst v63  }
0x17: {  	_ =	swait.ge [sflag:s16], $0x3200  }
0x18: {  	[sflag:s16] =	ssyncset.done $0x0  }
0x19: {  	s21 =	simm.s32 $0xC400;
	[sflag:s16] =	ssyncadd.s32 $0xFFFFCE00  }
0x1a: {  	v0 =	vld [tilespmem:s21+$0xFFFFFFF0]  }
0x1b: {  	v1 =	vld [tilespmem:s21+$0x70]  }
0x1c: {  	v2 =	vld [tilespmem:s21+$0xFFFFFF90]  }
0x1d: {  	v3 =	vld [tilespmem:s21+$0xFFFFFFA0]  }
0x1e: {  	v4 =	vld [tilespmem:s21+$0xFFFFFFB0]  }
0x1f: {  	v5 =	vld [tilespmem:s21+$0xFFFFFFC0]  }
0x20: {  	v6 =	vld [tilespmem:s21+$0xFFFFFFD0]  }
0x21: {  	v7 =	vld [tilespmem:s21+$0xFFFFFFE0]  }
0x22: {  	v9 =	vld [tilespmem:s21+$0x0]  }
0x23: {  	v10 =	vld [tilespmem:s21+$0x10]  }
0x24: {  	v11 =	vld [tilespmem:s21+$0x20]  }
0x25: {  	v12 =	vld [tilespmem:s21+$0x30]  }
0x26: {  	v13 =	vld [tilespmem:s21+$0x40]  }
0x27: {  	v14 =	vld [tilespmem:s21+$0x50]  }
0x28: {  	v15 =	vld [tilespmem:s21+$0x60]  }
0x29: {  	v0 =	vld.idx.msk [tilespmem:v0+s3+$0x0], $0xffff  }
0x2a: {  	v8 =	vld.idx.msk [tilespmem:v1+s3+$0x0], $0xffff  }
0x2b: {  	v1 =	vld [tilespmem:s21+$0xFFFFFF80]  }
0x2c: {  	v2 =	vld.idx.msk [tilespmem:v2+s3+$0x0], $0xffff  }
0x2d: {  	v3 =	vld.idx.msk [tilespmem:v3+s3+$0x0], $0xffff  }
0x2e: {  	v4 =	vld.idx.msk [tilespmem:v4+s3+$0x0], $0xffff  }
0x2f: {  	v5 =	vld.idx.msk [tilespmem:v5+s3+$0x0], $0xffff  }
0x30: {  	v17 =	vld.idx.msk [tilespmem:v6+s3+$0x0], $0xffff  }
0x31: {  	v18 =	vld.idx.msk [tilespmem:v7+s3+$0x0], $0xffff  }
0x32: {  	v19 =	vld.idx.msk [tilespmem:v9+s3+$0x0], $0xffff  }
0x33: {  	v16 =	vld.idx.msk [tilespmem:v1+s3+$0x0], $0xffff  }
0x34: {  	v6 =	vld.idx.msk [tilespmem:v10+s3+$0x0], $0xffff  }
0x35: {  	v7 =	vshll.u32 v0, $0x1;
	v0 =	vld.idx.msk [tilespmem:v12+s3+$0x0], $0xffff  }
0x36: {  	v1 =	vld.idx.msk [tilespmem:v11+s3+$0x0], $0xffff  }
0x37: {  	v7 =	vadd.s32 v7, v8;
	v8 =	vshll.u32 v4, $0x1;
	v4 =	vshll.u32 v5, $0x1;
	v5 =	vld.idx.msk [tilespmem:v14+s3+$0x0], $0xffff  }
0x38: {  	s21 =	simm.s32 $0x127C0;
	v9 =	vshll.u32 v3, $0x1;
	v11 =	vshll.u32 v2, $0x1;
	v2 =	vld.idx.msk [tilespmem:v13+s3+$0x0], $0xffff;
	v10 =	vshll.u32 v16, $0x1  }
0x39: {  	s22 =	simm.s32 $0x0;
	s23 =	simm.s32 $0xC500;
	v3 =	vshll.u32 v18, $0x1;
	[tilespmem:s21+$0x30] =	vst v7;
	v7 =	vshll.u32 v17, $0x1;
	v12 =	vadd.s32 v10, v19;
	v10 =	vld.idx.msk [tilespmem:v15+s3+$0x0], $0xffff  }
.LBB2_2:
0x3a: {  	v13 =	vld [tilespmem:s23+$0xFFFFFFF0];
	s22 =	sadd.s32 $0x80, s22;
	[tilespmem:s21+$0xFFFFFFC0] =	vst v12;
	v6 =	vadd.s32 v11, v6  }
0x3b: {  	v1 =	vadd.s32 v9, v1;
	v11 =	vld [tilespmem:s23+$0x70];
	p0 =	slt.u32 s22, $0x1880;
	[tilespmem:s21+$0xFFFFFFD0] =	vst v6  }
0x3c: {  	v0 =	vadd.s32 v8, v0;
	v6 =	vld [tilespmem:s23+$0xFFFFFF90];
	[tilespmem:s21+$0xFFFFFFE0] =	vst v1  }
0x3d: {  	v1 =	vld [tilespmem:s23+$0xFFFFFFA0];
	[tilespmem:s21+$0xFFFFFFF0] =	vst v0;
	v0 =	vadd.s32 v4, v2  }
0x3e: {  	v2 =	vld [tilespmem:s23+$0xFFFFFFB0];
	[tilespmem:s21+$0x0] =	vst v0;
	v0 =	vadd.s32 v7, v5  }
0x3f: {  	v4 =	vld [tilespmem:s23+$0xFFFFFFC0];
	[tilespmem:s21+$0x10] =	vst v0;
	v0 =	vadd.s32 v3, v10  }
0x40: {  	v3 =	vld [tilespmem:s23+$0xFFFFFFD0];
	[tilespmem:s21+$0x20] =	vst v0  }
0x41: {  	v0 =	vld [tilespmem:s23+$0xFFFFFFE0]  }
0x42: {  	v5 =	vld.idx.msk [tilespmem:v13+s3+$0x0], $0xffff  }
0x43: {  	v7 =	vld.idx.msk [tilespmem:v11+s3+$0x0], $0xffff  }
0x44: {  	v8 =	vld [tilespmem:s23+$0xFFFFFF80]  }
0x45: {  	v9 =	vld [tilespmem:s23+$0x0]  }
0x46: {  	v10 =	vld [tilespmem:s23+$0x10]  }
0x47: {  	v12 =	vld [tilespmem:s23+$0x20]  }
0x48: {  	v5 =	vshll.u32 v5, $0x1;
	v13 =	vld [tilespmem:s23+$0x30]  }
0x49: {  	s21 =	sadd.s32 $0x100, s21;
	v5 =	vadd.s32 v5, v7;
	v14 =	vld [tilespmem:s23+$0x40]  }
0x4a: {  	v15 =	vld [tilespmem:s23+$0x50];
	[tilespmem:s21+$0x30] =	vst v5  }
0x4b: {  	v16 =	vld [tilespmem:s23+$0x60]  }
0x4c: {  	v5 =	vld.idx.msk [tilespmem:v8+s3+$0x0], $0xffff  }
0x4d: {  	v6 =	vld.idx.msk [tilespmem:v6+s3+$0x0], $0xffff  }
0x4e: {  	v1 =	vld.idx.msk [tilespmem:v1+s3+$0x0], $0xffff  }
0x4f: {  	v2 =	vld.idx.msk [tilespmem:v2+s3+$0x0], $0xffff  }
0x50: {  	v4 =	vld.idx.msk [tilespmem:v4+s3+$0x0], $0xffff  }
0x51: {  	v3 =	vld.idx.msk [tilespmem:v3+s3+$0x0], $0xffff  }
0x52: {  	v17 =	vshll.u32 v5, $0x1;
	v18 =	vld.idx.msk [tilespmem:v0+s3+$0x0], $0xffff  }
0x53: {  	v11 =	vshll.u32 v6, $0x1;
	v19 =	vld.idx.msk [tilespmem:v9+s3+$0x0], $0xffff  }
0x54: {  	v9 =	vshll.u32 v1, $0x1;
	v6 =	vld.idx.msk [tilespmem:v10+s3+$0x0], $0xffff  }
.Ltmp0:
0x55: {  	v8 =	vshll.u32 v2, $0x1;
	v1 =	vld.idx.msk [tilespmem:v12+s3+$0x0], $0xffff;
	(pc) =	sbr.rel @p0 .LBB2_2-.Ltmp0, $4  }
0x56: {  	v4 =	vshll.u32 v4, $0x1;
	v0 =	vld.idx.msk [tilespmem:v13+s3+$0x0], $0xffff  }
0x57: {  	v7 =	vshll.u32 v3, $0x1;
	v2 =	vld.idx.msk [tilespmem:v14+s3+$0x0], $0xffff  }
0x58: {  	v3 =	vshll.u32 v18, $0x1;
	v5 =	vld.idx.msk [tilespmem:v15+s3+$0x0], $0xffff  }
0x59: {  	s23 =	sadd.s32 $0x100, s23;
	v12 =	vadd.s32 v17, v19;
	v10 =	vld.idx.msk [tilespmem:v16+s3+$0x0], $0xffff  }
0x5a: {  	[tilespmem:s21+$0xFFFFFFC0] =	vst v12;
	v6 =	vadd.s32 v11, v6  }
0x5b: {  	v1 =	vadd.s32 v9, v1;
	[tilespmem:s21+$0xFFFFFFD0] =	vst v6  }
0x5c: {  	[tilespmem:s21+$0xFFFFFFE0] =	vst v1;
	v0 =	vadd.s32 v8, v0  }
0x5d: {  	[tilespmem:s21+$0xFFFFFFF0] =	vst v0;
	v61 =	vadd.s32 v4, v2  }
0x5e: {  	[tilespmem:s21+$0x0] =	vst v61;
	v62 =	vadd.s32 v7, v5  }
0x5f: {  	s22 =	simm.s32 $0x12780;
	[tilespmem:s21+$0x10] =	vst v62;
	v63 =	vadd.s32 v3, v10  }
0x60: {  	s24 =	sadd.s32 $0x0, s6;
	s23 =	simm.s32 $0x12880;
	[tilespmem:s21+$0x20] =	vst v63;
	s21 =	simm.s32 $0x10  }
.LBB2_4:
0x61: {  	[hbm4b:s24+s3] =	stream.linear.scatter [tilespmem:s22], [sflag:$0x3], $0x80, $0x38;
	[tilespmem:$0x15980] =	vst v63  }
0x62: {  	s24 =	smov.u32 s21;
	s22 =	smov.u32 s23;
	p0 =	sne.s32 s21, $0x310  }
.Ltmp1:
0x63: {  	s21 =	sadd.s32 $0x10, s21;
	(pc) =	sbr.rel @p0 .LBB2_4-.Ltmp1, $2  }
0x64: {  	_ =	sdelay $0x2  }
0x65: {  	s23 =	sadd.s32 $0x100, s23;
	s24 =	sadd.s32 s24, s6  }
0x66: {  	[hbm4b:s24+s3] =	stream.linear.scatter [tilespmem:s22], [sflag:$0x3], $0x80, $0x38;
	[tilespmem:$0x15980] =	vst v63  }
0x67: {  	_ = 	snop  }
0x68: {  	[tilespmem:s14], [sflag:$0x1] =	stream.linear.gather [hbm4b:s7+s3], $0x3200, $0x38;
	[tilespmem:$0x15980] =	vst v63  }
0x69: {  	_ =	swait.ge [sflag:s17], $0x3200  }
0x6a: {  	[sflag:s17] =	ssyncset.done $0x0  }
0x6b: {  	s21 =	simm.s32 $0xF670;
	[sflag:s17] =	ssyncadd.s32 $0xFFFFCE00  }
0x6c: {  	v0 =	vld [tilespmem:s21+$0xFFFFFF80]  }
0x6d: {  	v1 =	vld [tilespmem:s21+$0x0]  }
0x6e: {  	v2 =	vld [tilespmem:s21+$0xFFFFFF20]  }
0x6f: {  	v3 =	vld [tilespmem:s21+$0xFFFFFF30]  }
0x70: {  	v4 =	vld [tilespmem:s21+$0xFFFFFF40]  }
0x71: {  	v5 =	vld [tilespmem:s21+$0xFFFFFF50]  }
0x72: {  	v6 =	vld [tilespmem:s21+$0xFFFFFF60]  }
0x73: {  	v7 =	vld [tilespmem:s21+$0xFFFFFF70]  }
0x74: {  	v9 =	vld [tilespmem:s21+$0xFFFFFF90]  }
0x75: {  	v10 =	vld [tilespmem:s21+$0xFFFFFFA0]  }
0x76: {  	v11 =	vld [tilespmem:s21+$0xFFFFFFB0]  }
0x77: {  	v12 =	vld [tilespmem:s21+$0xFFFFFFC0]  }
0x78: {  	v13 =	vld [tilespmem:s21+$0xFFFFFFD0]  }
0x79: {  	v14 =	vld [tilespmem:s21+$0xFFFFFFE0]  }
0x7a: {  	v15 =	vld [tilespmem:s21+$0xFFFFFFF0]  }
0x7b: {  	v0 =	vld.idx.msk [tilespmem:v0+s3+$0x0], $0xffff  }
0x7c: {  	v8 =	vld.idx.msk [tilespmem:v1+s3+$0x0], $0xffff  }
0x7d: {  	v1 =	vld [tilespmem:s21+$0xFFFFFF10]  }
0x7e: {  	v2 =	vld.idx.msk [tilespmem:v2+s3+$0x0], $0xffff  }
0x7f: {  	v3 =	vld.idx.msk [tilespmem:v3+s3+$0x0], $0xffff  }
0x80: {  	v4 =	vld.idx.msk [tilespmem:v4+s3+$0x0], $0xffff  }
0x81: {  	v5 =	vld.idx.msk [tilespmem:v5+s3+$0x0], $0xffff  }
0x82: {  	v17 =	vld.idx.msk [tilespmem:v6+s3+$0x0], $0xffff  }
0x83: {  	v18 =	vld.idx.msk [tilespmem:v7+s3+$0x0], $0xffff  }
0x84: {  	v19 =	vld.idx.msk [tilespmem:v9+s3+$0x0], $0xffff  }
0x85: {  	v16 =	vld.idx.msk [tilespmem:v1+s3+$0x0], $0xffff  }
0x86: {  	v6 =	vld.idx.msk [tilespmem:v10+s3+$0x0], $0xffff  }
0x87: {  	v7 =	vshll.u32 v0, $0x1;
	v0 =	vld.idx.msk [tilespmem:v12+s3+$0x0], $0xffff  }
0x88: {  	v1 =	vld.idx.msk [tilespmem:v11+s3+$0x0], $0xffff  }
0x89: {  	v7 =	vadd.s32 v7, v8;
	v8 =	vshll.u32 v4, $0x1;
	v4 =	vshll.u32 v5, $0x1;
	v5 =	vld.idx.msk [tilespmem:v14+s3+$0x0], $0xffff  }
0x8a: {  	s21 =	simm.s32 $0x12870;
	v9 =	vshll.u32 v3, $0x1;
	v11 =	vshll.u32 v2, $0x1;
	v2 =	vld.idx.msk [tilespmem:v13+s3+$0x0], $0xffff;
	v10 =	vshll.u32 v16, $0x1  }
0x8b: {  	s22 =	simm.s32 $0x0;
	s23 =	simm.s32 $0xF770;
	v3 =	vshll.u32 v18, $0x1;
	[tilespmem:s21+$0x0] =	vst v7;
	v7 =	vshll.u32 v17, $0x1;
	v12 =	vadd.s32 v10, v19;
	v10 =	vld.idx.msk [tilespmem:v15+s3+$0x0], $0xffff  }
.LBB2_6:
0x8c: {  	v13 =	vld [tilespmem:s23+$0xFFFFFF80];
	s22 =	sadd.s32 $0x80, s22;
	[tilespmem:s21+$0xFFFFFF90] =	vst v12;
	v6 =	vadd.s32 v11, v6  }
0x8d: {  	v1 =	vadd.s32 v9, v1;
	v11 =	vld [tilespmem:s23+$0x0];
	p0 =	slt.u32 s22, $0x1880;
	[tilespmem:s21+$0xFFFFFFA0] =	vst v6  }
0x8e: {  	v0 =	vadd.s32 v8, v0;
	v6 =	vld [tilespmem:s23+$0xFFFFFF20];
	[tilespmem:s21+$0xFFFFFFB0] =	vst v1  }
0x8f: {  	v1 =	vld [tilespmem:s23+$0xFFFFFF30];
	[tilespmem:s21+$0xFFFFFFC0] =	vst v0;
	v0 =	vadd.s32 v4, v2  }
0x90: {  	v2 =	vld [tilespmem:s23+$0xFFFFFF40];
	[tilespmem:s21+$0xFFFFFFD0] =	vst v0;
	v0 =	vadd.s32 v7, v5  }
0x91: {  	v4 =	vld [tilespmem:s23+$0xFFFFFF50];
	[tilespmem:s21+$0xFFFFFFE0] =	vst v0;
	v0 =	vadd.s32 v3, v10  }
0x92: {  	v3 =	vld [tilespmem:s23+$0xFFFFFF60];
	[tilespmem:s21+$0xFFFFFFF0] =	vst v0  }
0x93: {  	v0 =	vld [tilespmem:s23+$0xFFFFFF70]  }
0x94: {  	v5 =	vld.idx.msk [tilespmem:v13+s3+$0x0], $0xffff  }
0x95: {  	v7 =	vld.idx.msk [tilespmem:v11+s3+$0x0], $0xffff  }
0x96: {  	v8 =	vld [tilespmem:s23+$0xFFFFFF10]  }
0x97: {  	v9 =	vld [tilespmem:s23+$0xFFFFFF90]  }
0x98: {  	v10 =	vld [tilespmem:s23+$0xFFFFFFA0]  }
0x99: {  	v12 =	vld [tilespmem:s23+$0xFFFFFFB0]  }
0x9a: {  	v5 =	vshll.u32 v5, $0x1;
	v13 =	vld [tilespmem:s23+$0xFFFFFFC0]  }
0x9b: {  	s21 =	sadd.s32 $0x100, s21;
	v5 =	vadd.s32 v5, v7;
	v14 =	vld [tilespmem:s23+$0xFFFFFFD0]  }
0x9c: {  	v15 =	vld [tilespmem:s23+$0xFFFFFFE0];
	[tilespmem:s21+$0x0] =	vst v5  }
0x9d: {  	v16 =	vld [tilespmem:s23+$0xFFFFFFF0]  }
0x9e: {  	v5 =	vld.idx.msk [tilespmem:v8+s3+$0x0], $0xffff  }
0x9f: {  	v6 =	vld.idx.msk [tilespmem:v6+s3+$0x0], $0xffff  }
0xa0: {  	v1 =	vld.idx.msk [tilespmem:v1+s3+$0x0], $0xffff  }
0xa1: {  	v2 =	vld.idx.msk [tilespmem:v2+s3+$0x0], $0xffff  }
0xa2: {  	v4 =	vld.idx.msk [tilespmem:v4+s3+$0x0], $0xffff  }
0xa3: {  	v3 =	vld.idx.msk [tilespmem:v3+s3+$0x0], $0xffff  }
0xa4: {  	v17 =	vshll.u32 v5, $0x1;
	v18 =	vld.idx.msk [tilespmem:v0+s3+$0x0], $0xffff  }
0xa5: {  	v11 =	vshll.u32 v6, $0x1;
	v19 =	vld.idx.msk [tilespmem:v9+s3+$0x0], $0xffff  }
0xa6: {  	v9 =	vshll.u32 v1, $0x1;
	v6 =	vld.idx.msk [tilespmem:v10+s3+$0x0], $0xffff  }
.Ltmp2:
0xa7: {  	v8 =	vshll.u32 v2, $0x1;
	v1 =	vld.idx.msk [tilespmem:v12+s3+$0x0], $0xffff;
	(pc) =	sbr.rel @p0 .LBB2_6-.Ltmp2, $4  }
0xa8: {  	v4 =	vshll.u32 v4, $0x1;
	v0 =	vld.idx.msk [tilespmem:v13+s3+$0x0], $0xffff  }
0xa9: {  	v7 =	vshll.u32 v3, $0x1;
	v2 =	vld.idx.msk [tilespmem:v14+s3+$0x0], $0xffff  }
0xaa: {  	v3 =	vshll.u32 v18, $0x1;
	v5 =	vld.idx.msk [tilespmem:v15+s3+$0x0], $0xffff  }
0xab: {  	s23 =	sadd.s32 $0x100, s23;
	v12 =	vadd.s32 v17, v19;
	v10 =	vld.idx.msk [tilespmem:v16+s3+$0x0], $0xffff  }
0xac: {  	[tilespmem:s21+$0xFFFFFF90] =	vst v12;
	v6 =	vadd.s32 v11, v6  }
0xad: {  	v1 =	vadd.s32 v9, v1;
	[tilespmem:s21+$0xFFFFFFA0] =	vst v6  }
0xae: {  	[tilespmem:s21+$0xFFFFFFB0] =	vst v1;
	v0 =	vadd.s32 v8, v0  }
0xaf: {  	[tilespmem:s21+$0xFFFFFFC0] =	vst v0;
	v61 =	vadd.s32 v4, v2  }
0xb0: {  	[tilespmem:s21+$0xFFFFFFD0] =	vst v61;
	v62 =	vadd.s32 v7, v5  }
0xb1: {  	s22 =	simm.s32 $0x12800;
	[tilespmem:s21+$0xFFFFFFE0] =	vst v62;
	v63 =	vadd.s32 v3, v10  }
0xb2: {  	s24 =	sadd.s32 $0x0, s8;
	s23 =	simm.s32 $0x12900;
	[tilespmem:s21+$0xFFFFFFF0] =	vst v63;
	s21 =	simm.s32 $0x10  }
.LBB2_8:
0xb3: {  	[hbm4b:s24+s3] =	stream.linear.scatter [tilespmem:s22], [sflag:$0x4], $0x80, $0x38;
	[tilespmem:$0x15980] =	vst v63  }
0xb4: {  	s24 =	smov.u32 s21;
	s22 =	smov.u32 s23;
	p0 =	sne.s32 s21, $0x310  }
.Ltmp3:
0xb5: {  	s21 =	sadd.s32 $0x10, s21;
	(pc) =	sbr.rel @p0 .LBB2_8-.Ltmp3, $2  }
0xb6: {  	_ =	sdelay $0x2  }
0xb7: {  	s23 =	sadd.s32 $0x100, s23;
	s24 =	sadd.s32 s24, s8  }
0xb8: {  	[hbm4b:s24+s3] =	stream.linear.scatter [tilespmem:s22], [sflag:$0x4], $0x80, $0x38;
	[tilespmem:$0x15980] =	vst v63  }
0xb9: {  	_ = 	snop  }
0xba: {  	[tilespmem:s15], [sflag:$0x2] =	stream.linear.gather [hbm4b:s9+s3], $0x3200, $0x38;
	[tilespmem:$0x15980] =	vst v63  }
0xbb: {  	_ =	swait.ge [sflag:s16], $0x3200  }
0xbc: {  	[sflag:s16] =	ssyncset.done $0x0  }
0xbd: {  	[sflag:s16] =	ssyncadd.s32 $0xFFFFCE00  }
0xbe: {  	_ =	swait.ge [sflag:s18], $0x1900  }
0xbf: {  	[sflag:s18] =	ssyncset.done $0x0  }
0xc0: {  	s21 =	simm.s32 $0xC400;
	[sflag:s18] =	ssyncadd.s32 $0xFFFFE700  }
0xc1: {  	v0 =	vld [tilespmem:s21+$0xFFFFFFF0]  }
0xc2: {  	v1 =	vld [tilespmem:s21+$0x70]  }
0xc3: {  	v2 =	vld [tilespmem:s21+$0xFFFFFF90]  }
0xc4: {  	v3 =	vld [tilespmem:s21+$0xFFFFFFA0]  }
0xc5: {  	v4 =	vld [tilespmem:s21+$0xFFFFFFB0]  }
0xc6: {  	v5 =	vld [tilespmem:s21+$0xFFFFFFC0]  }
0xc7: {  	v6 =	vld [tilespmem:s21+$0xFFFFFFD0]  }
0xc8: {  	v7 =	vld [tilespmem:s21+$0xFFFFFFE0]  }
0xc9: {  	v9 =	vld [tilespmem:s21+$0x0]  }
0xca: {  	v10 =	vld [tilespmem:s21+$0x10]  }
0xcb: {  	v11 =	vld [tilespmem:s21+$0x20]  }
0xcc: {  	v12 =	vld [tilespmem:s21+$0x30]  }
0xcd: {  	v13 =	vld [tilespmem:s21+$0x40]  }
0xce: {  	v14 =	vld [tilespmem:s21+$0x50]  }
0xcf: {  	v15 =	vld [tilespmem:s21+$0x60]  }
0xd0: {  	v0 =	vld.idx.msk [tilespmem:v0+s3+$0x0], $0xffff  }
0xd1: {  	v8 =	vld.idx.msk [tilespmem:v1+s3+$0x0], $0xffff  }
0xd2: {  	v1 =	vld [tilespmem:s21+$0xFFFFFF80]  }
0xd3: {  	v2 =	vld.idx.msk [tilespmem:v2+s3+$0x0], $0xffff  }
0xd4: {  	v3 =	vld.idx.msk [tilespmem:v3+s3+$0x0], $0xffff  }
0xd5: {  	v4 =	vld.idx.msk [tilespmem:v4+s3+$0x0], $0xffff  }
0xd6: {  	v5 =	vld.idx.msk [tilespmem:v5+s3+$0x0], $0xffff  }
0xd7: {  	v17 =	vld.idx.msk [tilespmem:v6+s3+$0x0], $0xffff  }
0xd8: {  	v18 =	vld.idx.msk [tilespmem:v7+s3+$0x0], $0xffff  }
0xd9: {  	v19 =	vld.idx.msk [tilespmem:v9+s3+$0x0], $0xffff  }
0xda: {  	v16 =	vld.idx.msk [tilespmem:v1+s3+$0x0], $0xffff  }
0xdb: {  	v6 =	vld.idx.msk [tilespmem:v10+s3+$0x0], $0xffff  }
0xdc: {  	v7 =	vshll.u32 v0, $0x1;
	v0 =	vld.idx.msk [tilespmem:v12+s3+$0x0], $0xffff  }
0xdd: {  	v1 =	vld.idx.msk [tilespmem:v11+s3+$0x0], $0xffff  }
0xde: {  	v7 =	vadd.s32 v7, v8;
	v8 =	vshll.u32 v4, $0x1;
	v4 =	vshll.u32 v5, $0x1;
	v5 =	vld.idx.msk [tilespmem:v14+s3+$0x0], $0xffff  }
0xdf: {  	s21 =	simm.s32 $0x127C0;
	v9 =	vshll.u32 v3, $0x1;
	v11 =	vshll.u32 v2, $0x1;
	v2 =	vld.idx.msk [tilespmem:v13+s3+$0x0], $0xffff;
	v10 =	vshll.u32 v16, $0x1  }
0xe0: {  	s22 =	simm.s32 $0x0;
	s23 =	simm.s32 $0xC500;
	v3 =	vshll.u32 v18, $0x1;
	[tilespmem:s21+$0x30] =	vst v7;
	v7 =	vshll.u32 v17, $0x1;
	v12 =	vadd.s32 v10, v19;
	v10 =	vld.idx.msk [tilespmem:v15+s3+$0x0], $0xffff  }
.LBB2_10:
0xe1: {  	v13 =	vld [tilespmem:s23+$0xFFFFFFF0];
	s22 =	sadd.s32 $0x80, s22;
	[tilespmem:s21+$0xFFFFFFC0] =	vst v12;
	v6 =	vadd.s32 v11, v6  }
0xe2: {  	v1 =	vadd.s32 v9, v1;
	v11 =	vld [tilespmem:s23+$0x70];
	p0 =	slt.u32 s22, $0x1880;
	[tilespmem:s21+$0xFFFFFFD0] =	vst v6  }
0xe3: {  	v0 =	vadd.s32 v8, v0;
	v6 =	vld [tilespmem:s23+$0xFFFFFF90];
	[tilespmem:s21+$0xFFFFFFE0] =	vst v1  }
0xe4: {  	v1 =	vld [tilespmem:s23+$0xFFFFFFA0];
	[tilespmem:s21+$0xFFFFFFF0] =	vst v0;
	v0 =	vadd.s32 v4, v2  }
0xe5: {  	v2 =	vld [tilespmem:s23+$0xFFFFFFB0];
	[tilespmem:s21+$0x0] =	vst v0;
	v0 =	vadd.s32 v7, v5  }
0xe6: {  	v4 =	vld [tilespmem:s23+$0xFFFFFFC0];
	[tilespmem:s21+$0x10] =	vst v0;
	v0 =	vadd.s32 v3, v10  }
0xe7: {  	v3 =	vld [tilespmem:s23+$0xFFFFFFD0];
	[tilespmem:s21+$0x20] =	vst v0  }
0xe8: {  	v0 =	vld [tilespmem:s23+$0xFFFFFFE0]  }
0xe9: {  	v5 =	vld.idx.msk [tilespmem:v13+s3+$0x0], $0xffff  }
0xea: {  	v7 =	vld.idx.msk [tilespmem:v11+s3+$0x0], $0xffff  }
0xeb: {  	v8 =	vld [tilespmem:s23+$0xFFFFFF80]  }
0xec: {  	v9 =	vld [tilespmem:s23+$0x0]  }
0xed: {  	v10 =	vld [tilespmem:s23+$0x10]  }
0xee: {  	v12 =	vld [tilespmem:s23+$0x20]  }
0xef: {  	v5 =	vshll.u32 v5, $0x1;
	v13 =	vld [tilespmem:s23+$0x30]  }
0xf0: {  	s21 =	sadd.s32 $0x100, s21;
	v5 =	vadd.s32 v5, v7;
	v14 =	vld [tilespmem:s23+$0x40]  }
0xf1: {  	v15 =	vld [tilespmem:s23+$0x50];
	[tilespmem:s21+$0x30] =	vst v5  }
0xf2: {  	v16 =	vld [tilespmem:s23+$0x60]  }
0xf3: {  	v5 =	vld.idx.msk [tilespmem:v8+s3+$0x0], $0xffff  }
0xf4: {  	v6 =	vld.idx.msk [tilespmem:v6+s3+$0x0], $0xffff  }
0xf5: {  	v1 =	vld.idx.msk [tilespmem:v1+s3+$0x0], $0xffff  }
0xf6: {  	v2 =	vld.idx.msk [tilespmem:v2+s3+$0x0], $0xffff  }
0xf7: {  	v4 =	vld.idx.msk [tilespmem:v4+s3+$0x0], $0xffff  }
0xf8: {  	v3 =	vld.idx.msk [tilespmem:v3+s3+$0x0], $0xffff  }
0xf9: {  	v17 =	vshll.u32 v5, $0x1;
	v18 =	vld.idx.msk [tilespmem:v0+s3+$0x0], $0xffff  }
0xfa: {  	v11 =	vshll.u32 v6, $0x1;
	v19 =	vld.idx.msk [tilespmem:v9+s3+$0x0], $0xffff  }
0xfb: {  	v9 =	vshll.u32 v1, $0x1;
	v6 =	vld.idx.msk [tilespmem:v10+s3+$0x0], $0xffff  }
.Ltmp4:
0xfc: {  	v8 =	vshll.u32 v2, $0x1;
	v1 =	vld.idx.msk [tilespmem:v12+s3+$0x0], $0xffff;
	(pc) =	sbr.rel @p0 .LBB2_10-.Ltmp4, $4  }
0xfd: {  	v4 =	vshll.u32 v4, $0x1;
	v0 =	vld.idx.msk [tilespmem:v13+s3+$0x0], $0xffff  }
0xfe: {  	v7 =	vshll.u32 v3, $0x1;
	v2 =	vld.idx.msk [tilespmem:v14+s3+$0x0], $0xffff  }
0xff: {  	v3 =	vshll.u32 v18, $0x1;
	v5 =	vld.idx.msk [tilespmem:v15+s3+$0x0], $0xffff  }
0x100: {  	s23 =	sadd.s32 $0x100, s23;
	v12 =	vadd.s32 v17, v19;
	v10 =	vld.idx.msk [tilespmem:v16+s3+$0x0], $0xffff  }
0x101: {  	[tilespmem:s21+$0xFFFFFFC0] =	vst v12;
	v6 =	vadd.s32 v11, v6  }
0x102: {  	v1 =	vadd.s32 v9, v1;
	[tilespmem:s21+$0xFFFFFFD0] =	vst v6  }
0x103: {  	[tilespmem:s21+$0xFFFFFFE0] =	vst v1;
	v0 =	vadd.s32 v8, v0  }
0x104: {  	[tilespmem:s21+$0xFFFFFFF0] =	vst v0;
	v61 =	vadd.s32 v4, v2  }
0x105: {  	[tilespmem:s21+$0x0] =	vst v61;
	v62 =	vadd.s32 v7, v5  }
0x106: {  	s22 =	simm.s32 $0x12780;
	[tilespmem:s21+$0x10] =	vst v62;
	v63 =	vadd.s32 v3, v10  }
0x107: {  	s24 =	sadd.s32 $0x0, s10;
	s23 =	simm.s32 $0x12880;
	[tilespmem:s21+$0x20] =	vst v63;
	s21 =	simm.s32 $0x10  }
.LBB2_12:
0x108: {  	[hbm4b:s24+s3] =	stream.linear.scatter [tilespmem:s22], [sflag:$0x3], $0x80, $0x38;
	[tilespmem:$0x15980] =	vst v63  }
0x109: {  	s24 =	smov.u32 s21;
	s22 =	smov.u32 s23;
	p0 =	sne.s32 s21, $0x310  }
.Ltmp5:
0x10a: {  	s21 =	sadd.s32 $0x10, s21;
	(pc) =	sbr.rel @p0 .LBB2_12-.Ltmp5, $2  }
0x10b: {  	_ =	sdelay $0x2  }
0x10c: {  	s23 =	sadd.s32 $0x100, s23;
	s24 =	sadd.s32 s24, s10  }
0x10d: {  	[hbm4b:s24+s3] =	stream.linear.scatter [tilespmem:s22], [sflag:$0x3], $0x80, $0x38;
	[tilespmem:$0x15980] =	vst v63  }
0x10e: {  	_ =	swait.ge [sflag:s17], $0x3200  }
0x10f: {  	[sflag:s17] =	ssyncset.done $0x0  }
0x110: {  	[sflag:s17] =	ssyncadd.s32 $0xFFFFCE00  }
0x111: {  	_ =	swait.ge [sflag:s19], $0x1900  }
0x112: {  	[sflag:s19] =	ssyncset.done $0x0  }
0x113: {  	s21 =	simm.s32 $0xF670;
	[sflag:s19] =	ssyncadd.s32 $0xFFFFE700  }
0x114: {  	v0 =	vld [tilespmem:s21+$0xFFFFFF80]  }
0x115: {  	v1 =	vld [tilespmem:s21+$0x0]  }
0x116: {  	v2 =	vld [tilespmem:s21+$0xFFFFFF20]  }
0x117: {  	v3 =	vld [tilespmem:s21+$0xFFFFFF30]  }
0x118: {  	v4 =	vld [tilespmem:s21+$0xFFFFFF40]  }
0x119: {  	v5 =	vld [tilespmem:s21+$0xFFFFFF50]  }
0x11a: {  	v6 =	vld [tilespmem:s21+$0xFFFFFF60]  }
0x11b: {  	v7 =	vld [tilespmem:s21+$0xFFFFFF70]  }
0x11c: {  	v9 =	vld [tilespmem:s21+$0xFFFFFF90]  }
0x11d: {  	v10 =	vld [tilespmem:s21+$0xFFFFFFA0]  }
0x11e: {  	v11 =	vld [tilespmem:s21+$0xFFFFFFB0]  }
0x11f: {  	v12 =	vld [tilespmem:s21+$0xFFFFFFC0]  }
0x120: {  	v13 =	vld [tilespmem:s21+$0xFFFFFFD0]  }
0x121: {  	v14 =	vld [tilespmem:s21+$0xFFFFFFE0]  }
0x122: {  	v15 =	vld [tilespmem:s21+$0xFFFFFFF0]  }
0x123: {  	v0 =	vld.idx.msk [tilespmem:v0+s3+$0x0], $0xffff  }
0x124: {  	v8 =	vld.idx.msk [tilespmem:v1+s3+$0x0], $0xffff  }
0x125: {  	v1 =	vld [tilespmem:s21+$0xFFFFFF10]  }
0x126: {  	v2 =	vld.idx.msk [tilespmem:v2+s3+$0x0], $0xffff  }
0x127: {  	v3 =	vld.idx.msk [tilespmem:v3+s3+$0x0], $0xffff  }
0x128: {  	v4 =	vld.idx.msk [tilespmem:v4+s3+$0x0], $0xffff  }
0x129: {  	v5 =	vld.idx.msk [tilespmem:v5+s3+$0x0], $0xffff  }
0x12a: {  	v17 =	vld.idx.msk [tilespmem:v6+s3+$0x0], $0xffff  }
0x12b: {  	v18 =	vld.idx.msk [tilespmem:v7+s3+$0x0], $0xffff  }
0x12c: {  	v19 =	vld.idx.msk [tilespmem:v9+s3+$0x0], $0xffff  }
0x12d: {  	v16 =	vld.idx.msk [tilespmem:v1+s3+$0x0], $0xffff  }
0x12e: {  	v6 =	vld.idx.msk [tilespmem:v10+s3+$0x0], $0xffff  }
0x12f: {  	v7 =	vshll.u32 v0, $0x1;
	v0 =	vld.idx.msk [tilespmem:v12+s3+$0x0], $0xffff  }
0x130: {  	v1 =	vld.idx.msk [tilespmem:v11+s3+$0x0], $0xffff  }
0x131: {  	v7 =	vadd.s32 v7, v8;
	v8 =	vshll.u32 v4, $0x1;
	v4 =	vshll.u32 v5, $0x1;
	v5 =	vld.idx.msk [tilespmem:v14+s3+$0x0], $0xffff  }
0x132: {  	s21 =	simm.s32 $0x12870;
	v9 =	vshll.u32 v3, $0x1;
	v11 =	vshll.u32 v2, $0x1;
	v2 =	vld.idx.msk [tilespmem:v13+s3+$0x0], $0xffff;
	v10 =	vshll.u32 v16, $0x1  }
0x133: {  	s22 =	simm.s32 $0x0;
	s23 =	simm.s32 $0xF770;
	v3 =	vshll.u32 v18, $0x1;
	[tilespmem:s21+$0x0] =	vst v7;
	v7 =	vshll.u32 v17, $0x1;
	v12 =	vadd.s32 v10, v19;
	v10 =	vld.idx.msk [tilespmem:v15+s3+$0x0], $0xffff  }
.LBB2_14:
0x134: {  	v13 =	vld [tilespmem:s23+$0xFFFFFF80];
	s22 =	sadd.s32 $0x80, s22;
	[tilespmem:s21+$0xFFFFFF90] =	vst v12;
	v6 =	vadd.s32 v11, v6  }
0x135: {  	v1 =	vadd.s32 v9, v1;
	v11 =	vld [tilespmem:s23+$0x0];
	p0 =	slt.u32 s22, $0x1880;
	[tilespmem:s21+$0xFFFFFFA0] =	vst v6  }
0x136: {  	v0 =	vadd.s32 v8, v0;
	v6 =	vld [tilespmem:s23+$0xFFFFFF20];
	[tilespmem:s21+$0xFFFFFFB0] =	vst v1  }
0x137: {  	v1 =	vld [tilespmem:s23+$0xFFFFFF30];
	[tilespmem:s21+$0xFFFFFFC0] =	vst v0;
	v0 =	vadd.s32 v4, v2  }
0x138: {  	v2 =	vld [tilespmem:s23+$0xFFFFFF40];
	[tilespmem:s21+$0xFFFFFFD0] =	vst v0;
	v0 =	vadd.s32 v7, v5  }
0x139: {  	v4 =	vld [tilespmem:s23+$0xFFFFFF50];
	[tilespmem:s21+$0xFFFFFFE0] =	vst v0;
	v0 =	vadd.s32 v3, v10  }
0x13a: {  	v3 =	vld [tilespmem:s23+$0xFFFFFF60];
	[tilespmem:s21+$0xFFFFFFF0] =	vst v0  }
0x13b: {  	v0 =	vld [tilespmem:s23+$0xFFFFFF70]  }
0x13c: {  	v5 =	vld.idx.msk [tilespmem:v13+s3+$0x0], $0xffff  }
0x13d: {  	v7 =	vld.idx.msk [tilespmem:v11+s3+$0x0], $0xffff  }
0x13e: {  	v8 =	vld [tilespmem:s23+$0xFFFFFF10]  }
0x13f: {  	v9 =	vld [tilespmem:s23+$0xFFFFFF90]  }
0x140: {  	v10 =	vld [tilespmem:s23+$0xFFFFFFA0]  }
0x141: {  	v12 =	vld [tilespmem:s23+$0xFFFFFFB0]  }
0x142: {  	v5 =	vshll.u32 v5, $0x1;
	v13 =	vld [tilespmem:s23+$0xFFFFFFC0]  }
0x143: {  	s21 =	sadd.s32 $0x100, s21;
	v5 =	vadd.s32 v5, v7;
	v14 =	vld [tilespmem:s23+$0xFFFFFFD0]  }
0x144: {  	v15 =	vld [tilespmem:s23+$0xFFFFFFE0];
	[tilespmem:s21+$0x0] =	vst v5  }
0x145: {  	v16 =	vld [tilespmem:s23+$0xFFFFFFF0]  }
0x146: {  	v5 =	vld.idx.msk [tilespmem:v8+s3+$0x0], $0xffff  }
0x147: {  	v6 =	vld.idx.msk [tilespmem:v6+s3+$0x0], $0xffff  }
0x148: {  	v1 =	vld.idx.msk [tilespmem:v1+s3+$0x0], $0xffff  }
0x149: {  	v2 =	vld.idx.msk [tilespmem:v2+s3+$0x0], $0xffff  }
0x14a: {  	v4 =	vld.idx.msk [tilespmem:v4+s3+$0x0], $0xffff  }
0x14b: {  	v3 =	vld.idx.msk [tilespmem:v3+s3+$0x0], $0xffff  }
0x14c: {  	v17 =	vshll.u32 v5, $0x1;
	v18 =	vld.idx.msk [tilespmem:v0+s3+$0x0], $0xffff  }
0x14d: {  	v11 =	vshll.u32 v6, $0x1;
	v19 =	vld.idx.msk [tilespmem:v9+s3+$0x0], $0xffff  }
0x14e: {  	v9 =	vshll.u32 v1, $0x1;
	v6 =	vld.idx.msk [tilespmem:v10+s3+$0x0], $0xffff  }
.Ltmp6:
0x14f: {  	v8 =	vshll.u32 v2, $0x1;
	v1 =	vld.idx.msk [tilespmem:v12+s3+$0x0], $0xffff;
	(pc) =	sbr.rel @p0 .LBB2_14-.Ltmp6, $4  }
0x150: {  	v4 =	vshll.u32 v4, $0x1;
	v0 =	vld.idx.msk [tilespmem:v13+s3+$0x0], $0xffff  }
0x151: {  	v7 =	vshll.u32 v3, $0x1;
	v2 =	vld.idx.msk [tilespmem:v14+s3+$0x0], $0xffff  }
0x152: {  	v3 =	vshll.u32 v18, $0x1;
	v5 =	vld.idx.msk [tilespmem:v15+s3+$0x0], $0xffff  }
0x153: {  	s23 =	sadd.s32 $0x100, s23;
	v12 =	vadd.s32 v17, v19;
	v10 =	vld.idx.msk [tilespmem:v16+s3+$0x0], $0xffff  }
0x154: {  	[tilespmem:s21+$0xFFFFFF90] =	vst v12;
	v6 =	vadd.s32 v11, v6  }
0x155: {  	v1 =	vadd.s32 v9, v1;
	[tilespmem:s21+$0xFFFFFFA0] =	vst v6  }
0x156: {  	[tilespmem:s21+$0xFFFFFFB0] =	vst v1;
	v0 =	vadd.s32 v8, v0  }
0x157: {  	[tilespmem:s21+$0xFFFFFFC0] =	vst v0;
	v61 =	vadd.s32 v4, v2  }
0x158: {  	[tilespmem:s21+$0xFFFFFFD0] =	vst v61;
	v62 =	vadd.s32 v7, v5  }
0x159: {  	s22 =	simm.s32 $0x12800;
	[tilespmem:s21+$0xFFFFFFE0] =	vst v62;
	v63 =	vadd.s32 v3, v10  }
0x15a: {  	s24 =	sadd.s32 $0x0, s11;
	s23 =	simm.s32 $0x12900;
	[tilespmem:s21+$0xFFFFFFF0] =	vst v63;
	s21 =	simm.s32 $0x10  }
.LBB2_16:
0x15b: {  	[hbm4b:s24+s3] =	stream.linear.scatter [tilespmem:s22], [sflag:$0x4], $0x80, $0x38;
	[tilespmem:$0x15980] =	vst v63  }
0x15c: {  	s24 =	smov.u32 s21;
	s22 =	smov.u32 s23;
	p0 =	sne.s32 s21, $0x310  }
.Ltmp7:
0x15d: {  	s21 =	sadd.s32 $0x10, s21;
	(pc) =	sbr.rel @p0 .LBB2_16-.Ltmp7, $2  }
0x15e: {  	_ =	sdelay $0x2  }
0x15f: {  	s23 =	sadd.s32 $0x100, s23;
	s24 =	sadd.s32 s24, s11  }
0x160: {  	[hbm4b:s24+s3] =	stream.linear.scatter [tilespmem:s22], [sflag:$0x4], $0x80, $0x38;
	[tilespmem:$0x15980] =	vst v63  }
0x161: {  	s20 =	sadd.s32 $0x1, s20  }
0x162: {  	_ =	swait.ge [sflag:s18], $0x1900;
	p0 =	sne.s32 s20, s12  }
.Ltmp8:
0x163: {  	[sflag:s18] =	ssyncset.done $0x0;
	(pc) =	sbr.rel @p0 .LBB2_1-.Ltmp8, $4  }
0x164: {  	[sflag:s18] =	ssyncadd.s32 $0xFFFFE700  }
0x165: {  	_ =	swait.ge [sflag:s19], $0x1900  }
0x166: {  	[sflag:s19] =	ssyncset.done $0x0  }
0x167: {  	[sflag:s19] =	ssyncadd.s32 $0xFFFFE700  }
0x168: {  	_ =	sfence.sel $0x180000  }
0x169: {  	[bflag:$0x0] =	sbarrier.arrive $0xFFFF  }
0x16a: {  	p0 =	sne.s32 s0, $0x0;
	_ =	strace $0x90000047  }
0x16b: {  	s0 =	sadd.s32 @!p0 $0x100000, s2;
	[bflag:$0x2] =	sbarrier.arrive $0xFFFF  }
0x16c: {  	[sflag:s0] =	ssyncadd.tile.s32 @!p0 $0x1;
	_ =	shalt  }
.Lfunc_end2:
_tile_overlayer_lowered:
.L_overlay_start_2:
0x16d: {  	(tag) =	ssettag $0x2  }
0x16e: {  	s0 =	rddreg [dreg:$0x0];
	s2 =	stileid.u32  }
0x16f: {  	s1 =	rddreg [dreg:$0x1];
	p0 =	sne.s32 s2, $0x0  }
0x170: {  	s3 =	rddreg [dreg:$0x2];
	[bflag:$0x3] =	sbarrier.arrive $0xFFFF;
	s2 =	simm.s32 @!p0 $0x1C05  }
0x171: {  	[timem:s3], [sflag:s2] =	dma.local @!p0 [hbm:s0], s1  }
0x172: {  	s0 =	simm.s32 @!p0 $0x5  }
0x173: {  	_ =	swait.ge @!p0 [sflag:s0], s1  }
0x174: {  	s1 =	ssub.s32 @!p0 $0x0, s1;
	[sflag:s0] =	ssyncset.done @!p0 $0x0  }
0x175: {  	[sflag:s0] =	ssyncadd.s32 @!p0 s1  }
0x176: {  	[bflag:$0x3] =	sbarrier.arrive $0xFFFF  }
0x177: {  	_ =	shalt  }

</sc_bundles>
